<compile_context>
chip_gen: v7x
topology: tpu7x:2x2x1
jax: 0.10.2.dev20260603
libtpu: 0.0.44.dev20260713+nightly
codegen_flags: <defaults>
</compile_context>

<pallas_src>
import functools

import jax
import jax.numpy as jnp
from jax import lax
from jax.experimental import pallas as pl
from jax.experimental.pallas import tpu as pltpu
from jax.experimental.pallas import tpu_sc as plsc

B = 16384
NS, NG, NF = 100000, 10000, 1000
DS, DT = 32, 8
KS, KT = 10, 3
DOUT = KS * DS + KT * DT + KT * DT

NC, NSUB = 2, 16
NW = NC * NSUB
BPW = B // NW
L = 16
GRP = BPW // L

_SLOTS = (
    [(i * DS, DS, NS, i) for i in range(KS)]
    + [(KS * DS + j * DT, DT, NG, j) for j in range(KT)]
    + [(KS * DS + KT * DT + j * DT, DT, NF, j) for j in range(KT)]
)


def _sc_body(sids, gids, fids, stab, gtab, ftab, out,
             sraw, graw, fraw, idxv, buf0, buf1, tb0, tb1, sem0, sem1):
    wid = lax.axis_index("s") * NC + lax.axis_index("c")
    base = wid * BPW
    iota = lax.iota(jnp.int32, L)

    pltpu.sync_copy(sids.at[pl.ds(base * KS, BPW * KS)], sraw)
    pltpu.sync_copy(gids.at[pl.ds(base * KT, BPW * KT)], graw)
    pltpu.sync_copy(fids.at[pl.ds(base * KT, BPW * KT)], fraw)

    zcounts = []
    for s, (_, _, nrows, sl) in enumerate(_SLOTS):
        raw, k = (sraw, KS) if s < KS else (
            (graw, KT) if s < KS + KT else (fraw, KT))
        off = sl * nrows

        def gbody(g, zc, raw=raw, off=off, sl=sl, k=k):
            rows = g * L + iota
            v = plsc.load_gather(raw, [rows * k + sl])
            zc = zc + plsc.all_reduce_population_count(v == 0)
            idxv[s, pl.ds(g * L, L)] = v + off
            return zc

        zc = lax.fori_loop(0, GRP, gbody, jnp.zeros((L,), jnp.int32))
        zcounts.append(jnp.max(zc))

    def table_for(s):
        return stab if s < KS else (gtab if s < KS + KT else ftab)

    def buf_for(s):
        big = _SLOTS[s][1] == DS
        pair = (buf0, buf1) if big else (tb0, tb1)
        return pair[s % 2]

    sems = (sem0, sem1)

    def start(s):
        return pltpu.async_copy(
            table_for(s).at[idxv.at[s]], buf_for(s), sems[s % 2])

    cp = start(0)
    for s, (col, d, nrows, sl) in enumerate(_SLOTS):
        cp.wait()
        if s + 1 < len(_SLOTS):
            cp = start(s + 1)
        buf = buf_for(s)
        off = sl * nrows
        zeros = jnp.zeros((L,), jnp.float32)

        @pl.when(zcounts[s] > 0)
        def _(buf=buf, off=off, s=s, d=d, zeros=zeros):
            def gbody(g, _):
                rows = g * L + iota
                m = idxv[s, pl.ds(g * L, L)] == off

                def cbody(c, _):
                    cv = jnp.zeros((L,), jnp.int32) + c
                    plsc.store_scatter(buf, [rows, cv], zeros, mask=m)
                    return 0

                lax.fori_loop(0, d, cbody, 0)
                return 0

            lax.fori_loop(0, GRP, gbody, 0)

        pltpu.sync_copy(buf, out.at[pl.ds(base, BPW), pl.ds(col, d)])


@jax.jit
def _run(sids, gids, fids, stab, gtab, ftab):
    mesh = plsc.VectorSubcoreMesh(core_axis_name="c", subcore_axis_name="s")
    return pl.kernel(
        _sc_body,
        out_type=jax.ShapeDtypeStruct((B, DOUT), jnp.float32),
        mesh=mesh,
        compiler_params=pltpu.CompilerParams(
            use_tc_tiling_on_sc=False, needs_layout_passes=False),
        scratch_types=[
            pltpu.VMEM((BPW * KS,), jnp.int32),
            pltpu.VMEM((BPW * KT,), jnp.int32),
            pltpu.VMEM((BPW * KT,), jnp.int32),
            pltpu.VMEM((len(_SLOTS), BPW), jnp.int32),
            pltpu.VMEM((BPW, DS), jnp.float32),
            pltpu.VMEM((BPW, DS), jnp.float32),
            pltpu.VMEM((BPW, DT), jnp.float32),
            pltpu.VMEM((BPW, DT), jnp.float32),
            pltpu.SemaphoreType.DMA,
            pltpu.SemaphoreType.DMA,
        ],
    )(sids, gids, fids, stab, gtab, ftab)


def kernel(species_ids, genus_ids, family_ids, species_tables, genus_tables,
           family_tables):
    return _run(
        species_ids.reshape(-1).astype(jnp.int32),
        genus_ids.reshape(-1).astype(jnp.int32),
        family_ids.reshape(-1).astype(jnp.int32),
        species_tables.reshape(KS * NS, DS),
        genus_tables.reshape(KT * NG, DT),
        family_tables.reshape(KT * NF, DT),
    )

# --- scband reference (transcript-rebuilt; emitter-appended) ---
"""Pipeline reference for scband-species-embedding-module-29180007809678 (READ-ONLY COPY).

The authoritative reference and input builder live on the scoring server;
editing this copy changes nothing except your own understanding.
"""

import jax, jax.numpy as jnp
import numpy as np

B = 16384
NS, NG, NF = 100000, 10000, 1000
DS, DT = 32, 8
KS, KT = 10, 3


def setup_inputs(seed: int = 0) -> dict:
    key = jax.random.key(seed)
    ks = jax.random.split(key, 6)
    species_ids = jax.random.randint(ks[0], (B, KS), 0, NS)
    genus_ids = jax.random.randint(ks[1], (B, KT), 0, NG)
    family_ids = jax.random.randint(ks[2], (B, KT), 0, NF)
    species_tables = jax.random.normal(ks[3], (KS, NS, DS), dtype=jnp.float32) * 0.02
    genus_tables = jax.random.normal(ks[4], (KT, NG, DT), dtype=jnp.float32) * 0.02
    family_tables = jax.random.normal(ks[5], (KT, NF, DT), dtype=jnp.float32) * 0.02
    return {
        "species_ids": species_ids,
        "genus_ids": genus_ids,
        "family_ids": family_ids,
        "species_tables": species_tables,
        "genus_tables": genus_tables,
        "family_tables": family_tables,
    }


def reference(species_ids, genus_ids, family_ids, species_tables, genus_tables, family_tables):
    # Per-slot embedding tables, padding_idx=0 (row 0 forced to zeros).
    outs = []
    for i in range(KS):
        tbl = species_tables[i].at[0].set(0.0)
        outs.append(jnp.take(tbl, species_ids[:, i], axis=0))
    for i in range(KT):
        tbl = genus_tables[i].at[0].set(0.0)
        outs.append(jnp.take(tbl, genus_ids[:, i], axis=0))
    for i in range(KT):
        tbl = family_tables[i].at[0].set(0.0)
        outs.append(jnp.take(tbl, family_ids[:, i], axis=0))
    return jnp.concatenate(outs, axis=1)

if __name__ == "__main__":
    import jax
    _d = setup_inputs()
    print(jax.jit(kernel)(*tuple(_d.values())))

</pallas_src>

<mosaic_0001>
#map = affine_map<(d0, d1) -> (0)>
#map1 = affine_map<(d0, d1) -> (0, 0)>
module attributes {stable_mosaic.version = 14 : i64} {
  func.func @_sc_body(%arg0: i32, %arg1: i32, %arg2: memref<163840xi32, #tpu.memory_space<hbm>>, %arg3: memref<49152xi32, #tpu.memory_space<hbm>>, %arg4: memref<49152xi32, #tpu.memory_space<hbm>>, %arg5: memref<1000000x32xf32, #tpu.memory_space<hbm>>, %arg6: memref<30000x8xf32, #tpu.memory_space<hbm>>, %arg7: memref<3000x8xf32, #tpu.memory_space<hbm>>, %arg8: memref<16384x368xf32, #tpu.memory_space<hbm>>, %arg9: memref<5120xi32, #tpu.memory_space<vmem>>, %arg10: memref<1536xi32, #tpu.memory_space<vmem>>, %arg11: memref<1536xi32, #tpu.memory_space<vmem>>, %arg12: memref<16x512xi32, #tpu.memory_space<vmem>>, %arg13: memref<512x32xf32, #tpu.memory_space<vmem>>, %arg14: memref<512x32xf32, #tpu.memory_space<vmem>>, %arg15: memref<512x8xf32, #tpu.memory_space<vmem>>, %arg16: memref<512x8xf32, #tpu.memory_space<vmem>>, %arg17: memref<!tpu.dma_semaphore, #tpu.memory_space<semaphore_mem>>, %arg18: memref<!tpu.dma_semaphore, #tpu.memory_space<semaphore_mem>>) attributes {dimension_semantics = [#tpu.dimension_semantics<core_parallel>, #tpu.dimension_semantics<subcore_parallel>], iteration_bounds = array<i64: 2, 16>, scalar_prefetch = 0 : i64, scratch_operands = 10 : i64, tpu.core_type = #tpu.core_type<sc_vector_subcore>, window_params = [{transform_indices = #map}, {transform_indices = #map}, {transform_indices = #map}, {transform_indices = #map1}, {transform_indices = #map1}, {transform_indices = #map1}, {transform_indices = #map1}]} {
    %mul3A = arith.constant 2 : i32
    %mul3A_0 = arith.muli %arg1, %mul3A : i32
    %add3A = arith.addi %mul3A_0, %arg0 : i32
    %mul3A_1 = arith.constant 512 : i32
    %mul3A_2 = arith.muli %add3A, %mul3A_1 : i32
    %iota3A = tpu.iota {dimensions = array<i32: 0>} : vector<16xi32>
    %mul3A_3 = arith.constant 10 : i32
    %mul3A_4 = arith.muli %mul3A_2, %mul3A_3 : i32
    "tpu.region"() ({
      %run_scoped3A = tpu.sem_alloc : memref<!tpu.dma_semaphore, #tpu.memory_space<semaphore_mem>>
      %dma_start3A_593 = tpu.memref_slice %arg2[%mul3A_4] : memref<163840xi32, #tpu.memory_space<hbm>> -> memref<5120xi32, #tpu.memory_space<hbm>>
      %dma_start3A_594 = tpu.memref_slice %arg2[%mul3A_4] : memref<163840xi32, #tpu.memory_space<hbm>> -> memref<5120xi32, #tpu.memory_space<hbm>>
      tpu.enqueue_dma source(%dma_start3A_594 : memref<5120xi32, #tpu.memory_space<hbm>>) target(%arg9 : memref<5120xi32, #tpu.memory_space<vmem>>) target_semaphore(%run_scoped3A : memref<!tpu.dma_semaphore, #tpu.memory_space<semaphore_mem>>)
      %dma_wait3A_595 = tpu.memref_slice %arg2[%mul3A_4] : memref<163840xi32, #tpu.memory_space<hbm>> -> memref<5120xi32, #tpu.memory_space<hbm>>
      %dma_wait3A_596 = tpu.memref_slice %arg2[%mul3A_4] : memref<163840xi32, #tpu.memory_space<hbm>> -> memref<5120xi32, #tpu.memory_space<hbm>>
      tpu.wait_dma2 semaphore(%run_scoped3A : memref<!tpu.dma_semaphore, #tpu.memory_space<semaphore_mem>>) src(%dma_wait3A_596 : memref<5120xi32, #tpu.memory_space<hbm>>) dst(%arg9 : memref<5120xi32, #tpu.memory_space<vmem>>)
      tpu.yield
    }) : () -> ()
    %mul3A_5 = arith.constant 3 : i32
    %mul3A_6 = arith.muli %mul3A_2, %mul3A_5 : i32
    "tpu.region"() ({
      %run_scoped3A = tpu.sem_alloc : memref<!tpu.dma_semaphore, #tpu.memory_space<semaphore_mem>>
      %dma_start3A_593 = tpu.memref_slice %arg3[%mul3A_6] : memref<49152xi32, #tpu.memory_space<hbm>> -> memref<1536xi32, #tpu.memory_space<hbm>>
      %dma_start3A_594 = tpu.memref_slice %arg3[%mul3A_6] : memref<49152xi32, #tpu.memory_space<hbm>> -> memref<1536xi32, #tpu.memory_space<hbm>>
      tpu.enqueue_dma source(%dma_start3A_594 : memref<1536xi32, #tpu.memory_space<hbm>>) target(%arg10 : memref<1536xi32, #tpu.memory_space<vmem>>) target_semaphore(%run_scoped3A : memref<!tpu.dma_semaphore, #tpu.memory_space<semaphore_mem>>)
      %dma_wait3A_595 = tpu.memref_slice %arg3[%mul3A_6] : memref<49152xi32, #tpu.memory_space<hbm>> -> memref<1536xi32, #tpu.memory_space<hbm>>
      %dma_wait3A_596 = tpu.memref_slice %arg3[%mul3A_6] : memref<49152xi32, #tpu.memory_space<hbm>> -> memref<1536xi32, #tpu.memory_space<hbm>>
      tpu.wait_dma2 semaphore(%run_scoped3A : memref<!tpu.dma_semaphore, #tpu.memory_space<semaphore_mem>>) src(%dma_wait3A_596 : memref<1536xi32, #tpu.memory_space<hbm>>) dst(%arg10 : memref<1536xi32, #tpu.memory_space<vmem>>)
      tpu.yield
    }) : () -> ()
    %mul3A_7 = arith.constant 3 : i32
    %mul3A_8 = arith.muli %mul3A_2, %mul3A_7 : i32
    "tpu.region"() ({
      %run_scoped3A = tpu.sem_alloc : memref<!tpu.dma_semaphore, #tpu.memory_space<semaphore_mem>>
      %dma_start3A_593 = tpu.memref_slice %arg4[%mul3A_8] : memref<49152xi32, #tpu.memory_space<hbm>> -> memref<1536xi32, #tpu.memory_space<hbm>>
      %dma_start3A_594 = tpu.memref_slice %arg4[%mul3A_8] : memref<49152xi32, #tpu.memory_space<hbm>> -> memref<1536xi32, #tpu.memory_space<hbm>>
      tpu.enqueue_dma source(%dma_start3A_594 : memref<1536xi32, #tpu.memory_space<hbm>>) target(%arg11 : memref<1536xi32, #tpu.memory_space<vmem>>) target_semaphore(%run_scoped3A : memref<!tpu.dma_semaphore, #tpu.memory_space<semaphore_mem>>)
      %dma_wait3A_595 = tpu.memref_slice %arg4[%mul3A_8] : memref<49152xi32, #tpu.memory_space<hbm>> -> memref<1536xi32, #tpu.memory_space<hbm>>
      %dma_wait3A_596 = tpu.memref_slice %arg4[%mul3A_8] : memref<49152xi32, #tpu.memory_space<hbm>> -> memref<1536xi32, #tpu.memory_space<hbm>>
      tpu.wait_dma2 semaphore(%run_scoped3A : memref<!tpu.dma_semaphore, #tpu.memory_space<semaphore_mem>>) src(%dma_wait3A_596 : memref<1536xi32, #tpu.memory_space<hbm>>) dst(%arg11 : memref<1536xi32, #tpu.memory_space<vmem>>)
      tpu.yield
    }) : () -> ()
    %broadcast_in_dim3A = arith.constant 0 : i32
    %broadcast_in_dim3A_9 = vector.broadcast %broadcast_in_dim3A : i32 to vector<16xi32>
    %scan3A = arith.constant 0 : i32
    %scan3A_10 = arith.constant 32 : i32
    %scan3A_11 = arith.addi %scan3A, %scan3A_10 : i32
    %scan3A_12 = arith.constant 1 : i32
    %scan3A_13 = scf.for %scan3A_593 = %scan3A to %scan3A_11 step %scan3A_12 iter_args(%scan3A_594 = %broadcast_in_dim3A_9) -> (vector<16xi32>)  : i32 {
      %mul3A_595 = arith.constant 16 : i32
      %mul3A_596 = arith.muli %scan3A_593, %mul3A_595 : i32
      %add3A_597 = vector.broadcast %mul3A_596 : i32 to vector<16xi32>
      %add3A_598 = arith.addi %add3A_597, %iota3A : vector<16xi32>
      %mul3A_599 = arith.constant 10 : i32
      %mul3A_600 = vector.broadcast %mul3A_599 : i32 to vector<16xi32>
      %mul3A_601 = arith.muli %add3A_598, %mul3A_600 : vector<16xi32>
      %add3A_602 = arith.constant 0 : i32
      %add3A_603 = vector.broadcast %add3A_602 : i32 to vector<16xi32>
      %add3A_604 = arith.addi %mul3A_601, %add3A_603 : vector<16xi32>
      %gather3A = tpu.vector_load_idx %arg9[%add3A_604] : memref<5120xi32, #tpu.memory_space<vmem>>[vector<16xi32>], vector<16xi32>,
      %eq3A = arith.constant 0 : i32
      %eq3A_605 = vector.broadcast %eq3A : i32 to vector<16xi32>
      %eq3A_606 = arith.cmpi eq, %gather3A, %eq3A_605 : vector<16xi32>
      %all_reduce_population_count3A = tpu.all_reduce %eq3A_606 {dim = 0 : i64, kind = #tpu.reduction_kind<sum>} : vector<16xi1> -> vector<16xi32>
      %add3A_607 = arith.addi %scan3A_594, %all_reduce_population_count3A : vector<16xi32>
      %add3A_608 = arith.constant 0 : i32
      %add3A_609 = vector.broadcast %add3A_608 : i32 to vector<16xi32>
      %add3A_610 = arith.addi %gather3A, %add3A_609 : vector<16xi32>
      %mul3A_611 = arith.constant 16 : i32
      %mul3A_612 = arith.muli %scan3A_593, %mul3A_611 : i32
      %swap3A = arith.constant 0 : i32
      %swap3A_613 = arith.index_cast %swap3A : i32 to index
      %swap3A_614 = arith.index_cast %mul3A_612 : i32 to index
      %swap3A_615 = tpu.vector_load %arg12[%swap3A_613, %swap3A_614] {strides = array<i32>} : memref<16x512xi32, #tpu.memory_space<vmem>>, vector<16xi32>,
      tpu.vector_store %arg12[%swap3A_613, %swap3A_614], %add3A_610 {strides = array<i32>} : memref<16x512xi32, #tpu.memory_space<vmem>>, vector<16xi32>,
      scf.yield %add3A_607 : vector<16xi32>
    }
    %scan3A_14 = arith.constant 32 : i32
    %reduce_max3A = arith.constant true
    %reduce_max3A_15 = vector.broadcast %reduce_max3A : i1 to vector<16xi1>
    %reduce_max3A_16 = arith.constant -2147483648 : i32
    %reduce_max3A_17 = vector.broadcast %reduce_max3A_16 : i32 to vector<16xi32>
    %reduce_max3A_18 = arith.xori %scan3A_13, %reduce_max3A_17 : vector<16xi32>
    %reduce_max3A_19 = tpu.scan <max>, %reduce_max3A_18 masked %reduce_max3A_15 : vector<16xi32>, vector<16xi1> -> vector<16xi32>
    %reduce_max3A_20 = arith.xori %reduce_max3A_19, %reduce_max3A_17 : vector<16xi32>
    %reduce_max3A_21 = vector.extract %reduce_max3A_20[15] : i32 from vector<16xi32>
    %broadcast_in_dim3A_22 = arith.constant 0 : i32
    %broadcast_in_dim3A_23 = vector.broadcast %broadcast_in_dim3A_22 : i32 to vector<16xi32>
    %scan3A_24 = arith.constant 0 : i32
    %scan3A_25 = arith.constant 32 : i32
    %scan3A_26 = arith.addi %scan3A_24, %scan3A_25 : i32
    %scan3A_27 = arith.constant 1 : i32
    %scan3A_28 = scf.for %scan3A_593 = %scan3A_24 to %scan3A_26 step %scan3A_27 iter_args(%scan3A_594 = %broadcast_in_dim3A_23) -> (vector<16xi32>)  : i32 {
      %mul3A_595 = arith.constant 16 : i32
      %mul3A_596 = arith.muli %scan3A_593, %mul3A_595 : i32
      %add3A_597 = vector.broadcast %mul3A_596 : i32 to vector<16xi32>
      %add3A_598 = arith.addi %add3A_597, %iota3A : vector<16xi32>
      %mul3A_599 = arith.constant 10 : i32
      %mul3A_600 = vector.broadcast %mul3A_599 : i32 to vector<16xi32>
      %mul3A_601 = arith.muli %add3A_598, %mul3A_600 : vector<16xi32>
      %add3A_602 = arith.constant 1 : i32
      %add3A_603 = vector.broadcast %add3A_602 : i32 to vector<16xi32>
      %add3A_604 = arith.addi %mul3A_601, %add3A_603 : vector<16xi32>
      %gather3A = tpu.vector_load_idx %arg9[%add3A_604] : memref<5120xi32, #tpu.memory_space<vmem>>[vector<16xi32>], vector<16xi32>,
      %eq3A = arith.constant 0 : i32
      %eq3A_605 = vector.broadcast %eq3A : i32 to vector<16xi32>
      %eq3A_606 = arith.cmpi eq, %gather3A, %eq3A_605 : vector<16xi32>
      %all_reduce_population_count3A = tpu.all_reduce %eq3A_606 {dim = 0 : i64, kind = #tpu.reduction_kind<sum>} : vector<16xi1> -> vector<16xi32>
      %add3A_607 = arith.addi %scan3A_594, %all_reduce_population_count3A : vector<16xi32>
      %add3A_608 = arith.constant 100000 : i32
      %add3A_609 = vector.broadcast %add3A_608 : i32 to vector<16xi32>
      %add3A_610 = arith.addi %gather3A, %add3A_609 : vector<16xi32>
      %mul3A_611 = arith.constant 16 : i32
      %mul3A_612 = arith.muli %scan3A_593, %mul3A_611 : i32
      %swap3A = arith.constant 1 : i32
      %swap3A_613 = arith.index_cast %swap3A : i32 to index
      %swap3A_614 = arith.index_cast %mul3A_612 : i32 to index
      %swap3A_615 = tpu.vector_load %arg12[%swap3A_613, %swap3A_614] {strides = array<i32>} : memref<16x512xi32, #tpu.memory_space<vmem>>, vector<16xi32>,
      tpu.vector_store %arg12[%swap3A_613, %swap3A_614], %add3A_610 {strides = array<i32>} : memref<16x512xi32, #tpu.memory_space<vmem>>, vector<16xi32>,
      scf.yield %add3A_607 : vector<16xi32>
    }
    %scan3A_29 = arith.constant 32 : i32
    %reduce_max3A_30 = arith.constant true
    %reduce_max3A_31 = vector.broadcast %reduce_max3A_30 : i1 to vector<16xi1>
    %reduce_max3A_32 = arith.constant -2147483648 : i32
    %reduce_max3A_33 = vector.broadcast %reduce_max3A_32 : i32 to vector<16xi32>
    %reduce_max3A_34 = arith.xori %scan3A_28, %reduce_max3A_33 : vector<16xi32>
    %reduce_max3A_35 = tpu.scan <max>, %reduce_max3A_34 masked %reduce_max3A_31 : vector<16xi32>, vector<16xi1> -> vector<16xi32>
    %reduce_max3A_36 = arith.xori %reduce_max3A_35, %reduce_max3A_33 : vector<16xi32>
    %reduce_max3A_37 = vector.extract %reduce_max3A_36[15] : i32 from vector<16xi32>
    %broadcast_in_dim3A_38 = arith.constant 0 : i32
    %broadcast_in_dim3A_39 = vector.broadcast %broadcast_in_dim3A_38 : i32 to vector<16xi32>
    %scan3A_40 = arith.constant 0 : i32
    %scan3A_41 = arith.constant 32 : i32
    %scan3A_42 = arith.addi %scan3A_40, %scan3A_41 : i32
    %scan3A_43 = arith.constant 1 : i32
    %scan3A_44 = scf.for %scan3A_593 = %scan3A_40 to %scan3A_42 step %scan3A_43 iter_args(%scan3A_594 = %broadcast_in_dim3A_39) -> (vector<16xi32>)  : i32 {
      %mul3A_595 = arith.constant 16 : i32
      %mul3A_596 = arith.muli %scan3A_593, %mul3A_595 : i32
      %add3A_597 = vector.broadcast %mul3A_596 : i32 to vector<16xi32>
      %add3A_598 = arith.addi %add3A_597, %iota3A : vector<16xi32>
      %mul3A_599 = arith.constant 10 : i32
      %mul3A_600 = vector.broadcast %mul3A_599 : i32 to vector<16xi32>
      %mul3A_601 = arith.muli %add3A_598, %mul3A_600 : vector<16xi32>
      %add3A_602 = arith.constant 2 : i32
      %add3A_603 = vector.broadcast %add3A_602 : i32 to vector<16xi32>
      %add3A_604 = arith.addi %mul3A_601, %add3A_603 : vector<16xi32>
      %gather3A = tpu.vector_load_idx %arg9[%add3A_604] : memref<5120xi32, #tpu.memory_space<vmem>>[vector<16xi32>], vector<16xi32>,
      %eq3A = arith.constant 0 : i32
      %eq3A_605 = vector.broadcast %eq3A : i32 to vector<16xi32>
      %eq3A_606 = arith.cmpi eq, %gather3A, %eq3A_605 : vector<16xi32>
      %all_reduce_population_count3A = tpu.all_reduce %eq3A_606 {dim = 0 : i64, kind = #tpu.reduction_kind<sum>} : vector<16xi1> -> vector<16xi32>
      %add3A_607 = arith.addi %scan3A_594, %all_reduce_population_count3A : vector<16xi32>
      %add3A_608 = arith.constant 200000 : i32
      %add3A_609 = vector.broadcast %add3A_608 : i32 to vector<16xi32>
      %add3A_610 = arith.addi %gather3A, %add3A_609 : vector<16xi32>
      %mul3A_611 = arith.constant 16 : i32
      %mul3A_612 = arith.muli %scan3A_593, %mul3A_611 : i32
      %swap3A = arith.constant 2 : i32
      %swap3A_613 = arith.index_cast %swap3A : i32 to index
      %swap3A_614 = arith.index_cast %mul3A_612 : i32 to index
      %swap3A_615 = tpu.vector_load %arg12[%swap3A_613, %swap3A_614] {strides = array<i32>} : memref<16x512xi32, #tpu.memory_space<vmem>>, vector<16xi32>,
      tpu.vector_store %arg12[%swap3A_613, %swap3A_614], %add3A_610 {strides = array<i32>} : memref<16x512xi32, #tpu.memory_space<vmem>>, vector<16xi32>,
      scf.yield %add3A_607 : vector<16xi32>
    }
    %scan3A_45 = arith.constant 32 : i32
    %reduce_max3A_46 = arith.constant true
    %reduce_max3A_47 = vector.broadcast %reduce_max3A_46 : i1 to vector<16xi1>
    %reduce_max3A_48 = arith.constant -2147483648 : i32
    %reduce_max3A_49 = vector.broadcast %reduce_max3A_48 : i32 to vector<16xi32>
    %reduce_max3A_50 = arith.xori %scan3A_44, %reduce_max3A_49 : vector<16xi32>
    %reduce_max3A_51 = tpu.scan <max>, %reduce_max3A_50 masked %reduce_max3A_47 : vector<16xi32>, vector<16xi1> -> vector<16xi32>
    %reduce_max3A_52 = arith.xori %reduce_max3A_51, %reduce_max3A_49 : vector<16xi32>
    %reduce_max3A_53 = vector.extract %reduce_max3A_52[15] : i32 from vector<16xi32>
    %broadcast_in_dim3A_54 = arith.constant 0 : i32
    %broadcast_in_dim3A_55 = vector.broadcast %broadcast_in_dim3A_54 : i32 to vector<16xi32>
    %scan3A_56 = arith.constant 0 : i32
    %scan3A_57 = arith.constant 32 : i32
    %scan3A_58 = arith.addi %scan3A_56, %scan3A_57 : i32
    %scan3A_59 = arith.constant 1 : i32
    %scan3A_60 = scf.for %scan3A_593 = %scan3A_56 to %scan3A_58 step %scan3A_59 iter_args(%scan3A_594 = %broadcast_in_dim3A_55) -> (vector<16xi32>)  : i32 {
      %mul3A_595 = arith.constant 16 : i32
      %mul3A_596 = arith.muli %scan3A_593, %mul3A_595 : i32
      %add3A_597 = vector.broadcast %mul3A_596 : i32 to vector<16xi32>
      %add3A_598 = arith.addi %add3A_597, %iota3A : vector<16xi32>
      %mul3A_599 = arith.constant 10 : i32
      %mul3A_600 = vector.broadcast %mul3A_599 : i32 to vector<16xi32>
      %mul3A_601 = arith.muli %add3A_598, %mul3A_600 : vector<16xi32>
      %add3A_602 = arith.constant 3 : i32
      %add3A_603 = vector.broadcast %add3A_602 : i32 to vector<16xi32>
      %add3A_604 = arith.addi %mul3A_601, %add3A_603 : vector<16xi32>
      %gather3A = tpu.vector_load_idx %arg9[%add3A_604] : memref<5120xi32, #tpu.memory_space<vmem>>[vector<16xi32>], vector<16xi32>,
      %eq3A = arith.constant 0 : i32
      %eq3A_605 = vector.broadcast %eq3A : i32 to vector<16xi32>
      %eq3A_606 = arith.cmpi eq, %gather3A, %eq3A_605 : vector<16xi32>
      %all_reduce_population_count3A = tpu.all_reduce %eq3A_606 {dim = 0 : i64, kind = #tpu.reduction_kind<sum>} : vector<16xi1> -> vector<16xi32>
      %add3A_607 = arith.addi %scan3A_594, %all_reduce_population_count3A : vector<16xi32>
      %add3A_608 = arith.constant 300000 : i32
      %add3A_609 = vector.broadcast %add3A_608 : i32 to vector<16xi32>
      %add3A_610 = arith.addi %gather3A, %add3A_609 : vector<16xi32>
      %mul3A_611 = arith.constant 16 : i32
      %mul3A_612 = arith.muli %scan3A_593, %mul3A_611 : i32
      %swap3A = arith.constant 3 : i32
      %swap3A_613 = arith.index_cast %swap3A : i32 to index
      %swap3A_614 = arith.index_cast %mul3A_612 : i32 to index
      %swap3A_615 = tpu.vector_load %arg12[%swap3A_613, %swap3A_614] {strides = array<i32>} : memref<16x512xi32, #tpu.memory_space<vmem>>, vector<16xi32>,
      tpu.vector_store %arg12[%swap3A_613, %swap3A_614], %add3A_610 {strides = array<i32>} : memref<16x512xi32, #tpu.memory_space<vmem>>, vector<16xi32>,
      scf.yield %add3A_607 : vector<16xi32>
    }
    %scan3A_61 = arith.constant 32 : i32
    %reduce_max3A_62 = arith.constant true
    %reduce_max3A_63 = vector.broadcast %reduce_max3A_62 : i1 to vector<16xi1>
    %reduce_max3A_64 = arith.constant -2147483648 : i32
    %reduce_max3A_65 = vector.broadcast %reduce_max3A_64 : i32 to vector<16xi32>
    %reduce_max3A_66 = arith.xori %scan3A_60, %reduce_max3A_65 : vector<16xi32>
    %reduce_max3A_67 = tpu.scan <max>, %reduce_max3A_66 masked %reduce_max3A_63 : vector<16xi32>, vector<16xi1> -> vector<16xi32>
    %reduce_max3A_68 = arith.xori %reduce_max3A_67, %reduce_max3A_65 : vector<16xi32>
    %reduce_max3A_69 = vector.extract %reduce_max3A_68[15] : i32 from vector<16xi32>
    %broadcast_in_dim3A_70 = arith.constant 0 : i32
    %broadcast_in_dim3A_71 = vector.broadcast %broadcast_in_dim3A_70 : i32 to vector<16xi32>
    %scan3A_72 = arith.constant 0 : i32
    %scan3A_73 = arith.constant 32 : i32
    %scan3A_74 = arith.addi %scan3A_72, %scan3A_73 : i32
    %scan3A_75 = arith.constant 1 : i32
    %scan3A_76 = scf.for %scan3A_593 = %scan3A_72 to %scan3A_74 step %scan3A_75 iter_args(%scan3A_594 = %broadcast_in_dim3A_71) -> (vector<16xi32>)  : i32 {
      %mul3A_595 = arith.constant 16 : i32
      %mul3A_596 = arith.muli %scan3A_593, %mul3A_595 : i32
      %add3A_597 = vector.broadcast %mul3A_596 : i32 to vector<16xi32>
      %add3A_598 = arith.addi %add3A_597, %iota3A : vector<16xi32>
      %mul3A_599 = arith.constant 10 : i32
      %mul3A_600 = vector.broadcast %mul3A_599 : i32 to vector<16xi32>
      %mul3A_601 = arith.muli %add3A_598, %mul3A_600 : vector<16xi32>
      %add3A_602 = arith.constant 4 : i32
      %add3A_603 = vector.broadcast %add3A_602 : i32 to vector<16xi32>
      %add3A_604 = arith.addi %mul3A_601, %add3A_603 : vector<16xi32>
      %gather3A = tpu.vector_load_idx %arg9[%add3A_604] : memref<5120xi32, #tpu.memory_space<vmem>>[vector<16xi32>], vector<16xi32>,
      %eq3A = arith.constant 0 : i32
      %eq3A_605 = vector.broadcast %eq3A : i32 to vector<16xi32>
      %eq3A_606 = arith.cmpi eq, %gather3A, %eq3A_605 : vector<16xi32>
      %all_reduce_population_count3A = tpu.all_reduce %eq3A_606 {dim = 0 : i64, kind = #tpu.reduction_kind<sum>} : vector<16xi1> -> vector<16xi32>
      %add3A_607 = arith.addi %scan3A_594, %all_reduce_population_count3A : vector<16xi32>
      %add3A_608 = arith.constant 400000 : i32
      %add3A_609 = vector.broadcast %add3A_608 : i32 to vector<16xi32>
      %add3A_610 = arith.addi %gather3A, %add3A_609 : vector<16xi32>
      %mul3A_611 = arith.constant 16 : i32
      %mul3A_612 = arith.muli %scan3A_593, %mul3A_611 : i32
      %swap3A = arith.constant 4 : i32
      %swap3A_613 = arith.index_cast %swap3A : i32 to index
      %swap3A_614 = arith.index_cast %mul3A_612 : i32 to index
      %swap3A_615 = tpu.vector_load %arg12[%swap3A_613, %swap3A_614] {strides = array<i32>} : memref<16x512xi32, #tpu.memory_space<vmem>>, vector<16xi32>,
      tpu.vector_store %arg12[%swap3A_613, %swap3A_614], %add3A_610 {strides = array<i32>} : memref<16x512xi32, #tpu.memory_space<vmem>>, vector<16xi32>,
      scf.yield %add3A_607 : vector<16xi32>
    }
    %scan3A_77 = arith.constant 32 : i32
    %reduce_max3A_78 = arith.constant true
    %reduce_max3A_79 = vector.broadcast %reduce_max3A_78 : i1 to vector<16xi1>
    %reduce_max3A_80 = arith.constant -2147483648 : i32
    %reduce_max3A_81 = vector.broadcast %reduce_max3A_80 : i32 to vector<16xi32>
    %reduce_max3A_82 = arith.xori %scan3A_76, %reduce_max3A_81 : vector<16xi32>
    %reduce_max3A_83 = tpu.scan <max>, %reduce_max3A_82 masked %reduce_max3A_79 : vector<16xi32>, vector<16xi1> -> vector<16xi32>
    %reduce_max3A_84 = arith.xori %reduce_max3A_83, %reduce_max3A_81 : vector<16xi32>
    %reduce_max3A_85 = vector.extract %reduce_max3A_84[15] : i32 from vector<16xi32>
    %broadcast_in_dim3A_86 = arith.constant 0 : i32
    %broadcast_in_dim3A_87 = vector.broadcast %broadcast_in_dim3A_86 : i32 to vector<16xi32>
    %scan3A_88 = arith.constant 0 : i32
    %scan3A_89 = arith.constant 32 : i32
    %scan3A_90 = arith.addi %scan3A_88, %scan3A_89 : i32
    %scan3A_91 = arith.constant 1 : i32
    %scan3A_92 = scf.for %scan3A_593 = %scan3A_88 to %scan3A_90 step %scan3A_91 iter_args(%scan3A_594 = %broadcast_in_dim3A_87) -> (vector<16xi32>)  : i32 {
      %mul3A_595 = arith.constant 16 : i32
      %mul3A_596 = arith.muli %scan3A_593, %mul3A_595 : i32
      %add3A_597 = vector.broadcast %mul3A_596 : i32 to vector<16xi32>
      %add3A_598 = arith.addi %add3A_597, %iota3A : vector<16xi32>
      %mul3A_599 = arith.constant 10 : i32
      %mul3A_600 = vector.broadcast %mul3A_599 : i32 to vector<16xi32>
      %mul3A_601 = arith.muli %add3A_598, %mul3A_600 : vector<16xi32>
      %add3A_602 = arith.constant 5 : i32
      %add3A_603 = vector.broadcast %add3A_602 : i32 to vector<16xi32>
      %add3A_604 = arith.addi %mul3A_601, %add3A_603 : vector<16xi32>
      %gather3A = tpu.vector_load_idx %arg9[%add3A_604] : memref<5120xi32, #tpu.memory_space<vmem>>[vector<16xi32>], vector<16xi32>,
      %eq3A = arith.constant 0 : i32
      %eq3A_605 = vector.broadcast %eq3A : i32 to vector<16xi32>
      %eq3A_606 = arith.cmpi eq, %gather3A, %eq3A_605 : vector<16xi32>
      %all_reduce_population_count3A = tpu.all_reduce %eq3A_606 {dim = 0 : i64, kind = #tpu.reduction_kind<sum>} : vector<16xi1> -> vector<16xi32>
      %add3A_607 = arith.addi %scan3A_594, %all_reduce_population_count3A : vector<16xi32>
      %add3A_608 = arith.constant 500000 : i32
      %add3A_609 = vector.broadcast %add3A_608 : i32 to vector<16xi32>
      %add3A_610 = arith.addi %gather3A, %add3A_609 : vector<16xi32>
      %mul3A_611 = arith.constant 16 : i32
      %mul3A_612 = arith.muli %scan3A_593, %mul3A_611 : i32
      %swap3A = arith.constant 5 : i32
      %swap3A_613 = arith.index_cast %swap3A : i32 to index
      %swap3A_614 = arith.index_cast %mul3A_612 : i32 to index
      %swap3A_615 = tpu.vector_load %arg12[%swap3A_613, %swap3A_614] {strides = array<i32>} : memref<16x512xi32, #tpu.memory_space<vmem>>, vector<16xi32>,
      tpu.vector_store %arg12[%swap3A_613, %swap3A_614], %add3A_610 {strides = array<i32>} : memref<16x512xi32, #tpu.memory_space<vmem>>, vector<16xi32>,
      scf.yield %add3A_607 : vector<16xi32>
    }
    %scan3A_93 = arith.constant 32 : i32
    %reduce_max3A_94 = arith.constant true
    %reduce_max3A_95 = vector.broadcast %reduce_max3A_94 : i1 to vector<16xi1>
    %reduce_max3A_96 = arith.constant -2147483648 : i32
    %reduce_max3A_97 = vector.broadcast %reduce_max3A_96 : i32 to vector<16xi32>
    %reduce_max3A_98 = arith.xori %scan3A_92, %reduce_max3A_97 : vector<16xi32>
    %reduce_max3A_99 = tpu.scan <max>, %reduce_max3A_98 masked %reduce_max3A_95 : vector<16xi32>, vector<16xi1> -> vector<16xi32>
    %reduce_max3A_100 = arith.xori %reduce_max3A_99, %reduce_max3A_97 : vector<16xi32>
    %reduce_max3A_101 = vector.extract %reduce_max3A_100[15] : i32 from vector<16xi32>
    %broadcast_in_dim3A_102 = arith.constant 0 : i32
    %broadcast_in_dim3A_103 = vector.broadcast %broadcast_in_dim3A_102 : i32 to vector<16xi32>
    %scan3A_104 = arith.constant 0 : i32
    %scan3A_105 = arith.constant 32 : i32
    %scan3A_106 = arith.addi %scan3A_104, %scan3A_105 : i32
    %scan3A_107 = arith.constant 1 : i32
    %scan3A_108 = scf.for %scan3A_593 = %scan3A_104 to %scan3A_106 step %scan3A_107 iter_args(%scan3A_594 = %broadcast_in_dim3A_103) -> (vector<16xi32>)  : i32 {
      %mul3A_595 = arith.constant 16 : i32
      %mul3A_596 = arith.muli %scan3A_593, %mul3A_595 : i32
      %add3A_597 = vector.broadcast %mul3A_596 : i32 to vector<16xi32>
      %add3A_598 = arith.addi %add3A_597, %iota3A : vector<16xi32>
      %mul3A_599 = arith.constant 10 : i32
      %mul3A_600 = vector.broadcast %mul3A_599 : i32 to vector<16xi32>
      %mul3A_601 = arith.muli %add3A_598, %mul3A_600 : vector<16xi32>
      %add3A_602 = arith.constant 6 : i32
      %add3A_603 = vector.broadcast %add3A_602 : i32 to vector<16xi32>
      %add3A_604 = arith.addi %mul3A_601, %add3A_603 : vector<16xi32>
      %gather3A = tpu.vector_load_idx %arg9[%add3A_604] : memref<5120xi32, #tpu.memory_space<vmem>>[vector<16xi32>], vector<16xi32>,
      %eq3A = arith.constant 0 : i32
      %eq3A_605 = vector.broadcast %eq3A : i32 to vector<16xi32>
      %eq3A_606 = arith.cmpi eq, %gather3A, %eq3A_605 : vector<16xi32>
      %all_reduce_population_count3A = tpu.all_reduce %eq3A_606 {dim = 0 : i64, kind = #tpu.reduction_kind<sum>} : vector<16xi1> -> vector<16xi32>
      %add3A_607 = arith.addi %scan3A_594, %all_reduce_population_count3A : vector<16xi32>
      %add3A_608 = arith.constant 600000 : i32
      %add3A_609 = vector.broadcast %add3A_608 : i32 to vector<16xi32>
      %add3A_610 = arith.addi %gather3A, %add3A_609 : vector<16xi32>
      %mul3A_611 = arith.constant 16 : i32
      %mul3A_612 = arith.muli %scan3A_593, %mul3A_611 : i32
      %swap3A = arith.constant 6 : i32
      %swap3A_613 = arith.index_cast %swap3A : i32 to index
      %swap3A_614 = arith.index_cast %mul3A_612 : i32 to index
      %swap3A_615 = tpu.vector_load %arg12[%swap3A_613, %swap3A_614] {strides = array<i32>} : memref<16x512xi32, #tpu.memory_space<vmem>>, vector<16xi32>,
      tpu.vector_store %arg12[%swap3A_613, %swap3A_614], %add3A_610 {strides = array<i32>} : memref<16x512xi32, #tpu.memory_space<vmem>>, vector<16xi32>,
      scf.yield %add3A_607 : vector<16xi32>
    }
    %scan3A_109 = arith.constant 32 : i32
    %reduce_max3A_110 = arith.constant true
    %reduce_max3A_111 = vector.broadcast %reduce_max3A_110 : i1 to vector<16xi1>
    %reduce_max3A_112 = arith.constant -2147483648 : i32
    %reduce_max3A_113 = vector.broadcast %reduce_max3A_112 : i32 to vector<16xi32>
    %reduce_max3A_114 = arith.xori %scan3A_108, %reduce_max3A_113 : vector<16xi32>
    %reduce_max3A_115 = tpu.scan <max>, %reduce_max3A_114 masked %reduce_max3A_111 : vector<16xi32>, vector<16xi1> -> vector<16xi32>
    %reduce_max3A_116 = arith.xori %reduce_max3A_115, %reduce_max3A_113 : vector<16xi32>
    %reduce_max3A_117 = vector.extract %reduce_max3A_116[15] : i32 from vector<16xi32>
    %broadcast_in_dim3A_118 = arith.constant 0 : i32
    %broadcast_in_dim3A_119 = vector.broadcast %broadcast_in_dim3A_118 : i32 to vector<16xi32>
    %scan3A_120 = arith.constant 0 : i32
    %scan3A_121 = arith.constant 32 : i32
    %scan3A_122 = arith.addi %scan3A_120, %scan3A_121 : i32
    %scan3A_123 = arith.constant 1 : i32
    %scan3A_124 = scf.for %scan3A_593 = %scan3A_120 to %scan3A_122 step %scan3A_123 iter_args(%scan3A_594 = %broadcast_in_dim3A_119) -> (vector<16xi32>)  : i32 {
      %mul3A_595 = arith.constant 16 : i32
      %mul3A_596 = arith.muli %scan3A_593, %mul3A_595 : i32
      %add3A_597 = vector.broadcast %mul3A_596 : i32 to vector<16xi32>
      %add3A_598 = arith.addi %add3A_597, %iota3A : vector<16xi32>
      %mul3A_599 = arith.constant 10 : i32
      %mul3A_600 = vector.broadcast %mul3A_599 : i32 to vector<16xi32>
      %mul3A_601 = arith.muli %add3A_598, %mul3A_600 : vector<16xi32>
      %add3A_602 = arith.constant 7 : i32
      %add3A_603 = vector.broadcast %add3A_602 : i32 to vector<16xi32>
      %add3A_604 = arith.addi %mul3A_601, %add3A_603 : vector<16xi32>
      %gather3A = tpu.vector_load_idx %arg9[%add3A_604] : memref<5120xi32, #tpu.memory_space<vmem>>[vector<16xi32>], vector<16xi32>,
      %eq3A = arith.constant 0 : i32
      %eq3A_605 = vector.broadcast %eq3A : i32 to vector<16xi32>
      %eq3A_606 = arith.cmpi eq, %gather3A, %eq3A_605 : vector<16xi32>
      %all_reduce_population_count3A = tpu.all_reduce %eq3A_606 {dim = 0 : i64, kind = #tpu.reduction_kind<sum>} : vector<16xi1> -> vector<16xi32>
      %add3A_607 = arith.addi %scan3A_594, %all_reduce_population_count3A : vector<16xi32>
      %add3A_608 = arith.constant 700000 : i32
      %add3A_609 = vector.broadcast %add3A_608 : i32 to vector<16xi32>
      %add3A_610 = arith.addi %gather3A, %add3A_609 : vector<16xi32>
      %mul3A_611 = arith.constant 16 : i32
      %mul3A_612 = arith.muli %scan3A_593, %mul3A_611 : i32
      %swap3A = arith.constant 7 : i32
      %swap3A_613 = arith.index_cast %swap3A : i32 to index
      %swap3A_614 = arith.index_cast %mul3A_612 : i32 to index
      %swap3A_615 = tpu.vector_load %arg12[%swap3A_613, %swap3A_614] {strides = array<i32>} : memref<16x512xi32, #tpu.memory_space<vmem>>, vector<16xi32>,
      tpu.vector_store %arg12[%swap3A_613, %swap3A_614], %add3A_610 {strides = array<i32>} : memref<16x512xi32, #tpu.memory_space<vmem>>, vector<16xi32>,
      scf.yield %add3A_607 : vector<16xi32>
    }
    %scan3A_125 = arith.constant 32 : i32
    %reduce_max3A_126 = arith.constant true
    %reduce_max3A_127 = vector.broadcast %reduce_max3A_126 : i1 to vector<16xi1>
    %reduce_max3A_128 = arith.constant -2147483648 : i32
    %reduce_max3A_129 = vector.broadcast %reduce_max3A_128 : i32 to vector<16xi32>
    %reduce_max3A_130 = arith.xori %scan3A_124, %reduce_max3A_129 : vector<16xi32>
    %reduce_max3A_131 = tpu.scan <max>, %reduce_max3A_130 masked %reduce_max3A_127 : vector<16xi32>, vector<16xi1> -> vector<16xi32>
    %reduce_max3A_132 = arith.xori %reduce_max3A_131, %reduce_max3A_129 : vector<16xi32>
    %reduce_max3A_133 = vector.extract %reduce_max3A_132[15] : i32 from vector<16xi32>
    %broadcast_in_dim3A_134 = arith.constant 0 : i32
    %broadcast_in_dim3A_135 = vector.broadcast %broadcast_in_dim3A_134 : i32 to vector<16xi32>
    %scan3A_136 = arith.constant 0 : i32
    %scan3A_137 = arith.constant 32 : i32
    %scan3A_138 = arith.addi %scan3A_136, %scan3A_137 : i32
    %scan3A_139 = arith.constant 1 : i32
    %scan3A_140 = scf.for %scan3A_593 = %scan3A_136 to %scan3A_138 step %scan3A_139 iter_args(%scan3A_594 = %broadcast_in_dim3A_135) -> (vector<16xi32>)  : i32 {
      %mul3A_595 = arith.constant 16 : i32
      %mul3A_596 = arith.muli %scan3A_593, %mul3A_595 : i32
      %add3A_597 = vector.broadcast %mul3A_596 : i32 to vector<16xi32>
      %add3A_598 = arith.addi %add3A_597, %iota3A : vector<16xi32>
      %mul3A_599 = arith.constant 10 : i32
      %mul3A_600 = vector.broadcast %mul3A_599 : i32 to vector<16xi32>
      %mul3A_601 = arith.muli %add3A_598, %mul3A_600 : vector<16xi32>
      %add3A_602 = arith.constant 8 : i32
      %add3A_603 = vector.broadcast %add3A_602 : i32 to vector<16xi32>
      %add3A_604 = arith.addi %mul3A_601, %add3A_603 : vector<16xi32>
      %gather3A = tpu.vector_load_idx %arg9[%add3A_604] : memref<5120xi32, #tpu.memory_space<vmem>>[vector<16xi32>], vector<16xi32>,
      %eq3A = arith.constant 0 : i32
      %eq3A_605 = vector.broadcast %eq3A : i32 to vector<16xi32>
      %eq3A_606 = arith.cmpi eq, %gather3A, %eq3A_605 : vector<16xi32>
      %all_reduce_population_count3A = tpu.all_reduce %eq3A_606 {dim = 0 : i64, kind = #tpu.reduction_kind<sum>} : vector<16xi1> -> vector<16xi32>
      %add3A_607 = arith.addi %scan3A_594, %all_reduce_population_count3A : vector<16xi32>
      %add3A_608 = arith.constant 800000 : i32
      %add3A_609 = vector.broadcast %add3A_608 : i32 to vector<16xi32>
      %add3A_610 = arith.addi %gather3A, %add3A_609 : vector<16xi32>
      %mul3A_611 = arith.constant 16 : i32
      %mul3A_612 = arith.muli %scan3A_593, %mul3A_611 : i32
      %swap3A = arith.constant 8 : i32
      %swap3A_613 = arith.index_cast %swap3A : i32 to index
      %swap3A_614 = arith.index_cast %mul3A_612 : i32 to index
      %swap3A_615 = tpu.vector_load %arg12[%swap3A_613, %swap3A_614] {strides = array<i32>} : memref<16x512xi32, #tpu.memory_space<vmem>>, vector<16xi32>,
      tpu.vector_store %arg12[%swap3A_613, %swap3A_614], %add3A_610 {strides = array<i32>} : memref<16x512xi32, #tpu.memory_space<vmem>>, vector<16xi32>,
      scf.yield %add3A_607 : vector<16xi32>
    }
    %scan3A_141 = arith.constant 32 : i32
    %reduce_max3A_142 = arith.constant true
    %reduce_max3A_143 = vector.broadcast %reduce_max3A_142 : i1 to vector<16xi1>
    %reduce_max3A_144 = arith.constant -2147483648 : i32
    %reduce_max3A_145 = vector.broadcast %reduce_max3A_144 : i32 to vector<16xi32>
    %reduce_max3A_146 = arith.xori %scan3A_140, %reduce_max3A_145 : vector<16xi32>
    %reduce_max3A_147 = tpu.scan <max>, %reduce_max3A_146 masked %reduce_max3A_143 : vector<16xi32>, vector<16xi1> -> vector<16xi32>
    %reduce_max3A_148 = arith.xori %reduce_max3A_147, %reduce_max3A_145 : vector<16xi32>
    %reduce_max3A_149 = vector.extract %reduce_max3A_148[15] : i32 from vector<16xi32>
    %broadcast_in_dim3A_150 = arith.constant 0 : i32
    %broadcast_in_dim3A_151 = vector.broadcast %broadcast_in_dim3A_150 : i32 to vector<16xi32>
    %scan3A_152 = arith.constant 0 : i32
    %scan3A_153 = arith.constant 32 : i32
    %scan3A_154 = arith.addi %scan3A_152, %scan3A_153 : i32
    %scan3A_155 = arith.constant 1 : i32
    %scan3A_156 = scf.for %scan3A_593 = %scan3A_152 to %scan3A_154 step %scan3A_155 iter_args(%scan3A_594 = %broadcast_in_dim3A_151) -> (vector<16xi32>)  : i32 {
      %mul3A_595 = arith.constant 16 : i32
      %mul3A_596 = arith.muli %scan3A_593, %mul3A_595 : i32
      %add3A_597 = vector.broadcast %mul3A_596 : i32 to vector<16xi32>
      %add3A_598 = arith.addi %add3A_597, %iota3A : vector<16xi32>
      %mul3A_599 = arith.constant 10 : i32
      %mul3A_600 = vector.broadcast %mul3A_599 : i32 to vector<16xi32>
      %mul3A_601 = arith.muli %add3A_598, %mul3A_600 : vector<16xi32>
      %add3A_602 = arith.constant 9 : i32
      %add3A_603 = vector.broadcast %add3A_602 : i32 to vector<16xi32>
      %add3A_604 = arith.addi %mul3A_601, %add3A_603 : vector<16xi32>
      %gather3A = tpu.vector_load_idx %arg9[%add3A_604] : memref<5120xi32, #tpu.memory_space<vmem>>[vector<16xi32>], vector<16xi32>,
      %eq3A = arith.constant 0 : i32
      %eq3A_605 = vector.broadcast %eq3A : i32 to vector<16xi32>
      %eq3A_606 = arith.cmpi eq, %gather3A, %eq3A_605 : vector<16xi32>
      %all_reduce_population_count3A = tpu.all_reduce %eq3A_606 {dim = 0 : i64, kind = #tpu.reduction_kind<sum>} : vector<16xi1> -> vector<16xi32>
      %add3A_607 = arith.addi %scan3A_594, %all_reduce_population_count3A : vector<16xi32>
      %add3A_608 = arith.constant 900000 : i32
      %add3A_609 = vector.broadcast %add3A_608 : i32 to vector<16xi32>
      %add3A_610 = arith.addi %gather3A, %add3A_609 : vector<16xi32>
      %mul3A_611 = arith.constant 16 : i32
      %mul3A_612 = arith.muli %scan3A_593, %mul3A_611 : i32
      %swap3A = arith.constant 9 : i32
      %swap3A_613 = arith.index_cast %swap3A : i32 to index
      %swap3A_614 = arith.index_cast %mul3A_612 : i32 to index
      %swap3A_615 = tpu.vector_load %arg12[%swap3A_613, %swap3A_614] {strides = array<i32>} : memref<16x512xi32, #tpu.memory_space<vmem>>, vector<16xi32>,
      tpu.vector_store %arg12[%swap3A_613, %swap3A_614], %add3A_610 {strides = array<i32>} : memref<16x512xi32, #tpu.memory_space<vmem>>, vector<16xi32>,
      scf.yield %add3A_607 : vector<16xi32>
    }
    %scan3A_157 = arith.constant 32 : i32
    %reduce_max3A_158 = arith.constant true
    %reduce_max3A_159 = vector.broadcast %reduce_max3A_158 : i1 to vector<16xi1>
    %reduce_max3A_160 = arith.constant -2147483648 : i32
    %reduce_max3A_161 = vector.broadcast %reduce_max3A_160 : i32 to vector<16xi32>
    %reduce_max3A_162 = arith.xori %scan3A_156, %reduce_max3A_161 : vector<16xi32>
    %reduce_max3A_163 = tpu.scan <max>, %reduce_max3A_162 masked %reduce_max3A_159 : vector<16xi32>, vector<16xi1> -> vector<16xi32>
    %reduce_max3A_164 = arith.xori %reduce_max3A_163, %reduce_max3A_161 : vector<16xi32>
    %reduce_max3A_165 = vector.extract %reduce_max3A_164[15] : i32 from vector<16xi32>
    %broadcast_in_dim3A_166 = arith.constant 0 : i32
    %broadcast_in_dim3A_167 = vector.broadcast %broadcast_in_dim3A_166 : i32 to vector<16xi32>
    %scan3A_168 = arith.constant 0 : i32
    %scan3A_169 = arith.constant 32 : i32
    %scan3A_170 = arith.addi %scan3A_168, %scan3A_169 : i32
    %scan3A_171 = arith.constant 1 : i32
    %scan3A_172 = scf.for %scan3A_593 = %scan3A_168 to %scan3A_170 step %scan3A_171 iter_args(%scan3A_594 = %broadcast_in_dim3A_167) -> (vector<16xi32>)  : i32 {
      %mul3A_595 = arith.constant 16 : i32
      %mul3A_596 = arith.muli %scan3A_593, %mul3A_595 : i32
      %add3A_597 = vector.broadcast %mul3A_596 : i32 to vector<16xi32>
      %add3A_598 = arith.addi %add3A_597, %iota3A : vector<16xi32>
      %mul3A_599 = arith.constant 3 : i32
      %mul3A_600 = vector.broadcast %mul3A_599 : i32 to vector<16xi32>
      %mul3A_601 = arith.muli %add3A_598, %mul3A_600 : vector<16xi32>
      %add3A_602 = arith.constant 0 : i32
      %add3A_603 = vector.broadcast %add3A_602 : i32 to vector<16xi32>
      %add3A_604 = arith.addi %mul3A_601, %add3A_603 : vector<16xi32>
      %gather3A = tpu.vector_load_idx %arg10[%add3A_604] : memref<1536xi32, #tpu.memory_space<vmem>>[vector<16xi32>], vector<16xi32>,
      %eq3A = arith.constant 0 : i32
      %eq3A_605 = vector.broadcast %eq3A : i32 to vector<16xi32>
      %eq3A_606 = arith.cmpi eq, %gather3A, %eq3A_605 : vector<16xi32>
      %all_reduce_population_count3A = tpu.all_reduce %eq3A_606 {dim = 0 : i64, kind = #tpu.reduction_kind<sum>} : vector<16xi1> -> vector<16xi32>
      %add3A_607 = arith.addi %scan3A_594, %all_reduce_population_count3A : vector<16xi32>
      %add3A_608 = arith.constant 0 : i32
      %add3A_609 = vector.broadcast %add3A_608 : i32 to vector<16xi32>
      %add3A_610 = arith.addi %gather3A, %add3A_609 : vector<16xi32>
      %mul3A_611 = arith.constant 16 : i32
      %mul3A_612 = arith.muli %scan3A_593, %mul3A_611 : i32
      %swap3A = arith.constant 10 : i32
      %swap3A_613 = arith.index_cast %swap3A : i32 to index
      %swap3A_614 = arith.index_cast %mul3A_612 : i32 to index
      %swap3A_615 = tpu.vector_load %arg12[%swap3A_613, %swap3A_614] {strides = array<i32>} : memref<16x512xi32, #tpu.memory_space<vmem>>, vector<16xi32>,
      tpu.vector_store %arg12[%swap3A_613, %swap3A_614], %add3A_610 {strides = array<i32>} : memref<16x512xi32, #tpu.memory_space<vmem>>, vector<16xi32>,
      scf.yield %add3A_607 : vector<16xi32>
    }
    %scan3A_173 = arith.constant 32 : i32
    %reduce_max3A_174 = arith.constant true
    %reduce_max3A_175 = vector.broadcast %reduce_max3A_174 : i1 to vector<16xi1>
    %reduce_max3A_176 = arith.constant -2147483648 : i32
    %reduce_max3A_177 = vector.broadcast %reduce_max3A_176 : i32 to vector<16xi32>
    %reduce_max3A_178 = arith.xori %scan3A_172, %reduce_max3A_177 : vector<16xi32>
    %reduce_max3A_179 = tpu.scan <max>, %reduce_max3A_178 masked %reduce_max3A_175 : vector<16xi32>, vector<16xi1> -> vector<16xi32>
    %reduce_max3A_180 = arith.xori %reduce_max3A_179, %reduce_max3A_177 : vector<16xi32>
    %reduce_max3A_181 = vector.extract %reduce_max3A_180[15] : i32 from vector<16xi32>
    %broadcast_in_dim3A_182 = arith.constant 0 : i32
    %broadcast_in_dim3A_183 = vector.broadcast %broadcast_in_dim3A_182 : i32 to vector<16xi32>
    %scan3A_184 = arith.constant 0 : i32
    %scan3A_185 = arith.constant 32 : i32
    %scan3A_186 = arith.addi %scan3A_184, %scan3A_185 : i32
    %scan3A_187 = arith.constant 1 : i32
    %scan3A_188 = scf.for %scan3A_593 = %scan3A_184 to %scan3A_186 step %scan3A_187 iter_args(%scan3A_594 = %broadcast_in_dim3A_183) -> (vector<16xi32>)  : i32 {
      %mul3A_595 = arith.constant 16 : i32
      %mul3A_596 = arith.muli %scan3A_593, %mul3A_595 : i32
      %add3A_597 = vector.broadcast %mul3A_596 : i32 to vector<16xi32>
      %add3A_598 = arith.addi %add3A_597, %iota3A : vector<16xi32>
      %mul3A_599 = arith.constant 3 : i32
      %mul3A_600 = vector.broadcast %mul3A_599 : i32 to vector<16xi32>
      %mul3A_601 = arith.muli %add3A_598, %mul3A_600 : vector<16xi32>
      %add3A_602 = arith.constant 1 : i32
      %add3A_603 = vector.broadcast %add3A_602 : i32 to vector<16xi32>
      %add3A_604 = arith.addi %mul3A_601, %add3A_603 : vector<16xi32>
      %gather3A = tpu.vector_load_idx %arg10[%add3A_604] : memref<1536xi32, #tpu.memory_space<vmem>>[vector<16xi32>], vector<16xi32>,
      %eq3A = arith.constant 0 : i32
      %eq3A_605 = vector.broadcast %eq3A : i32 to vector<16xi32>
      %eq3A_606 = arith.cmpi eq, %gather3A, %eq3A_605 : vector<16xi32>
      %all_reduce_population_count3A = tpu.all_reduce %eq3A_606 {dim = 0 : i64, kind = #tpu.reduction_kind<sum>} : vector<16xi1> -> vector<16xi32>
      %add3A_607 = arith.addi %scan3A_594, %all_reduce_population_count3A : vector<16xi32>
      %add3A_608 = arith.constant 10000 : i32
      %add3A_609 = vector.broadcast %add3A_608 : i32 to vector<16xi32>
      %add3A_610 = arith.addi %gather3A, %add3A_609 : vector<16xi32>
      %mul3A_611 = arith.constant 16 : i32
      %mul3A_612 = arith.muli %scan3A_593, %mul3A_611 : i32
      %swap3A = arith.constant 11 : i32
      %swap3A_613 = arith.index_cast %swap3A : i32 to index
      %swap3A_614 = arith.index_cast %mul3A_612 : i32 to index
      %swap3A_615 = tpu.vector_load %arg12[%swap3A_613, %swap3A_614] {strides = array<i32>} : memref<16x512xi32, #tpu.memory_space<vmem>>, vector<16xi32>,
      tpu.vector_store %arg12[%swap3A_613, %swap3A_614], %add3A_610 {strides = array<i32>} : memref<16x512xi32, #tpu.memory_space<vmem>>, vector<16xi32>,
      scf.yield %add3A_607 : vector<16xi32>
    }
    %scan3A_189 = arith.constant 32 : i32
    %reduce_max3A_190 = arith.constant true
    %reduce_max3A_191 = vector.broadcast %reduce_max3A_190 : i1 to vector<16xi1>
    %reduce_max3A_192 = arith.constant -2147483648 : i32
    %reduce_max3A_193 = vector.broadcast %reduce_max3A_192 : i32 to vector<16xi32>
    %reduce_max3A_194 = arith.xori %scan3A_188, %reduce_max3A_193 : vector<16xi32>
    %reduce_max3A_195 = tpu.scan <max>, %reduce_max3A_194 masked %reduce_max3A_191 : vector<16xi32>, vector<16xi1> -> vector<16xi32>
    %reduce_max3A_196 = arith.xori %reduce_max3A_195, %reduce_max3A_193 : vector<16xi32>
    %reduce_max3A_197 = vector.extract %reduce_max3A_196[15] : i32 from vector<16xi32>
    %broadcast_in_dim3A_198 = arith.constant 0 : i32
    %broadcast_in_dim3A_199 = vector.broadcast %broadcast_in_dim3A_198 : i32 to vector<16xi32>
    %scan3A_200 = arith.constant 0 : i32
    %scan3A_201 = arith.constant 32 : i32
    %scan3A_202 = arith.addi %scan3A_200, %scan3A_201 : i32
    %scan3A_203 = arith.constant 1 : i32
    %scan3A_204 = scf.for %scan3A_593 = %scan3A_200 to %scan3A_202 step %scan3A_203 iter_args(%scan3A_594 = %broadcast_in_dim3A_199) -> (vector<16xi32>)  : i32 {
      %mul3A_595 = arith.constant 16 : i32
      %mul3A_596 = arith.muli %scan3A_593, %mul3A_595 : i32
      %add3A_597 = vector.broadcast %mul3A_596 : i32 to vector<16xi32>
      %add3A_598 = arith.addi %add3A_597, %iota3A : vector<16xi32>
      %mul3A_599 = arith.constant 3 : i32
      %mul3A_600 = vector.broadcast %mul3A_599 : i32 to vector<16xi32>
      %mul3A_601 = arith.muli %add3A_598, %mul3A_600 : vector<16xi32>
      %add3A_602 = arith.constant 2 : i32
      %add3A_603 = vector.broadcast %add3A_602 : i32 to vector<16xi32>
      %add3A_604 = arith.addi %mul3A_601, %add3A_603 : vector<16xi32>
      %gather3A = tpu.vector_load_idx %arg10[%add3A_604] : memref<1536xi32, #tpu.memory_space<vmem>>[vector<16xi32>], vector<16xi32>,
      %eq3A = arith.constant 0 : i32
      %eq3A_605 = vector.broadcast %eq3A : i32 to vector<16xi32>
      %eq3A_606 = arith.cmpi eq, %gather3A, %eq3A_605 : vector<16xi32>
      %all_reduce_population_count3A = tpu.all_reduce %eq3A_606 {dim = 0 : i64, kind = #tpu.reduction_kind<sum>} : vector<16xi1> -> vector<16xi32>
      %add3A_607 = arith.addi %scan3A_594, %all_reduce_population_count3A : vector<16xi32>
      %add3A_608 = arith.constant 20000 : i32
      %add3A_609 = vector.broadcast %add3A_608 : i32 to vector<16xi32>
      %add3A_610 = arith.addi %gather3A, %add3A_609 : vector<16xi32>
      %mul3A_611 = arith.constant 16 : i32
      %mul3A_612 = arith.muli %scan3A_593, %mul3A_611 : i32
      %swap3A = arith.constant 12 : i32
      %swap3A_613 = arith.index_cast %swap3A : i32 to index
      %swap3A_614 = arith.index_cast %mul3A_612 : i32 to index
      %swap3A_615 = tpu.vector_load %arg12[%swap3A_613, %swap3A_614] {strides = array<i32>} : memref<16x512xi32, #tpu.memory_space<vmem>>, vector<16xi32>,
      tpu.vector_store %arg12[%swap3A_613, %swap3A_614], %add3A_610 {strides = array<i32>} : memref<16x512xi32, #tpu.memory_space<vmem>>, vector<16xi32>,
      scf.yield %add3A_607 : vector<16xi32>
    }
    %scan3A_205 = arith.constant 32 : i32
    %reduce_max3A_206 = arith.constant true
    %reduce_max3A_207 = vector.broadcast %reduce_max3A_206 : i1 to vector<16xi1>
    %reduce_max3A_208 = arith.constant -2147483648 : i32
    %reduce_max3A_209 = vector.broadcast %reduce_max3A_208 : i32 to vector<16xi32>
    %reduce_max3A_210 = arith.xori %scan3A_204, %reduce_max3A_209 : vector<16xi32>
    %reduce_max3A_211 = tpu.scan <max>, %reduce_max3A_210 masked %reduce_max3A_207 : vector<16xi32>, vector<16xi1> -> vector<16xi32>
    %reduce_max3A_212 = arith.xori %reduce_max3A_211, %reduce_max3A_209 : vector<16xi32>
    %reduce_max3A_213 = vector.extract %reduce_max3A_212[15] : i32 from vector<16xi32>
    %broadcast_in_dim3A_214 = arith.constant 0 : i32
    %broadcast_in_dim3A_215 = vector.broadcast %broadcast_in_dim3A_214 : i32 to vector<16xi32>
    %scan3A_216 = arith.constant 0 : i32
    %scan3A_217 = arith.constant 32 : i32
    %scan3A_218 = arith.addi %scan3A_216, %scan3A_217 : i32
    %scan3A_219 = arith.constant 1 : i32
    %scan3A_220 = scf.for %scan3A_593 = %scan3A_216 to %scan3A_218 step %scan3A_219 iter_args(%scan3A_594 = %broadcast_in_dim3A_215) -> (vector<16xi32>)  : i32 {
      %mul3A_595 = arith.constant 16 : i32
      %mul3A_596 = arith.muli %scan3A_593, %mul3A_595 : i32
      %add3A_597 = vector.broadcast %mul3A_596 : i32 to vector<16xi32>
      %add3A_598 = arith.addi %add3A_597, %iota3A : vector<16xi32>
      %mul3A_599 = arith.constant 3 : i32
      %mul3A_600 = vector.broadcast %mul3A_599 : i32 to vector<16xi32>
      %mul3A_601 = arith.muli %add3A_598, %mul3A_600 : vector<16xi32>
      %add3A_602 = arith.constant 0 : i32
      %add3A_603 = vector.broadcast %add3A_602 : i32 to vector<16xi32>
      %add3A_604 = arith.addi %mul3A_601, %add3A_603 : vector<16xi32>
      %gather3A = tpu.vector_load_idx %arg11[%add3A_604] : memref<1536xi32, #tpu.memory_space<vmem>>[vector<16xi32>], vector<16xi32>,
      %eq3A = arith.constant 0 : i32
      %eq3A_605 = vector.broadcast %eq3A : i32 to vector<16xi32>
      %eq3A_606 = arith.cmpi eq, %gather3A, %eq3A_605 : vector<16xi32>
      %all_reduce_population_count3A = tpu.all_reduce %eq3A_606 {dim = 0 : i64, kind = #tpu.reduction_kind<sum>} : vector<16xi1> -> vector<16xi32>
      %add3A_607 = arith.addi %scan3A_594, %all_reduce_population_count3A : vector<16xi32>
      %add3A_608 = arith.constant 0 : i32
      %add3A_609 = vector.broadcast %add3A_608 : i32 to vector<16xi32>
      %add3A_610 = arith.addi %gather3A, %add3A_609 : vector<16xi32>
      %mul3A_611 = arith.constant 16 : i32
      %mul3A_612 = arith.muli %scan3A_593, %mul3A_611 : i32
      %swap3A = arith.constant 13 : i32
      %swap3A_613 = arith.index_cast %swap3A : i32 to index
      %swap3A_614 = arith.index_cast %mul3A_612 : i32 to index
      %swap3A_615 = tpu.vector_load %arg12[%swap3A_613, %swap3A_614] {strides = array<i32>} : memref<16x512xi32, #tpu.memory_space<vmem>>, vector<16xi32>,
      tpu.vector_store %arg12[%swap3A_613, %swap3A_614], %add3A_610 {strides = array<i32>} : memref<16x512xi32, #tpu.memory_space<vmem>>, vector<16xi32>,
      scf.yield %add3A_607 : vector<16xi32>
    }
    %scan3A_221 = arith.constant 32 : i32
    %reduce_max3A_222 = arith.constant true
    %reduce_max3A_223 = vector.broadcast %reduce_max3A_222 : i1 to vector<16xi1>
    %reduce_max3A_224 = arith.constant -2147483648 : i32
    %reduce_max3A_225 = vector.broadcast %reduce_max3A_224 : i32 to vector<16xi32>
    %reduce_max3A_226 = arith.xori %scan3A_220, %reduce_max3A_225 : vector<16xi32>
    %reduce_max3A_227 = tpu.scan <max>, %reduce_max3A_226 masked %reduce_max3A_223 : vector<16xi32>, vector<16xi1> -> vector<16xi32>
    %reduce_max3A_228 = arith.xori %reduce_max3A_227, %reduce_max3A_225 : vector<16xi32>
    %reduce_max3A_229 = vector.extract %reduce_max3A_228[15] : i32 from vector<16xi32>
    %broadcast_in_dim3A_230 = arith.constant 0 : i32
    %broadcast_in_dim3A_231 = vector.broadcast %broadcast_in_dim3A_230 : i32 to vector<16xi32>
    %scan3A_232 = arith.constant 0 : i32
    %scan3A_233 = arith.constant 32 : i32
    %scan3A_234 = arith.addi %scan3A_232, %scan3A_233 : i32
    %scan3A_235 = arith.constant 1 : i32
    %scan3A_236 = scf.for %scan3A_593 = %scan3A_232 to %scan3A_234 step %scan3A_235 iter_args(%scan3A_594 = %broadcast_in_dim3A_231) -> (vector<16xi32>)  : i32 {
      %mul3A_595 = arith.constant 16 : i32
      %mul3A_596 = arith.muli %scan3A_593, %mul3A_595 : i32
      %add3A_597 = vector.broadcast %mul3A_596 : i32 to vector<16xi32>
      %add3A_598 = arith.addi %add3A_597, %iota3A : vector<16xi32>
      %mul3A_599 = arith.constant 3 : i32
      %mul3A_600 = vector.broadcast %mul3A_599 : i32 to vector<16xi32>
      %mul3A_601 = arith.muli %add3A_598, %mul3A_600 : vector<16xi32>
      %add3A_602 = arith.constant 1 : i32
      %add3A_603 = vector.broadcast %add3A_602 : i32 to vector<16xi32>
      %add3A_604 = arith.addi %mul3A_601, %add3A_603 : vector<16xi32>
      %gather3A = tpu.vector_load_idx %arg11[%add3A_604] : memref<1536xi32, #tpu.memory_space<vmem>>[vector<16xi32>], vector<16xi32>,
      %eq3A = arith.constant 0 : i32
      %eq3A_605 = vector.broadcast %eq3A : i32 to vector<16xi32>
      %eq3A_606 = arith.cmpi eq, %gather3A, %eq3A_605 : vector<16xi32>
      %all_reduce_population_count3A = tpu.all_reduce %eq3A_606 {dim = 0 : i64, kind = #tpu.reduction_kind<sum>} : vector<16xi1> -> vector<16xi32>
      %add3A_607 = arith.addi %scan3A_594, %all_reduce_population_count3A : vector<16xi32>
      %add3A_608 = arith.constant 1000 : i32
      %add3A_609 = vector.broadcast %add3A_608 : i32 to vector<16xi32>
      %add3A_610 = arith.addi %gather3A, %add3A_609 : vector<16xi32>
      %mul3A_611 = arith.constant 16 : i32
      %mul3A_612 = arith.muli %scan3A_593, %mul3A_611 : i32
      %swap3A = arith.constant 14 : i32
      %swap3A_613 = arith.index_cast %swap3A : i32 to index
      %swap3A_614 = arith.index_cast %mul3A_612 : i32 to index
      %swap3A_615 = tpu.vector_load %arg12[%swap3A_613, %swap3A_614] {strides = array<i32>} : memref<16x512xi32, #tpu.memory_space<vmem>>, vector<16xi32>,
      tpu.vector_store %arg12[%swap3A_613, %swap3A_614], %add3A_610 {strides = array<i32>} : memref<16x512xi32, #tpu.memory_space<vmem>>, vector<16xi32>,
      scf.yield %add3A_607 : vector<16xi32>
    }
    %scan3A_237 = arith.constant 32 : i32
    %reduce_max3A_238 = arith.constant true
    %reduce_max3A_239 = vector.broadcast %reduce_max3A_238 : i1 to vector<16xi1>
    %reduce_max3A_240 = arith.constant -2147483648 : i32
    %reduce_max3A_241 = vector.broadcast %reduce_max3A_240 : i32 to vector<16xi32>
    %reduce_max3A_242 = arith.xori %scan3A_236, %reduce_max3A_241 : vector<16xi32>
    %reduce_max3A_243 = tpu.scan <max>, %reduce_max3A_242 masked %reduce_max3A_239 : vector<16xi32>, vector<16xi1> -> vector<16xi32>
    %reduce_max3A_244 = arith.xori %reduce_max3A_243, %reduce_max3A_241 : vector<16xi32>
    %reduce_max3A_245 = vector.extract %reduce_max3A_244[15] : i32 from vector<16xi32>
    %broadcast_in_dim3A_246 = arith.constant 0 : i32
    %broadcast_in_dim3A_247 = vector.broadcast %broadcast_in_dim3A_246 : i32 to vector<16xi32>
    %scan3A_248 = arith.constant 0 : i32
    %scan3A_249 = arith.constant 32 : i32
    %scan3A_250 = arith.addi %scan3A_248, %scan3A_249 : i32
    %scan3A_251 = arith.constant 1 : i32
    %scan3A_252 = scf.for %scan3A_593 = %scan3A_248 to %scan3A_250 step %scan3A_251 iter_args(%scan3A_594 = %broadcast_in_dim3A_247) -> (vector<16xi32>)  : i32 {
      %mul3A_595 = arith.constant 16 : i32
      %mul3A_596 = arith.muli %scan3A_593, %mul3A_595 : i32
      %add3A_597 = vector.broadcast %mul3A_596 : i32 to vector<16xi32>
      %add3A_598 = arith.addi %add3A_597, %iota3A : vector<16xi32>
      %mul3A_599 = arith.constant 3 : i32
      %mul3A_600 = vector.broadcast %mul3A_599 : i32 to vector<16xi32>
      %mul3A_601 = arith.muli %add3A_598, %mul3A_600 : vector<16xi32>
      %add3A_602 = arith.constant 2 : i32
      %add3A_603 = vector.broadcast %add3A_602 : i32 to vector<16xi32>
      %add3A_604 = arith.addi %mul3A_601, %add3A_603 : vector<16xi32>
      %gather3A = tpu.vector_load_idx %arg11[%add3A_604] : memref<1536xi32, #tpu.memory_space<vmem>>[vector<16xi32>], vector<16xi32>,
      %eq3A = arith.constant 0 : i32
      %eq3A_605 = vector.broadcast %eq3A : i32 to vector<16xi32>
      %eq3A_606 = arith.cmpi eq, %gather3A, %eq3A_605 : vector<16xi32>
      %all_reduce_population_count3A = tpu.all_reduce %eq3A_606 {dim = 0 : i64, kind = #tpu.reduction_kind<sum>} : vector<16xi1> -> vector<16xi32>
      %add3A_607 = arith.addi %scan3A_594, %all_reduce_population_count3A : vector<16xi32>
      %add3A_608 = arith.constant 2000 : i32
      %add3A_609 = vector.broadcast %add3A_608 : i32 to vector<16xi32>
      %add3A_610 = arith.addi %gather3A, %add3A_609 : vector<16xi32>
      %mul3A_611 = arith.constant 16 : i32
      %mul3A_612 = arith.muli %scan3A_593, %mul3A_611 : i32
      %swap3A = arith.constant 15 : i32
      %swap3A_613 = arith.index_cast %swap3A : i32 to index
      %swap3A_614 = arith.index_cast %mul3A_612 : i32 to index
      %swap3A_615 = tpu.vector_load %arg12[%swap3A_613, %swap3A_614] {strides = array<i32>} : memref<16x512xi32, #tpu.memory_space<vmem>>, vector<16xi32>,
      tpu.vector_store %arg12[%swap3A_613, %swap3A_614], %add3A_610 {strides = array<i32>} : memref<16x512xi32, #tpu.memory_space<vmem>>, vector<16xi32>,
      scf.yield %add3A_607 : vector<16xi32>
    }
    %scan3A_253 = arith.constant 32 : i32
    %reduce_max3A_254 = arith.constant true
    %reduce_max3A_255 = vector.broadcast %reduce_max3A_254 : i1 to vector<16xi1>
    %reduce_max3A_256 = arith.constant -2147483648 : i32
    %reduce_max3A_257 = vector.broadcast %reduce_max3A_256 : i32 to vector<16xi32>
    %reduce_max3A_258 = arith.xori %scan3A_252, %reduce_max3A_257 : vector<16xi32>
    %reduce_max3A_259 = tpu.scan <max>, %reduce_max3A_258 masked %reduce_max3A_255 : vector<16xi32>, vector<16xi1> -> vector<16xi32>
    %reduce_max3A_260 = arith.xori %reduce_max3A_259, %reduce_max3A_257 : vector<16xi32>
    %reduce_max3A_261 = vector.extract %reduce_max3A_260[15] : i32 from vector<16xi32>
    %dma_start3A = arith.constant 0 : i32
    %dma_start3A_262 = arith.constant 0 : i32
    %dma_start3A_263 = tpu.memref_slice %arg12[%dma_start3A, %dma_start3A_262] : memref<16x512xi32, #tpu.memory_space<vmem>> -> memref<1x512xi32, #tpu.memory_space<vmem>>
    %dma_start3A_264 = tpu.memref_squeeze %dma_start3A_263 : memref<1x512xi32, #tpu.memory_space<vmem>> -> memref<512xi32, #tpu.memory_space<vmem>>
    %dma_start3A_265 = arith.constant 0 : i32
    %dma_start3A_266 = arith.constant 0 : i32
    %dma_start3A_267 = tpu.memref_slice %arg5[%dma_start3A_265, %dma_start3A_266] : memref<1000000x32xf32, #tpu.memory_space<hbm>> -> memref<1000000x32xf32, #tpu.memory_space<hbm>>
    tpu.enqueue_indirect_dma source(%dma_start3A_267 : memref<1000000x32xf32, #tpu.memory_space<hbm>>) target(%arg13 : memref<512x32xf32, #tpu.memory_space<vmem>>) offsets(%dma_start3A_264 : memref<512xi32, #tpu.memory_space<vmem>>) semaphore(%arg17 : memref<!tpu.dma_semaphore, #tpu.memory_space<semaphore_mem>>)
    %dma_wait3A = arith.constant 0 : i32
    %dma_wait3A_268 = arith.constant 0 : i32
    %dma_wait3A_269 = tpu.memref_slice %arg12[%dma_wait3A, %dma_wait3A_268] : memref<16x512xi32, #tpu.memory_space<vmem>> -> memref<1x512xi32, #tpu.memory_space<vmem>>
    %dma_wait3A_270 = tpu.memref_squeeze %dma_wait3A_269 : memref<1x512xi32, #tpu.memory_space<vmem>> -> memref<512xi32, #tpu.memory_space<vmem>>
    %dma_wait3A_271 = arith.constant 0 : i32
    %dma_wait3A_272 = arith.constant 0 : i32
    %dma_wait3A_273 = tpu.memref_slice %arg5[%dma_wait3A_271, %dma_wait3A_272] : memref<1000000x32xf32, #tpu.memory_space<hbm>> -> memref<1000000x32xf32, #tpu.memory_space<hbm>>
    tpu.wait_indirect_dma semaphore(%arg17 : memref<!tpu.dma_semaphore, #tpu.memory_space<semaphore_mem>>) src(%dma_wait3A_273 : memref<1000000x32xf32, #tpu.memory_space<hbm>>) dst(%arg13 : memref<512x32xf32, #tpu.memory_space<vmem>>)
    %dma_start3A_274 = arith.constant 1 : i32
    %dma_start3A_275 = arith.constant 0 : i32
    %dma_start3A_276 = tpu.memref_slice %arg12[%dma_start3A_274, %dma_start3A_275] : memref<16x512xi32, #tpu.memory_space<vmem>> -> memref<1x512xi32, #tpu.memory_space<vmem>>
    %dma_start3A_277 = tpu.memref_squeeze %dma_start3A_276 : memref<1x512xi32, #tpu.memory_space<vmem>> -> memref<512xi32, #tpu.memory_space<vmem>>
    %dma_start3A_278 = arith.constant 0 : i32
    %dma_start3A_279 = arith.constant 0 : i32
    %dma_start3A_280 = tpu.memref_slice %arg5[%dma_start3A_278, %dma_start3A_279] : memref<1000000x32xf32, #tpu.memory_space<hbm>> -> memref<1000000x32xf32, #tpu.memory_space<hbm>>
    tpu.enqueue_indirect_dma source(%dma_start3A_280 : memref<1000000x32xf32, #tpu.memory_space<hbm>>) target(%arg14 : memref<512x32xf32, #tpu.memory_space<vmem>>) offsets(%dma_start3A_277 : memref<512xi32, #tpu.memory_space<vmem>>) semaphore(%arg18 : memref<!tpu.dma_semaphore, #tpu.memory_space<semaphore_mem>>)
    %broadcast_in_dim3A_281 = arith.constant 0.000000e+00 : f32
    %broadcast_in_dim3A_282 = vector.broadcast %broadcast_in_dim3A_281 : f32 to vector<16xf32>
    %gt3A = arith.constant 0 : i32
    %gt3A_283 = arith.cmpi sgt, %reduce_max3A_21, %gt3A : i32
    %convert_element_type3A = arith.extui %gt3A_283 : i1 to i32
    %cond3A = arith.constant 0 : i32
    %cond3A_284 = arith.cmpi ne, %convert_element_type3A, %cond3A : i32
    scf.if %cond3A_284 {
      %scan3A_593 = arith.constant 0 : i32
      %scan3A_594 = arith.constant 0 : i32
      %scan3A_595 = arith.constant 32 : i32
      %scan3A_596 = arith.addi %scan3A_594, %scan3A_595 : i32
      %scan3A_597 = arith.constant 1 : i32
      %scan3A_598 = scf.for %scan3A_600 = %scan3A_594 to %scan3A_596 step %scan3A_597 iter_args(%scan3A_601 = %scan3A_593) -> (i32)  : i32 {
        %mul3A_602 = arith.constant 16 : i32
        %mul3A_603 = arith.muli %scan3A_600, %mul3A_602 : i32
        %add3A_604 = vector.broadcast %mul3A_603 : i32 to vector<16xi32>
        %add3A_605 = arith.addi %add3A_604, %iota3A : vector<16xi32>
        %mul3A_606 = arith.constant 16 : i32
        %mul3A_607 = arith.muli %scan3A_600, %mul3A_606 : i32
        %get3A = arith.constant 0 : i32
        %get3A_608 = arith.index_cast %get3A : i32 to index
        %get3A_609 = arith.index_cast %mul3A_607 : i32 to index
        %get3A_610 = tpu.vector_load %arg12[%get3A_608, %get3A_609] {strides = array<i32>} : memref<16x512xi32, #tpu.memory_space<vmem>>, vector<16xi32>,
        %eq3A = arith.constant 0 : i32
        %eq3A_611 = vector.broadcast %eq3A : i32 to vector<16xi32>
        %eq3A_612 = arith.cmpi eq, %get3A_610, %eq3A_611 : vector<16xi32>
        %scan3A_613 = arith.constant 0 : i32
        %scan3A_614 = arith.constant 0 : i32
        %scan3A_615 = arith.constant 32 : i32
        %scan3A_616 = arith.addi %scan3A_614, %scan3A_615 : i32
        %scan3A_617 = arith.constant 1 : i32
        %scan3A_618 = scf.for %scan3A_621 = %scan3A_614 to %scan3A_616 step %scan3A_617 iter_args(%scan3A_622 = %scan3A_613) -> (i32)  : i32 {
          %broadcast_in_dim3A_623 = arith.constant 0 : i32
          %broadcast_in_dim3A_624 = vector.broadcast %broadcast_in_dim3A_623 : i32 to vector<16xi32>
          %add3A_625 = vector.broadcast %scan3A_621 : i32 to vector<16xi32>
          %add3A_626 = arith.addi %broadcast_in_dim3A_624, %add3A_625 : vector<16xi32>
          tpu.vector_store_idx %arg13[%add3A_605, %add3A_626], %broadcast_in_dim3A_282 masked %eq3A_612 : memref<512x32xf32, #tpu.memory_space<vmem>>[vector<16xi32>, vector<16xi32>], vector<16xf32>, vector<16xi1>
          %scan3A_627 = arith.constant 0 : i32
          scf.yield %scan3A_627 : i32
        }
        %scan3A_619 = arith.constant 32 : i32
        %scan3A_620 = arith.constant 0 : i32
        scf.yield %scan3A_620 : i32
      }
      %scan3A_599 = arith.constant 32 : i32
    } else {
    }
    "tpu.region"() ({
      %run_scoped3A = tpu.sem_alloc : memref<!tpu.dma_semaphore, #tpu.memory_space<semaphore_mem>>
      %dma_start3A_593 = arith.constant 0 : i32
      %dma_start3A_594 = tpu.memref_slice %arg8[%mul3A_2, %dma_start3A_593] : memref<16384x368xf32, #tpu.memory_space<hbm>> -> memref<512x32xf32, #tpu.memory_space<hbm>>
      %dma_start3A_595 = arith.constant 0 : i32
      %dma_start3A_596 = tpu.memref_slice %arg8[%mul3A_2, %dma_start3A_595] : memref<16384x368xf32, #tpu.memory_space<hbm>> -> memref<512x32xf32, #tpu.memory_space<hbm>>
      tpu.enqueue_dma source(%arg13 : memref<512x32xf32, #tpu.memory_space<vmem>>) target(%dma_start3A_596 : memref<512x32xf32, #tpu.memory_space<hbm>>) target_semaphore(%run_scoped3A : memref<!tpu.dma_semaphore, #tpu.memory_space<semaphore_mem>>)
      %dma_wait3A_597 = arith.constant 0 : i32
      %dma_wait3A_598 = tpu.memref_slice %arg8[%mul3A_2, %dma_wait3A_597] : memref<16384x368xf32, #tpu.memory_space<hbm>> -> memref<512x32xf32, #tpu.memory_space<hbm>>
      %dma_wait3A_599 = arith.constant 0 : i32
      %dma_wait3A_600 = tpu.memref_slice %arg8[%mul3A_2, %dma_wait3A_599] : memref<16384x368xf32, #tpu.memory_space<hbm>> -> memref<512x32xf32, #tpu.memory_space<hbm>>
      tpu.wait_dma2 semaphore(%run_scoped3A : memref<!tpu.dma_semaphore, #tpu.memory_space<semaphore_mem>>) src(%arg13 : memref<512x32xf32, #tpu.memory_space<vmem>>) dst(%dma_wait3A_600 : memref<512x32xf32, #tpu.memory_space<hbm>>)
      tpu.yield
    }) : () -> ()
    %dma_wait3A_285 = arith.constant 1 : i32
    %dma_wait3A_286 = arith.constant 0 : i32
    %dma_wait3A_287 = tpu.memref_slice %arg12[%dma_wait3A_285, %dma_wait3A_286] : memref<16x512xi32, #tpu.memory_space<vmem>> -> memref<1x512xi32, #tpu.memory_space<vmem>>
    %dma_wait3A_288 = tpu.memref_squeeze %dma_wait3A_287 : memref<1x512xi32, #tpu.memory_space<vmem>> -> memref<512xi32, #tpu.memory_space<vmem>>
    %dma_wait3A_289 = arith.constant 0 : i32
    %dma_wait3A_290 = arith.constant 0 : i32
    %dma_wait3A_291 = tpu.memref_slice %arg5[%dma_wait3A_289, %dma_wait3A_290] : memref<1000000x32xf32, #tpu.memory_space<hbm>> -> memref<1000000x32xf32, #tpu.memory_space<hbm>>
    tpu.wait_indirect_dma semaphore(%arg18 : memref<!tpu.dma_semaphore, #tpu.memory_space<semaphore_mem>>) src(%dma_wait3A_291 : memref<1000000x32xf32, #tpu.memory_space<hbm>>) dst(%arg14 : memref<512x32xf32, #tpu.memory_space<vmem>>)
    %dma_start3A_292 = arith.constant 2 : i32
    %dma_start3A_293 = arith.constant 0 : i32
    %dma_start3A_294 = tpu.memref_slice %arg12[%dma_start3A_292, %dma_start3A_293] : memref<16x512xi32, #tpu.memory_space<vmem>> -> memref<1x512xi32, #tpu.memory_space<vmem>>
    %dma_start3A_295 = tpu.memref_squeeze %dma_start3A_294 : memref<1x512xi32, #tpu.memory_space<vmem>> -> memref<512xi32, #tpu.memory_space<vmem>>
    %dma_start3A_296 = arith.constant 0 : i32
    %dma_start3A_297 = arith.constant 0 : i32
    %dma_start3A_298 = tpu.memref_slice %arg5[%dma_start3A_296, %dma_start3A_297] : memref<1000000x32xf32, #tpu.memory_space<hbm>> -> memref<1000000x32xf32, #tpu.memory_space<hbm>>
    tpu.enqueue_indirect_dma source(%dma_start3A_298 : memref<1000000x32xf32, #tpu.memory_space<hbm>>) target(%arg13 : memref<512x32xf32, #tpu.memory_space<vmem>>) offsets(%dma_start3A_295 : memref<512xi32, #tpu.memory_space<vmem>>) semaphore(%arg17 : memref<!tpu.dma_semaphore, #tpu.memory_space<semaphore_mem>>)
    %broadcast_in_dim3A_299 = arith.constant 0.000000e+00 : f32
    %broadcast_in_dim3A_300 = vector.broadcast %broadcast_in_dim3A_299 : f32 to vector<16xf32>
    %gt3A_301 = arith.constant 0 : i32
    %gt3A_302 = arith.cmpi sgt, %reduce_max3A_37, %gt3A_301 : i32
    %convert_element_type3A_303 = arith.extui %gt3A_302 : i1 to i32
    %cond3A_304 = arith.constant 0 : i32
    %cond3A_305 = arith.cmpi ne, %convert_element_type3A_303, %cond3A_304 : i32
    scf.if %cond3A_305 {
      %scan3A_593 = arith.constant 0 : i32
      %scan3A_594 = arith.constant 0 : i32
      %scan3A_595 = arith.constant 32 : i32
      %scan3A_596 = arith.addi %scan3A_594, %scan3A_595 : i32
      %scan3A_597 = arith.constant 1 : i32
      %scan3A_598 = scf.for %scan3A_600 = %scan3A_594 to %scan3A_596 step %scan3A_597 iter_args(%scan3A_601 = %scan3A_593) -> (i32)  : i32 {
        %mul3A_602 = arith.constant 16 : i32
        %mul3A_603 = arith.muli %scan3A_600, %mul3A_602 : i32
        %add3A_604 = vector.broadcast %mul3A_603 : i32 to vector<16xi32>
        %add3A_605 = arith.addi %add3A_604, %iota3A : vector<16xi32>
        %mul3A_606 = arith.constant 16 : i32
        %mul3A_607 = arith.muli %scan3A_600, %mul3A_606 : i32
        %get3A = arith.constant 1 : i32
        %get3A_608 = arith.index_cast %get3A : i32 to index
        %get3A_609 = arith.index_cast %mul3A_607 : i32 to index
        %get3A_610 = tpu.vector_load %arg12[%get3A_608, %get3A_609] {strides = array<i32>} : memref<16x512xi32, #tpu.memory_space<vmem>>, vector<16xi32>,
        %eq3A = arith.constant 100000 : i32
        %eq3A_611 = vector.broadcast %eq3A : i32 to vector<16xi32>
        %eq3A_612 = arith.cmpi eq, %get3A_610, %eq3A_611 : vector<16xi32>
        %scan3A_613 = arith.constant 0 : i32
        %scan3A_614 = arith.constant 0 : i32
        %scan3A_615 = arith.constant 32 : i32
        %scan3A_616 = arith.addi %scan3A_614, %scan3A_615 : i32
        %scan3A_617 = arith.constant 1 : i32
        %scan3A_618 = scf.for %scan3A_621 = %scan3A_614 to %scan3A_616 step %scan3A_617 iter_args(%scan3A_622 = %scan3A_613) -> (i32)  : i32 {
          %broadcast_in_dim3A_623 = arith.constant 0 : i32
          %broadcast_in_dim3A_624 = vector.broadcast %broadcast_in_dim3A_623 : i32 to vector<16xi32>
          %add3A_625 = vector.broadcast %scan3A_621 : i32 to vector<16xi32>
          %add3A_626 = arith.addi %broadcast_in_dim3A_624, %add3A_625 : vector<16xi32>
          tpu.vector_store_idx %arg14[%add3A_605, %add3A_626], %broadcast_in_dim3A_300 masked %eq3A_612 : memref<512x32xf32, #tpu.memory_space<vmem>>[vector<16xi32>, vector<16xi32>], vector<16xf32>, vector<16xi1>
          %scan3A_627 = arith.constant 0 : i32
          scf.yield %scan3A_627 : i32
        }
        %scan3A_619 = arith.constant 32 : i32
        %scan3A_620 = arith.constant 0 : i32
        scf.yield %scan3A_620 : i32
      }
      %scan3A_599 = arith.constant 32 : i32
    } else {
    }
    "tpu.region"() ({
      %run_scoped3A = tpu.sem_alloc : memref<!tpu.dma_semaphore, #tpu.memory_space<semaphore_mem>>
      %dma_start3A_593 = arith.constant 32 : i32
      %dma_start3A_594 = tpu.memref_slice %arg8[%mul3A_2, %dma_start3A_593] : memref<16384x368xf32, #tpu.memory_space<hbm>> -> memref<512x32xf32, #tpu.memory_space<hbm>>
      %dma_start3A_595 = arith.constant 32 : i32
      %dma_start3A_596 = tpu.memref_slice %arg8[%mul3A_2, %dma_start3A_595] : memref<16384x368xf32, #tpu.memory_space<hbm>> -> memref<512x32xf32, #tpu.memory_space<hbm>>
      tpu.enqueue_dma source(%arg14 : memref<512x32xf32, #tpu.memory_space<vmem>>) target(%dma_start3A_596 : memref<512x32xf32, #tpu.memory_space<hbm>>) target_semaphore(%run_scoped3A : memref<!tpu.dma_semaphore, #tpu.memory_space<semaphore_mem>>)
      %dma_wait3A_597 = arith.constant 32 : i32
      %dma_wait3A_598 = tpu.memref_slice %arg8[%mul3A_2, %dma_wait3A_597] : memref<16384x368xf32, #tpu.memory_space<hbm>> -> memref<512x32xf32, #tpu.memory_space<hbm>>
      %dma_wait3A_599 = arith.constant 32 : i32
      %dma_wait3A_600 = tpu.memref_slice %arg8[%mul3A_2, %dma_wait3A_599] : memref<16384x368xf32, #tpu.memory_space<hbm>> -> memref<512x32xf32, #tpu.memory_space<hbm>>
      tpu.wait_dma2 semaphore(%run_scoped3A : memref<!tpu.dma_semaphore, #tpu.memory_space<semaphore_mem>>) src(%arg14 : memref<512x32xf32, #tpu.memory_space<vmem>>) dst(%dma_wait3A_600 : memref<512x32xf32, #tpu.memory_space<hbm>>)
      tpu.yield
    }) : () -> ()
    %dma_wait3A_306 = arith.constant 2 : i32
    %dma_wait3A_307 = arith.constant 0 : i32
    %dma_wait3A_308 = tpu.memref_slice %arg12[%dma_wait3A_306, %dma_wait3A_307] : memref<16x512xi32, #tpu.memory_space<vmem>> -> memref<1x512xi32, #tpu.memory_space<vmem>>
    %dma_wait3A_309 = tpu.memref_squeeze %dma_wait3A_308 : memref<1x512xi32, #tpu.memory_space<vmem>> -> memref<512xi32, #tpu.memory_space<vmem>>
    %dma_wait3A_310 = arith.constant 0 : i32
    %dma_wait3A_311 = arith.constant 0 : i32
    %dma_wait3A_312 = tpu.memref_slice %arg5[%dma_wait3A_310, %dma_wait3A_311] : memref<1000000x32xf32, #tpu.memory_space<hbm>> -> memref<1000000x32xf32, #tpu.memory_space<hbm>>
    tpu.wait_indirect_dma semaphore(%arg17 : memref<!tpu.dma_semaphore, #tpu.memory_space<semaphore_mem>>) src(%dma_wait3A_312 : memref<1000000x32xf32, #tpu.memory_space<hbm>>) dst(%arg13 : memref<512x32xf32, #tpu.memory_space<vmem>>)
    %dma_start3A_313 = arith.constant 3 : i32
    %dma_start3A_314 = arith.constant 0 : i32
    %dma_start3A_315 = tpu.memref_slice %arg12[%dma_start3A_313, %dma_start3A_314] : memref<16x512xi32, #tpu.memory_space<vmem>> -> memref<1x512xi32, #tpu.memory_space<vmem>>
    %dma_start3A_316 = tpu.memref_squeeze %dma_start3A_315 : memref<1x512xi32, #tpu.memory_space<vmem>> -> memref<512xi32, #tpu.memory_space<vmem>>
    %dma_start3A_317 = arith.constant 0 : i32
    %dma_start3A_318 = arith.constant 0 : i32
    %dma_start3A_319 = tpu.memref_slice %arg5[%dma_start3A_317, %dma_start3A_318] : memref<1000000x32xf32, #tpu.memory_space<hbm>> -> memref<1000000x32xf32, #tpu.memory_space<hbm>>
    tpu.enqueue_indirect_dma source(%dma_start3A_319 : memref<1000000x32xf32, #tpu.memory_space<hbm>>) target(%arg14 : memref<512x32xf32, #tpu.memory_space<vmem>>) offsets(%dma_start3A_316 : memref<512xi32, #tpu.memory_space<vmem>>) semaphore(%arg18 : memref<!tpu.dma_semaphore, #tpu.memory_space<semaphore_mem>>)
    %broadcast_in_dim3A_320 = arith.constant 0.000000e+00 : f32
    %broadcast_in_dim3A_321 = vector.broadcast %broadcast_in_dim3A_320 : f32 to vector<16xf32>
    %gt3A_322 = arith.constant 0 : i32
    %gt3A_323 = arith.cmpi sgt, %reduce_max3A_53, %gt3A_322 : i32
    %convert_element_type3A_324 = arith.extui %gt3A_323 : i1 to i32
    %cond3A_325 = arith.constant 0 : i32
    %cond3A_326 = arith.cmpi ne, %convert_element_type3A_324, %cond3A_325 : i32
    scf.if %cond3A_326 {
      %scan3A_593 = arith.constant 0 : i32
      %scan3A_594 = arith.constant 0 : i32
      %scan3A_595 = arith.constant 32 : i32
      %scan3A_596 = arith.addi %scan3A_594, %scan3A_595 : i32
      %scan3A_597 = arith.constant 1 : i32
      %scan3A_598 = scf.for %scan3A_600 = %scan3A_594 to %scan3A_596 step %scan3A_597 iter_args(%scan3A_601 = %scan3A_593) -> (i32)  : i32 {
        %mul3A_602 = arith.constant 16 : i32
        %mul3A_603 = arith.muli %scan3A_600, %mul3A_602 : i32
        %add3A_604 = vector.broadcast %mul3A_603 : i32 to vector<16xi32>
        %add3A_605 = arith.addi %add3A_604, %iota3A : vector<16xi32>
        %mul3A_606 = arith.constant 16 : i32
        %mul3A_607 = arith.muli %scan3A_600, %mul3A_606 : i32
        %get3A = arith.constant 2 : i32
        %get3A_608 = arith.index_cast %get3A : i32 to index
        %get3A_609 = arith.index_cast %mul3A_607 : i32 to index
        %get3A_610 = tpu.vector_load %arg12[%get3A_608, %get3A_609] {strides = array<i32>} : memref<16x512xi32, #tpu.memory_space<vmem>>, vector<16xi32>,
        %eq3A = arith.constant 200000 : i32
        %eq3A_611 = vector.broadcast %eq3A : i32 to vector<16xi32>
        %eq3A_612 = arith.cmpi eq, %get3A_610, %eq3A_611 : vector<16xi32>
        %scan3A_613 = arith.constant 0 : i32
        %scan3A_614 = arith.constant 0 : i32
        %scan3A_615 = arith.constant 32 : i32
        %scan3A_616 = arith.addi %scan3A_614, %scan3A_615 : i32
        %scan3A_617 = arith.constant 1 : i32
        %scan3A_618 = scf.for %scan3A_621 = %scan3A_614 to %scan3A_616 step %scan3A_617 iter_args(%scan3A_622 = %scan3A_613) -> (i32)  : i32 {
          %broadcast_in_dim3A_623 = arith.constant 0 : i32
          %broadcast_in_dim3A_624 = vector.broadcast %broadcast_in_dim3A_623 : i32 to vector<16xi32>
          %add3A_625 = vector.broadcast %scan3A_621 : i32 to vector<16xi32>
          %add3A_626 = arith.addi %broadcast_in_dim3A_624, %add3A_625 : vector<16xi32>
          tpu.vector_store_idx %arg13[%add3A_605, %add3A_626], %broadcast_in_dim3A_321 masked %eq3A_612 : memref<512x32xf32, #tpu.memory_space<vmem>>[vector<16xi32>, vector<16xi32>], vector<16xf32>, vector<16xi1>
          %scan3A_627 = arith.constant 0 : i32
          scf.yield %scan3A_627 : i32
        }
        %scan3A_619 = arith.constant 32 : i32
        %scan3A_620 = arith.constant 0 : i32
        scf.yield %scan3A_620 : i32
      }
      %scan3A_599 = arith.constant 32 : i32
    } else {
    }
    "tpu.region"() ({
      %run_scoped3A = tpu.sem_alloc : memref<!tpu.dma_semaphore, #tpu.memory_space<semaphore_mem>>
      %dma_start3A_593 = arith.constant 64 : i32
      %dma_start3A_594 = tpu.memref_slice %arg8[%mul3A_2, %dma_start3A_593] : memref<16384x368xf32, #tpu.memory_space<hbm>> -> memref<512x32xf32, #tpu.memory_space<hbm>>
      %dma_start3A_595 = arith.constant 64 : i32
      %dma_start3A_596 = tpu.memref_slice %arg8[%mul3A_2, %dma_start3A_595] : memref<16384x368xf32, #tpu.memory_space<hbm>> -> memref<512x32xf32, #tpu.memory_space<hbm>>
      tpu.enqueue_dma source(%arg13 : memref<512x32xf32, #tpu.memory_space<vmem>>) target(%dma_start3A_596 : memref<512x32xf32, #tpu.memory_space<hbm>>) target_semaphore(%run_scoped3A : memref<!tpu.dma_semaphore, #tpu.memory_space<semaphore_mem>>)
      %dma_wait3A_597 = arith.constant 64 : i32
      %dma_wait3A_598 = tpu.memref_slice %arg8[%mul3A_2, %dma_wait3A_597] : memref<16384x368xf32, #tpu.memory_space<hbm>> -> memref<512x32xf32, #tpu.memory_space<hbm>>
      %dma_wait3A_599 = arith.constant 64 : i32
      %dma_wait3A_600 = tpu.memref_slice %arg8[%mul3A_2, %dma_wait3A_599] : memref<16384x368xf32, #tpu.memory_space<hbm>> -> memref<512x32xf32, #tpu.memory_space<hbm>>
      tpu.wait_dma2 semaphore(%run_scoped3A : memref<!tpu.dma_semaphore, #tpu.memory_space<semaphore_mem>>) src(%arg13 : memref<512x32xf32, #tpu.memory_space<vmem>>) dst(%dma_wait3A_600 : memref<512x32xf32, #tpu.memory_space<hbm>>)
      tpu.yield
    }) : () -> ()
    %dma_wait3A_327 = arith.constant 3 : i32
    %dma_wait3A_328 = arith.constant 0 : i32
    %dma_wait3A_329 = tpu.memref_slice %arg12[%dma_wait3A_327, %dma_wait3A_328] : memref<16x512xi32, #tpu.memory_space<vmem>> -> memref<1x512xi32, #tpu.memory_space<vmem>>
    %dma_wait3A_330 = tpu.memref_squeeze %dma_wait3A_329 : memref<1x512xi32, #tpu.memory_space<vmem>> -> memref<512xi32, #tpu.memory_space<vmem>>
    %dma_wait3A_331 = arith.constant 0 : i32
    %dma_wait3A_332 = arith.constant 0 : i32
    %dma_wait3A_333 = tpu.memref_slice %arg5[%dma_wait3A_331, %dma_wait3A_332] : memref<1000000x32xf32, #tpu.memory_space<hbm>> -> memref<1000000x32xf32, #tpu.memory_space<hbm>>
    tpu.wait_indirect_dma semaphore(%arg18 : memref<!tpu.dma_semaphore, #tpu.memory_space<semaphore_mem>>) src(%dma_wait3A_333 : memref<1000000x32xf32, #tpu.memory_space<hbm>>) dst(%arg14 : memref<512x32xf32, #tpu.memory_space<vmem>>)
    %dma_start3A_334 = arith.constant 4 : i32
    %dma_start3A_335 = arith.constant 0 : i32
    %dma_start3A_336 = tpu.memref_slice %arg12[%dma_start3A_334, %dma_start3A_335] : memref<16x512xi32, #tpu.memory_space<vmem>> -> memref<1x512xi32, #tpu.memory_space<vmem>>
    %dma_start3A_337 = tpu.memref_squeeze %dma_start3A_336 : memref<1x512xi32, #tpu.memory_space<vmem>> -> memref<512xi32, #tpu.memory_space<vmem>>
    %dma_start3A_338 = arith.constant 0 : i32
    %dma_start3A_339 = arith.constant 0 : i32
    %dma_start3A_340 = tpu.memref_slice %arg5[%dma_start3A_338, %dma_start3A_339] : memref<1000000x32xf32, #tpu.memory_space<hbm>> -> memref<1000000x32xf32, #tpu.memory_space<hbm>>
    tpu.enqueue_indirect_dma source(%dma_start3A_340 : memref<1000000x32xf32, #tpu.memory_space<hbm>>) target(%arg13 : memref<512x32xf32, #tpu.memory_space<vmem>>) offsets(%dma_start3A_337 : memref<512xi32, #tpu.memory_space<vmem>>) semaphore(%arg17 : memref<!tpu.dma_semaphore, #tpu.memory_space<semaphore_mem>>)
    %broadcast_in_dim3A_341 = arith.constant 0.000000e+00 : f32
    %broadcast_in_dim3A_342 = vector.broadcast %broadcast_in_dim3A_341 : f32 to vector<16xf32>
    %gt3A_343 = arith.constant 0 : i32
    %gt3A_344 = arith.cmpi sgt, %reduce_max3A_69, %gt3A_343 : i32
    %convert_element_type3A_345 = arith.extui %gt3A_344 : i1 to i32
    %cond3A_346 = arith.constant 0 : i32
    %cond3A_347 = arith.cmpi ne, %convert_element_type3A_345, %cond3A_346 : i32
    scf.if %cond3A_347 {
      %scan3A_593 = arith.constant 0 : i32
      %scan3A_594 = arith.constant 0 : i32
      %scan3A_595 = arith.constant 32 : i32
      %scan3A_596 = arith.addi %scan3A_594, %scan3A_595 : i32
      %scan3A_597 = arith.constant 1 : i32
      %scan3A_598 = scf.for %scan3A_600 = %scan3A_594 to %scan3A_596 step %scan3A_597 iter_args(%scan3A_601 = %scan3A_593) -> (i32)  : i32 {
        %mul3A_602 = arith.constant 16 : i32
        %mul3A_603 = arith.muli %scan3A_600, %mul3A_602 : i32
        %add3A_604 = vector.broadcast %mul3A_603 : i32 to vector<16xi32>
        %add3A_605 = arith.addi %add3A_604, %iota3A : vector<16xi32>
        %mul3A_606 = arith.constant 16 : i32
        %mul3A_607 = arith.muli %scan3A_600, %mul3A_606 : i32
        %get3A = arith.constant 3 : i32
        %get3A_608 = arith.index_cast %get3A : i32 to index
        %get3A_609 = arith.index_cast %mul3A_607 : i32 to index
        %get3A_610 = tpu.vector_load %arg12[%get3A_608, %get3A_609] {strides = array<i32>} : memref<16x512xi32, #tpu.memory_space<vmem>>, vector<16xi32>,
        %eq3A = arith.constant 300000 : i32
        %eq3A_611 = vector.broadcast %eq3A : i32 to vector<16xi32>
        %eq3A_612 = arith.cmpi eq, %get3A_610, %eq3A_611 : vector<16xi32>
        %scan3A_613 = arith.constant 0 : i32
        %scan3A_614 = arith.constant 0 : i32
        %scan3A_615 = arith.constant 32 : i32
        %scan3A_616 = arith.addi %scan3A_614, %scan3A_615 : i32
        %scan3A_617 = arith.constant 1 : i32
        %scan3A_618 = scf.for %scan3A_621 = %scan3A_614 to %scan3A_616 step %scan3A_617 iter_args(%scan3A_622 = %scan3A_613) -> (i32)  : i32 {
          %broadcast_in_dim3A_623 = arith.constant 0 : i32
          %broadcast_in_dim3A_624 = vector.broadcast %broadcast_in_dim3A_623 : i32 to vector<16xi32>
          %add3A_625 = vector.broadcast %scan3A_621 : i32 to vector<16xi32>
          %add3A_626 = arith.addi %broadcast_in_dim3A_624, %add3A_625 : vector<16xi32>
          tpu.vector_store_idx %arg14[%add3A_605, %add3A_626], %broadcast_in_dim3A_342 masked %eq3A_612 : memref<512x32xf32, #tpu.memory_space<vmem>>[vector<16xi32>, vector<16xi32>], vector<16xf32>, vector<16xi1>
          %scan3A_627 = arith.constant 0 : i32
          scf.yield %scan3A_627 : i32
        }
        %scan3A_619 = arith.constant 32 : i32
        %scan3A_620 = arith.constant 0 : i32
        scf.yield %scan3A_620 : i32
      }
      %scan3A_599 = arith.constant 32 : i32
    } else {
    }
    "tpu.region"() ({
      %run_scoped3A = tpu.sem_alloc : memref<!tpu.dma_semaphore, #tpu.memory_space<semaphore_mem>>
      %dma_start3A_593 = arith.constant 96 : i32
      %dma_start3A_594 = tpu.memref_slice %arg8[%mul3A_2, %dma_start3A_593] : memref<16384x368xf32, #tpu.memory_space<hbm>> -> memref<512x32xf32, #tpu.memory_space<hbm>>
      %dma_start3A_595 = arith.constant 96 : i32
      %dma_start3A_596 = tpu.memref_slice %arg8[%mul3A_2, %dma_start3A_595] : memref<16384x368xf32, #tpu.memory_space<hbm>> -> memref<512x32xf32, #tpu.memory_space<hbm>>
      tpu.enqueue_dma source(%arg14 : memref<512x32xf32, #tpu.memory_space<vmem>>) target(%dma_start3A_596 : memref<512x32xf32, #tpu.memory_space<hbm>>) target_semaphore(%run_scoped3A : memref<!tpu.dma_semaphore, #tpu.memory_space<semaphore_mem>>)
      %dma_wait3A_597 = arith.constant 96 : i32
      %dma_wait3A_598 = tpu.memref_slice %arg8[%mul3A_2, %dma_wait3A_597] : memref<16384x368xf32, #tpu.memory_space<hbm>> -> memref<512x32xf32, #tpu.memory_space<hbm>>
      %dma_wait3A_599 = arith.constant 96 : i32
      %dma_wait3A_600 = tpu.memref_slice %arg8[%mul3A_2, %dma_wait3A_599] : memref<16384x368xf32, #tpu.memory_space<hbm>> -> memref<512x32xf32, #tpu.memory_space<hbm>>
      tpu.wait_dma2 semaphore(%run_scoped3A : memref<!tpu.dma_semaphore, #tpu.memory_space<semaphore_mem>>) src(%arg14 : memref<512x32xf32, #tpu.memory_space<vmem>>) dst(%dma_wait3A_600 : memref<512x32xf32, #tpu.memory_space<hbm>>)
      tpu.yield
    }) : () -> ()
    %dma_wait3A_348 = arith.constant 4 : i32
    %dma_wait3A_349 = arith.constant 0 : i32
    %dma_wait3A_350 = tpu.memref_slice %arg12[%dma_wait3A_348, %dma_wait3A_349] : memref<16x512xi32, #tpu.memory_space<vmem>> -> memref<1x512xi32, #tpu.memory_space<vmem>>
    %dma_wait3A_351 = tpu.memref_squeeze %dma_wait3A_350 : memref<1x512xi32, #tpu.memory_space<vmem>> -> memref<512xi32, #tpu.memory_space<vmem>>
    %dma_wait3A_352 = arith.constant 0 : i32
    %dma_wait3A_353 = arith.constant 0 : i32
    %dma_wait3A_354 = tpu.memref_slice %arg5[%dma_wait3A_352, %dma_wait3A_353] : memref<1000000x32xf32, #tpu.memory_space<hbm>> -> memref<1000000x32xf32, #tpu.memory_space<hbm>>
    tpu.wait_indirect_dma semaphore(%arg17 : memref<!tpu.dma_semaphore, #tpu.memory_space<semaphore_mem>>) src(%dma_wait3A_354 : memref<1000000x32xf32, #tpu.memory_space<hbm>>) dst(%arg13 : memref<512x32xf32, #tpu.memory_space<vmem>>)
    %dma_start3A_355 = arith.constant 5 : i32
    %dma_start3A_356 = arith.constant 0 : i32
    %dma_start3A_357 = tpu.memref_slice %arg12[%dma_start3A_355, %dma_start3A_356] : memref<16x512xi32, #tpu.memory_space<vmem>> -> memref<1x512xi32, #tpu.memory_space<vmem>>
    %dma_start3A_358 = tpu.memref_squeeze %dma_start3A_357 : memref<1x512xi32, #tpu.memory_space<vmem>> -> memref<512xi32, #tpu.memory_space<vmem>>
    %dma_start3A_359 = arith.constant 0 : i32
    %dma_start3A_360 = arith.constant 0 : i32
    %dma_start3A_361 = tpu.memref_slice %arg5[%dma_start3A_359, %dma_start3A_360] : memref<1000000x32xf32, #tpu.memory_space<hbm>> -> memref<1000000x32xf32, #tpu.memory_space<hbm>>
    tpu.enqueue_indirect_dma source(%dma_start3A_361 : memref<1000000x32xf32, #tpu.memory_space<hbm>>) target(%arg14 : memref<512x32xf32, #tpu.memory_space<vmem>>) offsets(%dma_start3A_358 : memref<512xi32, #tpu.memory_space<vmem>>) semaphore(%arg18 : memref<!tpu.dma_semaphore, #tpu.memory_space<semaphore_mem>>)
    %broadcast_in_dim3A_362 = arith.constant 0.000000e+00 : f32
    %broadcast_in_dim3A_363 = vector.broadcast %broadcast_in_dim3A_362 : f32 to vector<16xf32>
    %gt3A_364 = arith.constant 0 : i32
    %gt3A_365 = arith.cmpi sgt, %reduce_max3A_85, %gt3A_364 : i32
    %convert_element_type3A_366 = arith.extui %gt3A_365 : i1 to i32
    %cond3A_367 = arith.constant 0 : i32
    %cond3A_368 = arith.cmpi ne, %convert_element_type3A_366, %cond3A_367 : i32
    scf.if %cond3A_368 {
      %scan3A_593 = arith.constant 0 : i32
      %scan3A_594 = arith.constant 0 : i32
      %scan3A_595 = arith.constant 32 : i32
      %scan3A_596 = arith.addi %scan3A_594, %scan3A_595 : i32
      %scan3A_597 = arith.constant 1 : i32
      %scan3A_598 = scf.for %scan3A_600 = %scan3A_594 to %scan3A_596 step %scan3A_597 iter_args(%scan3A_601 = %scan3A_593) -> (i32)  : i32 {
        %mul3A_602 = arith.constant 16 : i32
        %mul3A_603 = arith.muli %scan3A_600, %mul3A_602 : i32
        %add3A_604 = vector.broadcast %mul3A_603 : i32 to vector<16xi32>
        %add3A_605 = arith.addi %add3A_604, %iota3A : vector<16xi32>
        %mul3A_606 = arith.constant 16 : i32
        %mul3A_607 = arith.muli %scan3A_600, %mul3A_606 : i32
        %get3A = arith.constant 4 : i32
        %get3A_608 = arith.index_cast %get3A : i32 to index
        %get3A_609 = arith.index_cast %mul3A_607 : i32 to index
        %get3A_610 = tpu.vector_load %arg12[%get3A_608, %get3A_609] {strides = array<i32>} : memref<16x512xi32, #tpu.memory_space<vmem>>, vector<16xi32>,
        %eq3A = arith.constant 400000 : i32
        %eq3A_611 = vector.broadcast %eq3A : i32 to vector<16xi32>
        %eq3A_612 = arith.cmpi eq, %get3A_610, %eq3A_611 : vector<16xi32>
        %scan3A_613 = arith.constant 0 : i32
        %scan3A_614 = arith.constant 0 : i32
        %scan3A_615 = arith.constant 32 : i32
        %scan3A_616 = arith.addi %scan3A_614, %scan3A_615 : i32
        %scan3A_617 = arith.constant 1 : i32
        %scan3A_618 = scf.for %scan3A_621 = %scan3A_614 to %scan3A_616 step %scan3A_617 iter_args(%scan3A_622 = %scan3A_613) -> (i32)  : i32 {
          %broadcast_in_dim3A_623 = arith.constant 0 : i32
          %broadcast_in_dim3A_624 = vector.broadcast %broadcast_in_dim3A_623 : i32 to vector<16xi32>
          %add3A_625 = vector.broadcast %scan3A_621 : i32 to vector<16xi32>
          %add3A_626 = arith.addi %broadcast_in_dim3A_624, %add3A_625 : vector<16xi32>
          tpu.vector_store_idx %arg13[%add3A_605, %add3A_626], %broadcast_in_dim3A_363 masked %eq3A_612 : memref<512x32xf32, #tpu.memory_space<vmem>>[vector<16xi32>, vector<16xi32>], vector<16xf32>, vector<16xi1>
          %scan3A_627 = arith.constant 0 : i32
          scf.yield %scan3A_627 : i32
        }
        %scan3A_619 = arith.constant 32 : i32
        %scan3A_620 = arith.constant 0 : i32
        scf.yield %scan3A_620 : i32
      }
      %scan3A_599 = arith.constant 32 : i32
    } else {
    }
    "tpu.region"() ({
      %run_scoped3A = tpu.sem_alloc : memref<!tpu.dma_semaphore, #tpu.memory_space<semaphore_mem>>
      %dma_start3A_593 = arith.constant 128 : i32
      %dma_start3A_594 = tpu.memref_slice %arg8[%mul3A_2, %dma_start3A_593] : memref<16384x368xf32, #tpu.memory_space<hbm>> -> memref<512x32xf32, #tpu.memory_space<hbm>>
      %dma_start3A_595 = arith.constant 128 : i32
      %dma_start3A_596 = tpu.memref_slice %arg8[%mul3A_2, %dma_start3A_595] : memref<16384x368xf32, #tpu.memory_space<hbm>> -> memref<512x32xf32, #tpu.memory_space<hbm>>
      tpu.enqueue_dma source(%arg13 : memref<512x32xf32, #tpu.memory_space<vmem>>) target(%dma_start3A_596 : memref<512x32xf32, #tpu.memory_space<hbm>>) target_semaphore(%run_scoped3A : memref<!tpu.dma_semaphore, #tpu.memory_space<semaphore_mem>>)
      %dma_wait3A_597 = arith.constant 128 : i32
      %dma_wait3A_598 = tpu.memref_slice %arg8[%mul3A_2, %dma_wait3A_597] : memref<16384x368xf32, #tpu.memory_space<hbm>> -> memref<512x32xf32, #tpu.memory_space<hbm>>
      %dma_wait3A_599 = arith.constant 128 : i32
      %dma_wait3A_600 = tpu.memref_slice %arg8[%mul3A_2, %dma_wait3A_599] : memref<16384x368xf32, #tpu.memory_space<hbm>> -> memref<512x32xf32, #tpu.memory_space<hbm>>
      tpu.wait_dma2 semaphore(%run_scoped3A : memref<!tpu.dma_semaphore, #tpu.memory_space<semaphore_mem>>) src(%arg13 : memref<512x32xf32, #tpu.memory_space<vmem>>) dst(%dma_wait3A_600 : memref<512x32xf32, #tpu.memory_space<hbm>>)
      tpu.yield
    }) : () -> ()
    %dma_wait3A_369 = arith.constant 5 : i32
    %dma_wait3A_370 = arith.constant 0 : i32
    %dma_wait3A_371 = tpu.memref_slice %arg12[%dma_wait3A_369, %dma_wait3A_370] : memref<16x512xi32, #tpu.memory_space<vmem>> -> memref<1x512xi32, #tpu.memory_space<vmem>>
    %dma_wait3A_372 = tpu.memref_squeeze %dma_wait3A_371 : memref<1x512xi32, #tpu.memory_space<vmem>> -> memref<512xi32, #tpu.memory_space<vmem>>
    %dma_wait3A_373 = arith.constant 0 : i32
    %dma_wait3A_374 = arith.constant 0 : i32
    %dma_wait3A_375 = tpu.memref_slice %arg5[%dma_wait3A_373, %dma_wait3A_374] : memref<1000000x32xf32, #tpu.memory_space<hbm>> -> memref<1000000x32xf32, #tpu.memory_space<hbm>>
    tpu.wait_indirect_dma semaphore(%arg18 : memref<!tpu.dma_semaphore, #tpu.memory_space<semaphore_mem>>) src(%dma_wait3A_375 : memref<1000000x32xf32, #tpu.memory_space<hbm>>) dst(%arg14 : memref<512x32xf32, #tpu.memory_space<vmem>>)
    %dma_start3A_376 = arith.constant 6 : i32
    %dma_start3A_377 = arith.constant 0 : i32
    %dma_start3A_378 = tpu.memref_slice %arg12[%dma_start3A_376, %dma_start3A_377] : memref<16x512xi32, #tpu.memory_space<vmem>> -> memref<1x512xi32, #tpu.memory_space<vmem>>
    %dma_start3A_379 = tpu.memref_squeeze %dma_start3A_378 : memref<1x512xi32, #tpu.memory_space<vmem>> -> memref<512xi32, #tpu.memory_space<vmem>>
    %dma_start3A_380 = arith.constant 0 : i32
    %dma_start3A_381 = arith.constant 0 : i32
    %dma_start3A_382 = tpu.memref_slice %arg5[%dma_start3A_380, %dma_start3A_381] : memref<1000000x32xf32, #tpu.memory_space<hbm>> -> memref<1000000x32xf32, #tpu.memory_space<hbm>>
    tpu.enqueue_indirect_dma source(%dma_start3A_382 : memref<1000000x32xf32, #tpu.memory_space<hbm>>) target(%arg13 : memref<512x32xf32, #tpu.memory_space<vmem>>) offsets(%dma_start3A_379 : memref<512xi32, #tpu.memory_space<vmem>>) semaphore(%arg17 : memref<!tpu.dma_semaphore, #tpu.memory_space<semaphore_mem>>)
    %broadcast_in_dim3A_383 = arith.constant 0.000000e+00 : f32
    %broadcast_in_dim3A_384 = vector.broadcast %broadcast_in_dim3A_383 : f32 to vector<16xf32>
    %gt3A_385 = arith.constant 0 : i32
    %gt3A_386 = arith.cmpi sgt, %reduce_max3A_101, %gt3A_385 : i32
    %convert_element_type3A_387 = arith.extui %gt3A_386 : i1 to i32
    %cond3A_388 = arith.constant 0 : i32
    %cond3A_389 = arith.cmpi ne, %convert_element_type3A_387, %cond3A_388 : i32
    scf.if %cond3A_389 {
      %scan3A_593 = arith.constant 0 : i32
      %scan3A_594 = arith.constant 0 : i32
      %scan3A_595 = arith.constant 32 : i32
      %scan3A_596 = arith.addi %scan3A_594, %scan3A_595 : i32
      %scan3A_597 = arith.constant 1 : i32
      %scan3A_598 = scf.for %scan3A_600 = %scan3A_594 to %scan3A_596 step %scan3A_597 iter_args(%scan3A_601 = %scan3A_593) -> (i32)  : i32 {
        %mul3A_602 = arith.constant 16 : i32
        %mul3A_603 = arith.muli %scan3A_600, %mul3A_602 : i32
        %add3A_604 = vector.broadcast %mul3A_603 : i32 to vector<16xi32>
        %add3A_605 = arith.addi %add3A_604, %iota3A : vector<16xi32>
        %mul3A_606 = arith.constant 16 : i32
        %mul3A_607 = arith.muli %scan3A_600, %mul3A_606 : i32
        %get3A = arith.constant 5 : i32
        %get3A_608 = arith.index_cast %get3A : i32 to index
        %get3A_609 = arith.index_cast %mul3A_607 : i32 to index
        %get3A_610 = tpu.vector_load %arg12[%get3A_608, %get3A_609] {strides = array<i32>} : memref<16x512xi32, #tpu.memory_space<vmem>>, vector<16xi32>,
        %eq3A = arith.constant 500000 : i32
        %eq3A_611 = vector.broadcast %eq3A : i32 to vector<16xi32>
        %eq3A_612 = arith.cmpi eq, %get3A_610, %eq3A_611 : vector<16xi32>
        %scan3A_613 = arith.constant 0 : i32
        %scan3A_614 = arith.constant 0 : i32
        %scan3A_615 = arith.constant 32 : i32
        %scan3A_616 = arith.addi %scan3A_614, %scan3A_615 : i32
        %scan3A_617 = arith.constant 1 : i32
        %scan3A_618 = scf.for %scan3A_621 = %scan3A_614 to %scan3A_616 step %scan3A_617 iter_args(%scan3A_622 = %scan3A_613) -> (i32)  : i32 {
          %broadcast_in_dim3A_623 = arith.constant 0 : i32
          %broadcast_in_dim3A_624 = vector.broadcast %broadcast_in_dim3A_623 : i32 to vector<16xi32>
          %add3A_625 = vector.broadcast %scan3A_621 : i32 to vector<16xi32>
          %add3A_626 = arith.addi %broadcast_in_dim3A_624, %add3A_625 : vector<16xi32>
          tpu.vector_store_idx %arg14[%add3A_605, %add3A_626], %broadcast_in_dim3A_384 masked %eq3A_612 : memref<512x32xf32, #tpu.memory_space<vmem>>[vector<16xi32>, vector<16xi32>], vector<16xf32>, vector<16xi1>
          %scan3A_627 = arith.constant 0 : i32
          scf.yield %scan3A_627 : i32
        }
        %scan3A_619 = arith.constant 32 : i32
        %scan3A_620 = arith.constant 0 : i32
        scf.yield %scan3A_620 : i32
      }
      %scan3A_599 = arith.constant 32 : i32
    } else {
    }
    "tpu.region"() ({
      %run_scoped3A = tpu.sem_alloc : memref<!tpu.dma_semaphore, #tpu.memory_space<semaphore_mem>>
      %dma_start3A_593 = arith.constant 160 : i32
      %dma_start3A_594 = tpu.memref_slice %arg8[%mul3A_2, %dma_start3A_593] : memref<16384x368xf32, #tpu.memory_space<hbm>> -> memref<512x32xf32, #tpu.memory_space<hbm>>
      %dma_start3A_595 = arith.constant 160 : i32
      %dma_start3A_596 = tpu.memref_slice %arg8[%mul3A_2, %dma_start3A_595] : memref<16384x368xf32, #tpu.memory_space<hbm>> -> memref<512x32xf32, #tpu.memory_space<hbm>>
      tpu.enqueue_dma source(%arg14 : memref<512x32xf32, #tpu.memory_space<vmem>>) target(%dma_start3A_596 : memref<512x32xf32, #tpu.memory_space<hbm>>) target_semaphore(%run_scoped3A : memref<!tpu.dma_semaphore, #tpu.memory_space<semaphore_mem>>)
      %dma_wait3A_597 = arith.constant 160 : i32
      %dma_wait3A_598 = tpu.memref_slice %arg8[%mul3A_2, %dma_wait3A_597] : memref<16384x368xf32, #tpu.memory_space<hbm>> -> memref<512x32xf32, #tpu.memory_space<hbm>>
      %dma_wait3A_599 = arith.constant 160 : i32
      %dma_wait3A_600 = tpu.memref_slice %arg8[%mul3A_2, %dma_wait3A_599] : memref<16384x368xf32, #tpu.memory_space<hbm>> -> memref<512x32xf32, #tpu.memory_space<hbm>>
      tpu.wait_dma2 semaphore(%run_scoped3A : memref<!tpu.dma_semaphore, #tpu.memory_space<semaphore_mem>>) src(%arg14 : memref<512x32xf32, #tpu.memory_space<vmem>>) dst(%dma_wait3A_600 : memref<512x32xf32, #tpu.memory_space<hbm>>)
      tpu.yield
    }) : () -> ()
    %dma_wait3A_390 = arith.constant 6 : i32
    %dma_wait3A_391 = arith.constant 0 : i32
    %dma_wait3A_392 = tpu.memref_slice %arg12[%dma_wait3A_390, %dma_wait3A_391] : memref<16x512xi32, #tpu.memory_space<vmem>> -> memref<1x512xi32, #tpu.memory_space<vmem>>
    %dma_wait3A_393 = tpu.memref_squeeze %dma_wait3A_392 : memref<1x512xi32, #tpu.memory_space<vmem>> -> memref<512xi32, #tpu.memory_space<vmem>>
    %dma_wait3A_394 = arith.constant 0 : i32
    %dma_wait3A_395 = arith.constant 0 : i32
    %dma_wait3A_396 = tpu.memref_slice %arg5[%dma_wait3A_394, %dma_wait3A_395] : memref<1000000x32xf32, #tpu.memory_space<hbm>> -> memref<1000000x32xf32, #tpu.memory_space<hbm>>
    tpu.wait_indirect_dma semaphore(%arg17 : memref<!tpu.dma_semaphore, #tpu.memory_space<semaphore_mem>>) src(%dma_wait3A_396 : memref<1000000x32xf32, #tpu.memory_space<hbm>>) dst(%arg13 : memref<512x32xf32, #tpu.memory_space<vmem>>)
    %dma_start3A_397 = arith.constant 7 : i32
    %dma_start3A_398 = arith.constant 0 : i32
    %dma_start3A_399 = tpu.memref_slice %arg12[%dma_start3A_397, %dma_start3A_398] : memref<16x512xi32, #tpu.memory_space<vmem>> -> memref<1x512xi32, #tpu.memory_space<vmem>>
    %dma_start3A_400 = tpu.memref_squeeze %dma_start3A_399 : memref<1x512xi32, #tpu.memory_space<vmem>> -> memref<512xi32, #tpu.memory_space<vmem>>
    %dma_start3A_401 = arith.constant 0 : i32
    %dma_start3A_402 = arith.constant 0 : i32
    %dma_start3A_403 = tpu.memref_slice %arg5[%dma_start3A_401, %dma_start3A_402] : memref<1000000x32xf32, #tpu.memory_space<hbm>> -> memref<1000000x32xf32, #tpu.memory_space<hbm>>
    tpu.enqueue_indirect_dma source(%dma_start3A_403 : memref<1000000x32xf32, #tpu.memory_space<hbm>>) target(%arg14 : memref<512x32xf32, #tpu.memory_space<vmem>>) offsets(%dma_start3A_400 : memref<512xi32, #tpu.memory_space<vmem>>) semaphore(%arg18 : memref<!tpu.dma_semaphore, #tpu.memory_space<semaphore_mem>>)
    %broadcast_in_dim3A_404 = arith.constant 0.000000e+00 : f32
    %broadcast_in_dim3A_405 = vector.broadcast %broadcast_in_dim3A_404 : f32 to vector<16xf32>
    %gt3A_406 = arith.constant 0 : i32
    %gt3A_407 = arith.cmpi sgt, %reduce_max3A_117, %gt3A_406 : i32
    %convert_element_type3A_408 = arith.extui %gt3A_407 : i1 to i32
    %cond3A_409 = arith.constant 0 : i32
    %cond3A_410 = arith.cmpi ne, %convert_element_type3A_408, %cond3A_409 : i32
    scf.if %cond3A_410 {
      %scan3A_593 = arith.constant 0 : i32
      %scan3A_594 = arith.constant 0 : i32
      %scan3A_595 = arith.constant 32 : i32
      %scan3A_596 = arith.addi %scan3A_594, %scan3A_595 : i32
      %scan3A_597 = arith.constant 1 : i32
      %scan3A_598 = scf.for %scan3A_600 = %scan3A_594 to %scan3A_596 step %scan3A_597 iter_args(%scan3A_601 = %scan3A_593) -> (i32)  : i32 {
        %mul3A_602 = arith.constant 16 : i32
        %mul3A_603 = arith.muli %scan3A_600, %mul3A_602 : i32
        %add3A_604 = vector.broadcast %mul3A_603 : i32 to vector<16xi32>
        %add3A_605 = arith.addi %add3A_604, %iota3A : vector<16xi32>
        %mul3A_606 = arith.constant 16 : i32
        %mul3A_607 = arith.muli %scan3A_600, %mul3A_606 : i32
        %get3A = arith.constant 6 : i32
        %get3A_608 = arith.index_cast %get3A : i32 to index
        %get3A_609 = arith.index_cast %mul3A_607 : i32 to index
        %get3A_610 = tpu.vector_load %arg12[%get3A_608, %get3A_609] {strides = array<i32>} : memref<16x512xi32, #tpu.memory_space<vmem>>, vector<16xi32>,
        %eq3A = arith.constant 600000 : i32
        %eq3A_611 = vector.broadcast %eq3A : i32 to vector<16xi32>
        %eq3A_612 = arith.cmpi eq, %get3A_610, %eq3A_611 : vector<16xi32>
        %scan3A_613 = arith.constant 0 : i32
        %scan3A_614 = arith.constant 0 : i32
        %scan3A_615 = arith.constant 32 : i32
        %scan3A_616 = arith.addi %scan3A_614, %scan3A_615 : i32
        %scan3A_617 = arith.constant 1 : i32
        %scan3A_618 = scf.for %scan3A_621 = %scan3A_614 to %scan3A_616 step %scan3A_617 iter_args(%scan3A_622 = %scan3A_613) -> (i32)  : i32 {
          %broadcast_in_dim3A_623 = arith.constant 0 : i32
          %broadcast_in_dim3A_624 = vector.broadcast %broadcast_in_dim3A_623 : i32 to vector<16xi32>
          %add3A_625 = vector.broadcast %scan3A_621 : i32 to vector<16xi32>
          %add3A_626 = arith.addi %broadcast_in_dim3A_624, %add3A_625 : vector<16xi32>
          tpu.vector_store_idx %arg13[%add3A_605, %add3A_626], %broadcast_in_dim3A_405 masked %eq3A_612 : memref<512x32xf32, #tpu.memory_space<vmem>>[vector<16xi32>, vector<16xi32>], vector<16xf32>, vector<16xi1>
          %scan3A_627 = arith.constant 0 : i32
          scf.yield %scan3A_627 : i32
        }
        %scan3A_619 = arith.constant 32 : i32
        %scan3A_620 = arith.constant 0 : i32
        scf.yield %scan3A_620 : i32
      }
      %scan3A_599 = arith.constant 32 : i32
    } else {
    }
    "tpu.region"() ({
      %run_scoped3A = tpu.sem_alloc : memref<!tpu.dma_semaphore, #tpu.memory_space<semaphore_mem>>
      %dma_start3A_593 = arith.constant 192 : i32
      %dma_start3A_594 = tpu.memref_slice %arg8[%mul3A_2, %dma_start3A_593] : memref<16384x368xf32, #tpu.memory_space<hbm>> -> memref<512x32xf32, #tpu.memory_space<hbm>>
      %dma_start3A_595 = arith.constant 192 : i32
      %dma_start3A_596 = tpu.memref_slice %arg8[%mul3A_2, %dma_start3A_595] : memref<16384x368xf32, #tpu.memory_space<hbm>> -> memref<512x32xf32, #tpu.memory_space<hbm>>
      tpu.enqueue_dma source(%arg13 : memref<512x32xf32, #tpu.memory_space<vmem>>) target(%dma_start3A_596 : memref<512x32xf32, #tpu.memory_space<hbm>>) target_semaphore(%run_scoped3A : memref<!tpu.dma_semaphore, #tpu.memory_space<semaphore_mem>>)
      %dma_wait3A_597 = arith.constant 192 : i32
      %dma_wait3A_598 = tpu.memref_slice %arg8[%mul3A_2, %dma_wait3A_597] : memref<16384x368xf32, #tpu.memory_space<hbm>> -> memref<512x32xf32, #tpu.memory_space<hbm>>
      %dma_wait3A_599 = arith.constant 192 : i32
      %dma_wait3A_600 = tpu.memref_slice %arg8[%mul3A_2, %dma_wait3A_599] : memref<16384x368xf32, #tpu.memory_space<hbm>> -> memref<512x32xf32, #tpu.memory_space<hbm>>
      tpu.wait_dma2 semaphore(%run_scoped3A : memref<!tpu.dma_semaphore, #tpu.memory_space<semaphore_mem>>) src(%arg13 : memref<512x32xf32, #tpu.memory_space<vmem>>) dst(%dma_wait3A_600 : memref<512x32xf32, #tpu.memory_space<hbm>>)
      tpu.yield
    }) : () -> ()
    %dma_wait3A_411 = arith.constant 7 : i32
    %dma_wait3A_412 = arith.constant 0 : i32
    %dma_wait3A_413 = tpu.memref_slice %arg12[%dma_wait3A_411, %dma_wait3A_412] : memref<16x512xi32, #tpu.memory_space<vmem>> -> memref<1x512xi32, #tpu.memory_space<vmem>>
    %dma_wait3A_414 = tpu.memref_squeeze %dma_wait3A_413 : memref<1x512xi32, #tpu.memory_space<vmem>> -> memref<512xi32, #tpu.memory_space<vmem>>
    %dma_wait3A_415 = arith.constant 0 : i32
    %dma_wait3A_416 = arith.constant 0 : i32
    %dma_wait3A_417 = tpu.memref_slice %arg5[%dma_wait3A_415, %dma_wait3A_416] : memref<1000000x32xf32, #tpu.memory_space<hbm>> -> memref<1000000x32xf32, #tpu.memory_space<hbm>>
    tpu.wait_indirect_dma semaphore(%arg18 : memref<!tpu.dma_semaphore, #tpu.memory_space<semaphore_mem>>) src(%dma_wait3A_417 : memref<1000000x32xf32, #tpu.memory_space<hbm>>) dst(%arg14 : memref<512x32xf32, #tpu.memory_space<vmem>>)
    %dma_start3A_418 = arith.constant 8 : i32
    %dma_start3A_419 = arith.constant 0 : i32
    %dma_start3A_420 = tpu.memref_slice %arg12[%dma_start3A_418, %dma_start3A_419] : memref<16x512xi32, #tpu.memory_space<vmem>> -> memref<1x512xi32, #tpu.memory_space<vmem>>
    %dma_start3A_421 = tpu.memref_squeeze %dma_start3A_420 : memref<1x512xi32, #tpu.memory_space<vmem>> -> memref<512xi32, #tpu.memory_space<vmem>>
    %dma_start3A_422 = arith.constant 0 : i32
    %dma_start3A_423 = arith.constant 0 : i32
    %dma_start3A_424 = tpu.memref_slice %arg5[%dma_start3A_422, %dma_start3A_423] : memref<1000000x32xf32, #tpu.memory_space<hbm>> -> memref<1000000x32xf32, #tpu.memory_space<hbm>>
    tpu.enqueue_indirect_dma source(%dma_start3A_424 : memref<1000000x32xf32, #tpu.memory_space<hbm>>) target(%arg13 : memref<512x32xf32, #tpu.memory_space<vmem>>) offsets(%dma_start3A_421 : memref<512xi32, #tpu.memory_space<vmem>>) semaphore(%arg17 : memref<!tpu.dma_semaphore, #tpu.memory_space<semaphore_mem>>)
    %broadcast_in_dim3A_425 = arith.constant 0.000000e+00 : f32
    %broadcast_in_dim3A_426 = vector.broadcast %broadcast_in_dim3A_425 : f32 to vector<16xf32>
    %gt3A_427 = arith.constant 0 : i32
    %gt3A_428 = arith.cmpi sgt, %reduce_max3A_133, %gt3A_427 : i32
    %convert_element_type3A_429 = arith.extui %gt3A_428 : i1 to i32
    %cond3A_430 = arith.constant 0 : i32
    %cond3A_431 = arith.cmpi ne, %convert_element_type3A_429, %cond3A_430 : i32
    scf.if %cond3A_431 {
      %scan3A_593 = arith.constant 0 : i32
      %scan3A_594 = arith.constant 0 : i32
      %scan3A_595 = arith.constant 32 : i32
      %scan3A_596 = arith.addi %scan3A_594, %scan3A_595 : i32
      %scan3A_597 = arith.constant 1 : i32
      %scan3A_598 = scf.for %scan3A_600 = %scan3A_594 to %scan3A_596 step %scan3A_597 iter_args(%scan3A_601 = %scan3A_593) -> (i32)  : i32 {
        %mul3A_602 = arith.constant 16 : i32
        %mul3A_603 = arith.muli %scan3A_600, %mul3A_602 : i32
        %add3A_604 = vector.broadcast %mul3A_603 : i32 to vector<16xi32>
        %add3A_605 = arith.addi %add3A_604, %iota3A : vector<16xi32>
        %mul3A_606 = arith.constant 16 : i32
        %mul3A_607 = arith.muli %scan3A_600, %mul3A_606 : i32
        %get3A = arith.constant 7 : i32
        %get3A_608 = arith.index_cast %get3A : i32 to index
        %get3A_609 = arith.index_cast %mul3A_607 : i32 to index
        %get3A_610 = tpu.vector_load %arg12[%get3A_608, %get3A_609] {strides = array<i32>} : memref<16x512xi32, #tpu.memory_space<vmem>>, vector<16xi32>,
        %eq3A = arith.constant 700000 : i32
        %eq3A_611 = vector.broadcast %eq3A : i32 to vector<16xi32>
        %eq3A_612 = arith.cmpi eq, %get3A_610, %eq3A_611 : vector<16xi32>
        %scan3A_613 = arith.constant 0 : i32
        %scan3A_614 = arith.constant 0 : i32
        %scan3A_615 = arith.constant 32 : i32
        %scan3A_616 = arith.addi %scan3A_614, %scan3A_615 : i32
        %scan3A_617 = arith.constant 1 : i32
        %scan3A_618 = scf.for %scan3A_621 = %scan3A_614 to %scan3A_616 step %scan3A_617 iter_args(%scan3A_622 = %scan3A_613) -> (i32)  : i32 {
          %broadcast_in_dim3A_623 = arith.constant 0 : i32
          %broadcast_in_dim3A_624 = vector.broadcast %broadcast_in_dim3A_623 : i32 to vector<16xi32>
          %add3A_625 = vector.broadcast %scan3A_621 : i32 to vector<16xi32>
          %add3A_626 = arith.addi %broadcast_in_dim3A_624, %add3A_625 : vector<16xi32>
          tpu.vector_store_idx %arg14[%add3A_605, %add3A_626], %broadcast_in_dim3A_426 masked %eq3A_612 : memref<512x32xf32, #tpu.memory_space<vmem>>[vector<16xi32>, vector<16xi32>], vector<16xf32>, vector<16xi1>
          %scan3A_627 = arith.constant 0 : i32
          scf.yield %scan3A_627 : i32
        }
        %scan3A_619 = arith.constant 32 : i32
        %scan3A_620 = arith.constant 0 : i32
        scf.yield %scan3A_620 : i32
      }
      %scan3A_599 = arith.constant 32 : i32
    } else {
    }
    "tpu.region"() ({
      %run_scoped3A = tpu.sem_alloc : memref<!tpu.dma_semaphore, #tpu.memory_space<semaphore_mem>>
      %dma_start3A_593 = arith.constant 224 : i32
      %dma_start3A_594 = tpu.memref_slice %arg8[%mul3A_2, %dma_start3A_593] : memref<16384x368xf32, #tpu.memory_space<hbm>> -> memref<512x32xf32, #tpu.memory_space<hbm>>
      %dma_start3A_595 = arith.constant 224 : i32
      %dma_start3A_596 = tpu.memref_slice %arg8[%mul3A_2, %dma_start3A_595] : memref<16384x368xf32, #tpu.memory_space<hbm>> -> memref<512x32xf32, #tpu.memory_space<hbm>>
      tpu.enqueue_dma source(%arg14 : memref<512x32xf32, #tpu.memory_space<vmem>>) target(%dma_start3A_596 : memref<512x32xf32, #tpu.memory_space<hbm>>) target_semaphore(%run_scoped3A : memref<!tpu.dma_semaphore, #tpu.memory_space<semaphore_mem>>)
      %dma_wait3A_597 = arith.constant 224 : i32
      %dma_wait3A_598 = tpu.memref_slice %arg8[%mul3A_2, %dma_wait3A_597] : memref<16384x368xf32, #tpu.memory_space<hbm>> -> memref<512x32xf32, #tpu.memory_space<hbm>>
      %dma_wait3A_599 = arith.constant 224 : i32
      %dma_wait3A_600 = tpu.memref_slice %arg8[%mul3A_2, %dma_wait3A_599] : memref<16384x368xf32, #tpu.memory_space<hbm>> -> memref<512x32xf32, #tpu.memory_space<hbm>>
      tpu.wait_dma2 semaphore(%run_scoped3A : memref<!tpu.dma_semaphore, #tpu.memory_space<semaphore_mem>>) src(%arg14 : memref<512x32xf32, #tpu.memory_space<vmem>>) dst(%dma_wait3A_600 : memref<512x32xf32, #tpu.memory_space<hbm>>)
      tpu.yield
    }) : () -> ()
    %dma_wait3A_432 = arith.constant 8 : i32
    %dma_wait3A_433 = arith.constant 0 : i32
    %dma_wait3A_434 = tpu.memref_slice %arg12[%dma_wait3A_432, %dma_wait3A_433] : memref<16x512xi32, #tpu.memory_space<vmem>> -> memref<1x512xi32, #tpu.memory_space<vmem>>
    %dma_wait3A_435 = tpu.memref_squeeze %dma_wait3A_434 : memref<1x512xi32, #tpu.memory_space<vmem>> -> memref<512xi32, #tpu.memory_space<vmem>>
    %dma_wait3A_436 = arith.constant 0 : i32
    %dma_wait3A_437 = arith.constant 0 : i32
    %dma_wait3A_438 = tpu.memref_slice %arg5[%dma_wait3A_436, %dma_wait3A_437] : memref<1000000x32xf32, #tpu.memory_space<hbm>> -> memref<1000000x32xf32, #tpu.memory_space<hbm>>
    tpu.wait_indirect_dma semaphore(%arg17 : memref<!tpu.dma_semaphore, #tpu.memory_space<semaphore_mem>>) src(%dma_wait3A_438 : memref<1000000x32xf32, #tpu.memory_space<hbm>>) dst(%arg13 : memref<512x32xf32, #tpu.memory_space<vmem>>)
    %dma_start3A_439 = arith.constant 9 : i32
    %dma_start3A_440 = arith.constant 0 : i32
    %dma_start3A_441 = tpu.memref_slice %arg12[%dma_start3A_439, %dma_start3A_440] : memref<16x512xi32, #tpu.memory_space<vmem>> -> memref<1x512xi32, #tpu.memory_space<vmem>>
    %dma_start3A_442 = tpu.memref_squeeze %dma_start3A_441 : memref<1x512xi32, #tpu.memory_space<vmem>> -> memref<512xi32, #tpu.memory_space<vmem>>
    %dma_start3A_443 = arith.constant 0 : i32
    %dma_start3A_444 = arith.constant 0 : i32
    %dma_start3A_445 = tpu.memref_slice %arg5[%dma_start3A_443, %dma_start3A_444] : memref<1000000x32xf32, #tpu.memory_space<hbm>> -> memref<1000000x32xf32, #tpu.memory_space<hbm>>
    tpu.enqueue_indirect_dma source(%dma_start3A_445 : memref<1000000x32xf32, #tpu.memory_space<hbm>>) target(%arg14 : memref<512x32xf32, #tpu.memory_space<vmem>>) offsets(%dma_start3A_442 : memref<512xi32, #tpu.memory_space<vmem>>) semaphore(%arg18 : memref<!tpu.dma_semaphore, #tpu.memory_space<semaphore_mem>>)
    %broadcast_in_dim3A_446 = arith.constant 0.000000e+00 : f32
    %broadcast_in_dim3A_447 = vector.broadcast %broadcast_in_dim3A_446 : f32 to vector<16xf32>
    %gt3A_448 = arith.constant 0 : i32
    %gt3A_449 = arith.cmpi sgt, %reduce_max3A_149, %gt3A_448 : i32
    %convert_element_type3A_450 = arith.extui %gt3A_449 : i1 to i32
    %cond3A_451 = arith.constant 0 : i32
    %cond3A_452 = arith.cmpi ne, %convert_element_type3A_450, %cond3A_451 : i32
    scf.if %cond3A_452 {
      %scan3A_593 = arith.constant 0 : i32
      %scan3A_594 = arith.constant 0 : i32
      %scan3A_595 = arith.constant 32 : i32
      %scan3A_596 = arith.addi %scan3A_594, %scan3A_595 : i32
      %scan3A_597 = arith.constant 1 : i32
      %scan3A_598 = scf.for %scan3A_600 = %scan3A_594 to %scan3A_596 step %scan3A_597 iter_args(%scan3A_601 = %scan3A_593) -> (i32)  : i32 {
        %mul3A_602 = arith.constant 16 : i32
        %mul3A_603 = arith.muli %scan3A_600, %mul3A_602 : i32
        %add3A_604 = vector.broadcast %mul3A_603 : i32 to vector<16xi32>
        %add3A_605 = arith.addi %add3A_604, %iota3A : vector<16xi32>
        %mul3A_606 = arith.constant 16 : i32
        %mul3A_607 = arith.muli %scan3A_600, %mul3A_606 : i32
        %get3A = arith.constant 8 : i32
        %get3A_608 = arith.index_cast %get3A : i32 to index
        %get3A_609 = arith.index_cast %mul3A_607 : i32 to index
        %get3A_610 = tpu.vector_load %arg12[%get3A_608, %get3A_609] {strides = array<i32>} : memref<16x512xi32, #tpu.memory_space<vmem>>, vector<16xi32>,
        %eq3A = arith.constant 800000 : i32
        %eq3A_611 = vector.broadcast %eq3A : i32 to vector<16xi32>
        %eq3A_612 = arith.cmpi eq, %get3A_610, %eq3A_611 : vector<16xi32>
        %scan3A_613 = arith.constant 0 : i32
        %scan3A_614 = arith.constant 0 : i32
        %scan3A_615 = arith.constant 32 : i32
        %scan3A_616 = arith.addi %scan3A_614, %scan3A_615 : i32
        %scan3A_617 = arith.constant 1 : i32
        %scan3A_618 = scf.for %scan3A_621 = %scan3A_614 to %scan3A_616 step %scan3A_617 iter_args(%scan3A_622 = %scan3A_613) -> (i32)  : i32 {
          %broadcast_in_dim3A_623 = arith.constant 0 : i32
          %broadcast_in_dim3A_624 = vector.broadcast %broadcast_in_dim3A_623 : i32 to vector<16xi32>
          %add3A_625 = vector.broadcast %scan3A_621 : i32 to vector<16xi32>
          %add3A_626 = arith.addi %broadcast_in_dim3A_624, %add3A_625 : vector<16xi32>
          tpu.vector_store_idx %arg13[%add3A_605, %add3A_626], %broadcast_in_dim3A_447 masked %eq3A_612 : memref<512x32xf32, #tpu.memory_space<vmem>>[vector<16xi32>, vector<16xi32>], vector<16xf32>, vector<16xi1>
          %scan3A_627 = arith.constant 0 : i32
          scf.yield %scan3A_627 : i32
        }
        %scan3A_619 = arith.constant 32 : i32
        %scan3A_620 = arith.constant 0 : i32
        scf.yield %scan3A_620 : i32
      }
      %scan3A_599 = arith.constant 32 : i32
    } else {
    }
    "tpu.region"() ({
      %run_scoped3A = tpu.sem_alloc : memref<!tpu.dma_semaphore, #tpu.memory_space<semaphore_mem>>
      %dma_start3A_593 = arith.constant 256 : i32
      %dma_start3A_594 = tpu.memref_slice %arg8[%mul3A_2, %dma_start3A_593] : memref<16384x368xf32, #tpu.memory_space<hbm>> -> memref<512x32xf32, #tpu.memory_space<hbm>>
      %dma_start3A_595 = arith.constant 256 : i32
      %dma_start3A_596 = tpu.memref_slice %arg8[%mul3A_2, %dma_start3A_595] : memref<16384x368xf32, #tpu.memory_space<hbm>> -> memref<512x32xf32, #tpu.memory_space<hbm>>
      tpu.enqueue_dma source(%arg13 : memref<512x32xf32, #tpu.memory_space<vmem>>) target(%dma_start3A_596 : memref<512x32xf32, #tpu.memory_space<hbm>>) target_semaphore(%run_scoped3A : memref<!tpu.dma_semaphore, #tpu.memory_space<semaphore_mem>>)
      %dma_wait3A_597 = arith.constant 256 : i32
      %dma_wait3A_598 = tpu.memref_slice %arg8[%mul3A_2, %dma_wait3A_597] : memref<16384x368xf32, #tpu.memory_space<hbm>> -> memref<512x32xf32, #tpu.memory_space<hbm>>
      %dma_wait3A_599 = arith.constant 256 : i32
      %dma_wait3A_600 = tpu.memref_slice %arg8[%mul3A_2, %dma_wait3A_599] : memref<16384x368xf32, #tpu.memory_space<hbm>> -> memref<512x32xf32, #tpu.memory_space<hbm>>
      tpu.wait_dma2 semaphore(%run_scoped3A : memref<!tpu.dma_semaphore, #tpu.memory_space<semaphore_mem>>) src(%arg13 : memref<512x32xf32, #tpu.memory_space<vmem>>) dst(%dma_wait3A_600 : memref<512x32xf32, #tpu.memory_space<hbm>>)
      tpu.yield
    }) : () -> ()
    %dma_wait3A_453 = arith.constant 9 : i32
    %dma_wait3A_454 = arith.constant 0 : i32
    %dma_wait3A_455 = tpu.memref_slice %arg12[%dma_wait3A_453, %dma_wait3A_454] : memref<16x512xi32, #tpu.memory_space<vmem>> -> memref<1x512xi32, #tpu.memory_space<vmem>>
    %dma_wait3A_456 = tpu.memref_squeeze %dma_wait3A_455 : memref<1x512xi32, #tpu.memory_space<vmem>> -> memref<512xi32, #tpu.memory_space<vmem>>
    %dma_wait3A_457 = arith.constant 0 : i32
    %dma_wait3A_458 = arith.constant 0 : i32
    %dma_wait3A_459 = tpu.memref_slice %arg5[%dma_wait3A_457, %dma_wait3A_458] : memref<1000000x32xf32, #tpu.memory_space<hbm>> -> memref<1000000x32xf32, #tpu.memory_space<hbm>>
    tpu.wait_indirect_dma semaphore(%arg18 : memref<!tpu.dma_semaphore, #tpu.memory_space<semaphore_mem>>) src(%dma_wait3A_459 : memref<1000000x32xf32, #tpu.memory_space<hbm>>) dst(%arg14 : memref<512x32xf32, #tpu.memory_space<vmem>>)
    %dma_start3A_460 = arith.constant 10 : i32
    %dma_start3A_461 = arith.constant 0 : i32
    %dma_start3A_462 = tpu.memref_slice %arg12[%dma_start3A_460, %dma_start3A_461] : memref<16x512xi32, #tpu.memory_space<vmem>> -> memref<1x512xi32, #tpu.memory_space<vmem>>
    %dma_start3A_463 = tpu.memref_squeeze %dma_start3A_462 : memref<1x512xi32, #tpu.memory_space<vmem>> -> memref<512xi32, #tpu.memory_space<vmem>>
    %dma_start3A_464 = arith.constant 0 : i32
    %dma_start3A_465 = arith.constant 0 : i32
    %dma_start3A_466 = tpu.memref_slice %arg6[%dma_start3A_464, %dma_start3A_465] : memref<30000x8xf32, #tpu.memory_space<hbm>> -> memref<30000x8xf32, #tpu.memory_space<hbm>>
    tpu.enqueue_indirect_dma source(%dma_start3A_466 : memref<30000x8xf32, #tpu.memory_space<hbm>>) target(%arg15 : memref<512x8xf32, #tpu.memory_space<vmem>>) offsets(%dma_start3A_463 : memref<512xi32, #tpu.memory_space<vmem>>) semaphore(%arg17 : memref<!tpu.dma_semaphore, #tpu.memory_space<semaphore_mem>>)
    %broadcast_in_dim3A_467 = arith.constant 0.000000e+00 : f32
    %broadcast_in_dim3A_468 = vector.broadcast %broadcast_in_dim3A_467 : f32 to vector<16xf32>
    %gt3A_469 = arith.constant 0 : i32
    %gt3A_470 = arith.cmpi sgt, %reduce_max3A_165, %gt3A_469 : i32
    %convert_element_type3A_471 = arith.extui %gt3A_470 : i1 to i32
    %cond3A_472 = arith.constant 0 : i32
    %cond3A_473 = arith.cmpi ne, %convert_element_type3A_471, %cond3A_472 : i32
    scf.if %cond3A_473 {
      %scan3A_593 = arith.constant 0 : i32
      %scan3A_594 = arith.constant 0 : i32
      %scan3A_595 = arith.constant 32 : i32
      %scan3A_596 = arith.addi %scan3A_594, %scan3A_595 : i32
      %scan3A_597 = arith.constant 1 : i32
      %scan3A_598 = scf.for %scan3A_600 = %scan3A_594 to %scan3A_596 step %scan3A_597 iter_args(%scan3A_601 = %scan3A_593) -> (i32)  : i32 {
        %mul3A_602 = arith.constant 16 : i32
        %mul3A_603 = arith.muli %scan3A_600, %mul3A_602 : i32
        %add3A_604 = vector.broadcast %mul3A_603 : i32 to vector<16xi32>
        %add3A_605 = arith.addi %add3A_604, %iota3A : vector<16xi32>
        %mul3A_606 = arith.constant 16 : i32
        %mul3A_607 = arith.muli %scan3A_600, %mul3A_606 : i32
        %get3A = arith.constant 9 : i32
        %get3A_608 = arith.index_cast %get3A : i32 to index
        %get3A_609 = arith.index_cast %mul3A_607 : i32 to index
        %get3A_610 = tpu.vector_load %arg12[%get3A_608, %get3A_609] {strides = array<i32>} : memref<16x512xi32, #tpu.memory_space<vmem>>, vector<16xi32>,
        %eq3A = arith.constant 900000 : i32
        %eq3A_611 = vector.broadcast %eq3A : i32 to vector<16xi32>
        %eq3A_612 = arith.cmpi eq, %get3A_610, %eq3A_611 : vector<16xi32>
        %scan3A_613 = arith.constant 0 : i32
        %scan3A_614 = arith.constant 0 : i32
        %scan3A_615 = arith.constant 32 : i32
        %scan3A_616 = arith.addi %scan3A_614, %scan3A_615 : i32
        %scan3A_617 = arith.constant 1 : i32
        %scan3A_618 = scf.for %scan3A_621 = %scan3A_614 to %scan3A_616 step %scan3A_617 iter_args(%scan3A_622 = %scan3A_613) -> (i32)  : i32 {
          %broadcast_in_dim3A_623 = arith.constant 0 : i32
          %broadcast_in_dim3A_624 = vector.broadcast %broadcast_in_dim3A_623 : i32 to vector<16xi32>
          %add3A_625 = vector.broadcast %scan3A_621 : i32 to vector<16xi32>
          %add3A_626 = arith.addi %broadcast_in_dim3A_624, %add3A_625 : vector<16xi32>
          tpu.vector_store_idx %arg14[%add3A_605, %add3A_626], %broadcast_in_dim3A_468 masked %eq3A_612 : memref<512x32xf32, #tpu.memory_space<vmem>>[vector<16xi32>, vector<16xi32>], vector<16xf32>, vector<16xi1>
          %scan3A_627 = arith.constant 0 : i32
          scf.yield %scan3A_627 : i32
        }
        %scan3A_619 = arith.constant 32 : i32
        %scan3A_620 = arith.constant 0 : i32
        scf.yield %scan3A_620 : i32
      }
      %scan3A_599 = arith.constant 32 : i32
    } else {
    }
    "tpu.region"() ({
      %run_scoped3A = tpu.sem_alloc : memref<!tpu.dma_semaphore, #tpu.memory_space<semaphore_mem>>
      %dma_start3A_593 = arith.constant 288 : i32
      %dma_start3A_594 = tpu.memref_slice %arg8[%mul3A_2, %dma_start3A_593] : memref<16384x368xf32, #tpu.memory_space<hbm>> -> memref<512x32xf32, #tpu.memory_space<hbm>>
      %dma_start3A_595 = arith.constant 288 : i32
      %dma_start3A_596 = tpu.memref_slice %arg8[%mul3A_2, %dma_start3A_595] : memref<16384x368xf32, #tpu.memory_space<hbm>> -> memref<512x32xf32, #tpu.memory_space<hbm>>
      tpu.enqueue_dma source(%arg14 : memref<512x32xf32, #tpu.memory_space<vmem>>) target(%dma_start3A_596 : memref<512x32xf32, #tpu.memory_space<hbm>>) target_semaphore(%run_scoped3A : memref<!tpu.dma_semaphore, #tpu.memory_space<semaphore_mem>>)
      %dma_wait3A_597 = arith.constant 288 : i32
      %dma_wait3A_598 = tpu.memref_slice %arg8[%mul3A_2, %dma_wait3A_597] : memref<16384x368xf32, #tpu.memory_space<hbm>> -> memref<512x32xf32, #tpu.memory_space<hbm>>
      %dma_wait3A_599 = arith.constant 288 : i32
      %dma_wait3A_600 = tpu.memref_slice %arg8[%mul3A_2, %dma_wait3A_599] : memref<16384x368xf32, #tpu.memory_space<hbm>> -> memref<512x32xf32, #tpu.memory_space<hbm>>
      tpu.wait_dma2 semaphore(%run_scoped3A : memref<!tpu.dma_semaphore, #tpu.memory_space<semaphore_mem>>) src(%arg14 : memref<512x32xf32, #tpu.memory_space<vmem>>) dst(%dma_wait3A_600 : memref<512x32xf32, #tpu.memory_space<hbm>>)
      tpu.yield
    }) : () -> ()
    %dma_wait3A_474 = arith.constant 10 : i32
    %dma_wait3A_475 = arith.constant 0 : i32
    %dma_wait3A_476 = tpu.memref_slice %arg12[%dma_wait3A_474, %dma_wait3A_475] : memref<16x512xi32, #tpu.memory_space<vmem>> -> memref<1x512xi32, #tpu.memory_space<vmem>>
    %dma_wait3A_477 = tpu.memref_squeeze %dma_wait3A_476 : memref<1x512xi32, #tpu.memory_space<vmem>> -> memref<512xi32, #tpu.memory_space<vmem>>
    %dma_wait3A_478 = arith.constant 0 : i32
    %dma_wait3A_479 = arith.constant 0 : i32
    %dma_wait3A_480 = tpu.memref_slice %arg6[%dma_wait3A_478, %dma_wait3A_479] : memref<30000x8xf32, #tpu.memory_space<hbm>> -> memref<30000x8xf32, #tpu.memory_space<hbm>>
    tpu.wait_indirect_dma semaphore(%arg17 : memref<!tpu.dma_semaphore, #tpu.memory_space<semaphore_mem>>) src(%dma_wait3A_480 : memref<30000x8xf32, #tpu.memory_space<hbm>>) dst(%arg15 : memref<512x8xf32, #tpu.memory_space<vmem>>)
    %dma_start3A_481 = arith.constant 11 : i32
    %dma_start3A_482 = arith.constant 0 : i32
    %dma_start3A_483 = tpu.memref_slice %arg12[%dma_start3A_481, %dma_start3A_482] : memref<16x512xi32, #tpu.memory_space<vmem>> -> memref<1x512xi32, #tpu.memory_space<vmem>>
    %dma_start3A_484 = tpu.memref_squeeze %dma_start3A_483 : memref<1x512xi32, #tpu.memory_space<vmem>> -> memref<512xi32, #tpu.memory_space<vmem>>
    %dma_start3A_485 = arith.constant 0 : i32
    %dma_start3A_486 = arith.constant 0 : i32
    %dma_start3A_487 = tpu.memref_slice %arg6[%dma_start3A_485, %dma_start3A_486] : memref<30000x8xf32, #tpu.memory_space<hbm>> -> memref<30000x8xf32, #tpu.memory_space<hbm>>
    tpu.enqueue_indirect_dma source(%dma_start3A_487 : memref<30000x8xf32, #tpu.memory_space<hbm>>) target(%arg16 : memref<512x8xf32, #tpu.memory_space<vmem>>) offsets(%dma_start3A_484 : memref<512xi32, #tpu.memory_space<vmem>>) semaphore(%arg18 : memref<!tpu.dma_semaphore, #tpu.memory_space<semaphore_mem>>)
    %broadcast_in_dim3A_488 = arith.constant 0.000000e+00 : f32
    %broadcast_in_dim3A_489 = vector.broadcast %broadcast_in_dim3A_488 : f32 to vector<16xf32>
    %gt3A_490 = arith.constant 0 : i32
    %gt3A_491 = arith.cmpi sgt, %reduce_max3A_181, %gt3A_490 : i32
    %convert_element_type3A_492 = arith.extui %gt3A_491 : i1 to i32
    %cond3A_493 = arith.constant 0 : i32
    %cond3A_494 = arith.cmpi ne, %convert_element_type3A_492, %cond3A_493 : i32
    scf.if %cond3A_494 {
      %scan3A_593 = arith.constant 0 : i32
      %scan3A_594 = arith.constant 0 : i32
      %scan3A_595 = arith.constant 32 : i32
      %scan3A_596 = arith.addi %scan3A_594, %scan3A_595 : i32
      %scan3A_597 = arith.constant 1 : i32
      %scan3A_598 = scf.for %scan3A_600 = %scan3A_594 to %scan3A_596 step %scan3A_597 iter_args(%scan3A_601 = %scan3A_593) -> (i32)  : i32 {
        %mul3A_602 = arith.constant 16 : i32
        %mul3A_603 = arith.muli %scan3A_600, %mul3A_602 : i32
        %add3A_604 = vector.broadcast %mul3A_603 : i32 to vector<16xi32>
        %add3A_605 = arith.addi %add3A_604, %iota3A : vector<16xi32>
        %mul3A_606 = arith.constant 16 : i32
        %mul3A_607 = arith.muli %scan3A_600, %mul3A_606 : i32
        %get3A = arith.constant 10 : i32
        %get3A_608 = arith.index_cast %get3A : i32 to index
        %get3A_609 = arith.index_cast %mul3A_607 : i32 to index
        %get3A_610 = tpu.vector_load %arg12[%get3A_608, %get3A_609] {strides = array<i32>} : memref<16x512xi32, #tpu.memory_space<vmem>>, vector<16xi32>,
        %eq3A = arith.constant 0 : i32
        %eq3A_611 = vector.broadcast %eq3A : i32 to vector<16xi32>
        %eq3A_612 = arith.cmpi eq, %get3A_610, %eq3A_611 : vector<16xi32>
        %scan3A_613 = arith.constant 0 : i32
        %scan3A_614 = arith.constant 0 : i32
        %scan3A_615 = arith.constant 8 : i32
        %scan3A_616 = arith.addi %scan3A_614, %scan3A_615 : i32
        %scan3A_617 = arith.constant 1 : i32
        %scan3A_618 = scf.for %scan3A_621 = %scan3A_614 to %scan3A_616 step %scan3A_617 iter_args(%scan3A_622 = %scan3A_613) -> (i32)  : i32 {
          %broadcast_in_dim3A_623 = arith.constant 0 : i32
          %broadcast_in_dim3A_624 = vector.broadcast %broadcast_in_dim3A_623 : i32 to vector<16xi32>
          %add3A_625 = vector.broadcast %scan3A_621 : i32 to vector<16xi32>
          %add3A_626 = arith.addi %broadcast_in_dim3A_624, %add3A_625 : vector<16xi32>
          tpu.vector_store_idx %arg15[%add3A_605, %add3A_626], %broadcast_in_dim3A_489 masked %eq3A_612 : memref<512x8xf32, #tpu.memory_space<vmem>>[vector<16xi32>, vector<16xi32>], vector<16xf32>, vector<16xi1>
          %scan3A_627 = arith.constant 0 : i32
          scf.yield %scan3A_627 : i32
        }
        %scan3A_619 = arith.constant 8 : i32
        %scan3A_620 = arith.constant 0 : i32
        scf.yield %scan3A_620 : i32
      }
      %scan3A_599 = arith.constant 32 : i32
    } else {
    }
    "tpu.region"() ({
      %run_scoped3A = tpu.sem_alloc : memref<!tpu.dma_semaphore, #tpu.memory_space<semaphore_mem>>
      %dma_start3A_593 = arith.constant 320 : i32
      %dma_start3A_594 = tpu.memref_slice %arg8[%mul3A_2, %dma_start3A_593] : memref<16384x368xf32, #tpu.memory_space<hbm>> -> memref<512x8xf32, #tpu.memory_space<hbm>>
      %dma_start3A_595 = arith.constant 320 : i32
      %dma_start3A_596 = tpu.memref_slice %arg8[%mul3A_2, %dma_start3A_595] : memref<16384x368xf32, #tpu.memory_space<hbm>> -> memref<512x8xf32, #tpu.memory_space<hbm>>
      tpu.enqueue_dma source(%arg15 : memref<512x8xf32, #tpu.memory_space<vmem>>) target(%dma_start3A_596 : memref<512x8xf32, #tpu.memory_space<hbm>>) target_semaphore(%run_scoped3A : memref<!tpu.dma_semaphore, #tpu.memory_space<semaphore_mem>>)
      %dma_wait3A_597 = arith.constant 320 : i32
      %dma_wait3A_598 = tpu.memref_slice %arg8[%mul3A_2, %dma_wait3A_597] : memref<16384x368xf32, #tpu.memory_space<hbm>> -> memref<512x8xf32, #tpu.memory_space<hbm>>
      %dma_wait3A_599 = arith.constant 320 : i32
      %dma_wait3A_600 = tpu.memref_slice %arg8[%mul3A_2, %dma_wait3A_599] : memref<16384x368xf32, #tpu.memory_space<hbm>> -> memref<512x8xf32, #tpu.memory_space<hbm>>
      tpu.wait_dma2 semaphore(%run_scoped3A : memref<!tpu.dma_semaphore, #tpu.memory_space<semaphore_mem>>) src(%arg15 : memref<512x8xf32, #tpu.memory_space<vmem>>) dst(%dma_wait3A_600 : memref<512x8xf32, #tpu.memory_space<hbm>>)
      tpu.yield
    }) : () -> ()
    %dma_wait3A_495 = arith.constant 11 : i32
    %dma_wait3A_496 = arith.constant 0 : i32
    %dma_wait3A_497 = tpu.memref_slice %arg12[%dma_wait3A_495, %dma_wait3A_496] : memref<16x512xi32, #tpu.memory_space<vmem>> -> memref<1x512xi32, #tpu.memory_space<vmem>>
    %dma_wait3A_498 = tpu.memref_squeeze %dma_wait3A_497 : memref<1x512xi32, #tpu.memory_space<vmem>> -> memref<512xi32, #tpu.memory_space<vmem>>
    %dma_wait3A_499 = arith.constant 0 : i32
    %dma_wait3A_500 = arith.constant 0 : i32
    %dma_wait3A_501 = tpu.memref_slice %arg6[%dma_wait3A_499, %dma_wait3A_500] : memref<30000x8xf32, #tpu.memory_space<hbm>> -> memref<30000x8xf32, #tpu.memory_space<hbm>>
    tpu.wait_indirect_dma semaphore(%arg18 : memref<!tpu.dma_semaphore, #tpu.memory_space<semaphore_mem>>) src(%dma_wait3A_501 : memref<30000x8xf32, #tpu.memory_space<hbm>>) dst(%arg16 : memref<512x8xf32, #tpu.memory_space<vmem>>)
    %dma_start3A_502 = arith.constant 12 : i32
    %dma_start3A_503 = arith.constant 0 : i32
    %dma_start3A_504 = tpu.memref_slice %arg12[%dma_start3A_502, %dma_start3A_503] : memref<16x512xi32, #tpu.memory_space<vmem>> -> memref<1x512xi32, #tpu.memory_space<vmem>>
    %dma_start3A_505 = tpu.memref_squeeze %dma_start3A_504 : memref<1x512xi32, #tpu.memory_space<vmem>> -> memref<512xi32, #tpu.memory_space<vmem>>
    %dma_start3A_506 = arith.constant 0 : i32
    %dma_start3A_507 = arith.constant 0 : i32
    %dma_start3A_508 = tpu.memref_slice %arg6[%dma_start3A_506, %dma_start3A_507] : memref<30000x8xf32, #tpu.memory_space<hbm>> -> memref<30000x8xf32, #tpu.memory_space<hbm>>
    tpu.enqueue_indirect_dma source(%dma_start3A_508 : memref<30000x8xf32, #tpu.memory_space<hbm>>) target(%arg15 : memref<512x8xf32, #tpu.memory_space<vmem>>) offsets(%dma_start3A_505 : memref<512xi32, #tpu.memory_space<vmem>>) semaphore(%arg17 : memref<!tpu.dma_semaphore, #tpu.memory_space<semaphore_mem>>)
    %broadcast_in_dim3A_509 = arith.constant 0.000000e+00 : f32
    %broadcast_in_dim3A_510 = vector.broadcast %broadcast_in_dim3A_509 : f32 to vector<16xf32>
    %gt3A_511 = arith.constant 0 : i32
    %gt3A_512 = arith.cmpi sgt, %reduce_max3A_197, %gt3A_511 : i32
    %convert_element_type3A_513 = arith.extui %gt3A_512 : i1 to i32
    %cond3A_514 = arith.constant 0 : i32
    %cond3A_515 = arith.cmpi ne, %convert_element_type3A_513, %cond3A_514 : i32
    scf.if %cond3A_515 {
      %scan3A_593 = arith.constant 0 : i32
      %scan3A_594 = arith.constant 0 : i32
      %scan3A_595 = arith.constant 32 : i32
      %scan3A_596 = arith.addi %scan3A_594, %scan3A_595 : i32
      %scan3A_597 = arith.constant 1 : i32
      %scan3A_598 = scf.for %scan3A_600 = %scan3A_594 to %scan3A_596 step %scan3A_597 iter_args(%scan3A_601 = %scan3A_593) -> (i32)  : i32 {
        %mul3A_602 = arith.constant 16 : i32
        %mul3A_603 = arith.muli %scan3A_600, %mul3A_602 : i32
        %add3A_604 = vector.broadcast %mul3A_603 : i32 to vector<16xi32>
        %add3A_605 = arith.addi %add3A_604, %iota3A : vector<16xi32>
        %mul3A_606 = arith.constant 16 : i32
        %mul3A_607 = arith.muli %scan3A_600, %mul3A_606 : i32
        %get3A = arith.constant 11 : i32
        %get3A_608 = arith.index_cast %get3A : i32 to index
        %get3A_609 = arith.index_cast %mul3A_607 : i32 to index
        %get3A_610 = tpu.vector_load %arg12[%get3A_608, %get3A_609] {strides = array<i32>} : memref<16x512xi32, #tpu.memory_space<vmem>>, vector<16xi32>,
        %eq3A = arith.constant 10000 : i32
        %eq3A_611 = vector.broadcast %eq3A : i32 to vector<16xi32>
        %eq3A_612 = arith.cmpi eq, %get3A_610, %eq3A_611 : vector<16xi32>
        %scan3A_613 = arith.constant 0 : i32
        %scan3A_614 = arith.constant 0 : i32
        %scan3A_615 = arith.constant 8 : i32
        %scan3A_616 = arith.addi %scan3A_614, %scan3A_615 : i32
        %scan3A_617 = arith.constant 1 : i32
        %scan3A_618 = scf.for %scan3A_621 = %scan3A_614 to %scan3A_616 step %scan3A_617 iter_args(%scan3A_622 = %scan3A_613) -> (i32)  : i32 {
          %broadcast_in_dim3A_623 = arith.constant 0 : i32
          %broadcast_in_dim3A_624 = vector.broadcast %broadcast_in_dim3A_623 : i32 to vector<16xi32>
          %add3A_625 = vector.broadcast %scan3A_621 : i32 to vector<16xi32>
          %add3A_626 = arith.addi %broadcast_in_dim3A_624, %add3A_625 : vector<16xi32>
          tpu.vector_store_idx %arg16[%add3A_605, %add3A_626], %broadcast_in_dim3A_510 masked %eq3A_612 : memref<512x8xf32, #tpu.memory_space<vmem>>[vector<16xi32>, vector<16xi32>], vector<16xf32>, vector<16xi1>
          %scan3A_627 = arith.constant 0 : i32
          scf.yield %scan3A_627 : i32
        }
        %scan3A_619 = arith.constant 8 : i32
        %scan3A_620 = arith.constant 0 : i32
        scf.yield %scan3A_620 : i32
      }
      %scan3A_599 = arith.constant 32 : i32
    } else {
    }
    "tpu.region"() ({
      %run_scoped3A = tpu.sem_alloc : memref<!tpu.dma_semaphore, #tpu.memory_space<semaphore_mem>>
      %dma_start3A_593 = arith.constant 328 : i32
      %dma_start3A_594 = tpu.memref_slice %arg8[%mul3A_2, %dma_start3A_593] : memref<16384x368xf32, #tpu.memory_space<hbm>> -> memref<512x8xf32, #tpu.memory_space<hbm>>
      %dma_start3A_595 = arith.constant 328 : i32
      %dma_start3A_596 = tpu.memref_slice %arg8[%mul3A_2, %dma_start3A_595] : memref<16384x368xf32, #tpu.memory_space<hbm>> -> memref<512x8xf32, #tpu.memory_space<hbm>>
      tpu.enqueue_dma source(%arg16 : memref<512x8xf32, #tpu.memory_space<vmem>>) target(%dma_start3A_596 : memref<512x8xf32, #tpu.memory_space<hbm>>) target_semaphore(%run_scoped3A : memref<!tpu.dma_semaphore, #tpu.memory_space<semaphore_mem>>)
      %dma_wait3A_597 = arith.constant 328 : i32
      %dma_wait3A_598 = tpu.memref_slice %arg8[%mul3A_2, %dma_wait3A_597] : memref<16384x368xf32, #tpu.memory_space<hbm>> -> memref<512x8xf32, #tpu.memory_space<hbm>>
      %dma_wait3A_599 = arith.constant 328 : i32
      %dma_wait3A_600 = tpu.memref_slice %arg8[%mul3A_2, %dma_wait3A_599] : memref<16384x368xf32, #tpu.memory_space<hbm>> -> memref<512x8xf32, #tpu.memory_space<hbm>>
      tpu.wait_dma2 semaphore(%run_scoped3A : memref<!tpu.dma_semaphore, #tpu.memory_space<semaphore_mem>>) src(%arg16 : memref<512x8xf32, #tpu.memory_space<vmem>>) dst(%dma_wait3A_600 : memref<512x8xf32, #tpu.memory_space<hbm>>)
      tpu.yield
    }) : () -> ()
    %dma_wait3A_516 = arith.constant 12 : i32
    %dma_wait3A_517 = arith.constant 0 : i32
    %dma_wait3A_518 = tpu.memref_slice %arg12[%dma_wait3A_516, %dma_wait3A_517] : memref<16x512xi32, #tpu.memory_space<vmem>> -> memref<1x512xi32, #tpu.memory_space<vmem>>
    %dma_wait3A_519 = tpu.memref_squeeze %dma_wait3A_518 : memref<1x512xi32, #tpu.memory_space<vmem>> -> memref<512xi32, #tpu.memory_space<vmem>>
    %dma_wait3A_520 = arith.constant 0 : i32
    %dma_wait3A_521 = arith.constant 0 : i32
    %dma_wait3A_522 = tpu.memref_slice %arg6[%dma_wait3A_520, %dma_wait3A_521] : memref<30000x8xf32, #tpu.memory_space<hbm>> -> memref<30000x8xf32, #tpu.memory_space<hbm>>
    tpu.wait_indirect_dma semaphore(%arg17 : memref<!tpu.dma_semaphore, #tpu.memory_space<semaphore_mem>>) src(%dma_wait3A_522 : memref<30000x8xf32, #tpu.memory_space<hbm>>) dst(%arg15 : memref<512x8xf32, #tpu.memory_space<vmem>>)
    %dma_start3A_523 = arith.constant 13 : i32
    %dma_start3A_524 = arith.constant 0 : i32
    %dma_start3A_525 = tpu.memref_slice %arg12[%dma_start3A_523, %dma_start3A_524] : memref<16x512xi32, #tpu.memory_space<vmem>> -> memref<1x512xi32, #tpu.memory_space<vmem>>
    %dma_start3A_526 = tpu.memref_squeeze %dma_start3A_525 : memref<1x512xi32, #tpu.memory_space<vmem>> -> memref<512xi32, #tpu.memory_space<vmem>>
    %dma_start3A_527 = arith.constant 0 : i32
    %dma_start3A_528 = arith.constant 0 : i32
    %dma_start3A_529 = tpu.memref_slice %arg7[%dma_start3A_527, %dma_start3A_528] : memref<3000x8xf32, #tpu.memory_space<hbm>> -> memref<3000x8xf32, #tpu.memory_space<hbm>>
    tpu.enqueue_indirect_dma source(%dma_start3A_529 : memref<3000x8xf32, #tpu.memory_space<hbm>>) target(%arg16 : memref<512x8xf32, #tpu.memory_space<vmem>>) offsets(%dma_start3A_526 : memref<512xi32, #tpu.memory_space<vmem>>) semaphore(%arg18 : memref<!tpu.dma_semaphore, #tpu.memory_space<semaphore_mem>>)
    %broadcast_in_dim3A_530 = arith.constant 0.000000e+00 : f32
    %broadcast_in_dim3A_531 = vector.broadcast %broadcast_in_dim3A_530 : f32 to vector<16xf32>
    %gt3A_532 = arith.constant 0 : i32
    %gt3A_533 = arith.cmpi sgt, %reduce_max3A_213, %gt3A_532 : i32
    %convert_element_type3A_534 = arith.extui %gt3A_533 : i1 to i32
    %cond3A_535 = arith.constant 0 : i32
    %cond3A_536 = arith.cmpi ne, %convert_element_type3A_534, %cond3A_535 : i32
    scf.if %cond3A_536 {
      %scan3A_593 = arith.constant 0 : i32
      %scan3A_594 = arith.constant 0 : i32
      %scan3A_595 = arith.constant 32 : i32
      %scan3A_596 = arith.addi %scan3A_594, %scan3A_595 : i32
      %scan3A_597 = arith.constant 1 : i32
      %scan3A_598 = scf.for %scan3A_600 = %scan3A_594 to %scan3A_596 step %scan3A_597 iter_args(%scan3A_601 = %scan3A_593) -> (i32)  : i32 {
        %mul3A_602 = arith.constant 16 : i32
        %mul3A_603 = arith.muli %scan3A_600, %mul3A_602 : i32
        %add3A_604 = vector.broadcast %mul3A_603 : i32 to vector<16xi32>
        %add3A_605 = arith.addi %add3A_604, %iota3A : vector<16xi32>
        %mul3A_606 = arith.constant 16 : i32
        %mul3A_607 = arith.muli %scan3A_600, %mul3A_606 : i32
        %get3A = arith.constant 12 : i32
        %get3A_608 = arith.index_cast %get3A : i32 to index
        %get3A_609 = arith.index_cast %mul3A_607 : i32 to index
        %get3A_610 = tpu.vector_load %arg12[%get3A_608, %get3A_609] {strides = array<i32>} : memref<16x512xi32, #tpu.memory_space<vmem>>, vector<16xi32>,
        %eq3A = arith.constant 20000 : i32
        %eq3A_611 = vector.broadcast %eq3A : i32 to vector<16xi32>
        %eq3A_612 = arith.cmpi eq, %get3A_610, %eq3A_611 : vector<16xi32>
        %scan3A_613 = arith.constant 0 : i32
        %scan3A_614 = arith.constant 0 : i32
        %scan3A_615 = arith.constant 8 : i32
        %scan3A_616 = arith.addi %scan3A_614, %scan3A_615 : i32
        %scan3A_617 = arith.constant 1 : i32
        %scan3A_618 = scf.for %scan3A_621 = %scan3A_614 to %scan3A_616 step %scan3A_617 iter_args(%scan3A_622 = %scan3A_613) -> (i32)  : i32 {
          %broadcast_in_dim3A_623 = arith.constant 0 : i32
          %broadcast_in_dim3A_624 = vector.broadcast %broadcast_in_dim3A_623 : i32 to vector<16xi32>
          %add3A_625 = vector.broadcast %scan3A_621 : i32 to vector<16xi32>
          %add3A_626 = arith.addi %broadcast_in_dim3A_624, %add3A_625 : vector<16xi32>
          tpu.vector_store_idx %arg15[%add3A_605, %add3A_626], %broadcast_in_dim3A_531 masked %eq3A_612 : memref<512x8xf32, #tpu.memory_space<vmem>>[vector<16xi32>, vector<16xi32>], vector<16xf32>, vector<16xi1>
          %scan3A_627 = arith.constant 0 : i32
          scf.yield %scan3A_627 : i32
        }
        %scan3A_619 = arith.constant 8 : i32
        %scan3A_620 = arith.constant 0 : i32
        scf.yield %scan3A_620 : i32
      }
      %scan3A_599 = arith.constant 32 : i32
    } else {
    }
    "tpu.region"() ({
      %run_scoped3A = tpu.sem_alloc : memref<!tpu.dma_semaphore, #tpu.memory_space<semaphore_mem>>
      %dma_start3A_593 = arith.constant 336 : i32
      %dma_start3A_594 = tpu.memref_slice %arg8[%mul3A_2, %dma_start3A_593] : memref<16384x368xf32, #tpu.memory_space<hbm>> -> memref<512x8xf32, #tpu.memory_space<hbm>>
      %dma_start3A_595 = arith.constant 336 : i32
      %dma_start3A_596 = tpu.memref_slice %arg8[%mul3A_2, %dma_start3A_595] : memref<16384x368xf32, #tpu.memory_space<hbm>> -> memref<512x8xf32, #tpu.memory_space<hbm>>
      tpu.enqueue_dma source(%arg15 : memref<512x8xf32, #tpu.memory_space<vmem>>) target(%dma_start3A_596 : memref<512x8xf32, #tpu.memory_space<hbm>>) target_semaphore(%run_scoped3A : memref<!tpu.dma_semaphore, #tpu.memory_space<semaphore_mem>>)
      %dma_wait3A_597 = arith.constant 336 : i32
      %dma_wait3A_598 = tpu.memref_slice %arg8[%mul3A_2, %dma_wait3A_597] : memref<16384x368xf32, #tpu.memory_space<hbm>> -> memref<512x8xf32, #tpu.memory_space<hbm>>
      %dma_wait3A_599 = arith.constant 336 : i32
      %dma_wait3A_600 = tpu.memref_slice %arg8[%mul3A_2, %dma_wait3A_599] : memref<16384x368xf32, #tpu.memory_space<hbm>> -> memref<512x8xf32, #tpu.memory_space<hbm>>
      tpu.wait_dma2 semaphore(%run_scoped3A : memref<!tpu.dma_semaphore, #tpu.memory_space<semaphore_mem>>) src(%arg15 : memref<512x8xf32, #tpu.memory_space<vmem>>) dst(%dma_wait3A_600 : memref<512x8xf32, #tpu.memory_space<hbm>>)
      tpu.yield
    }) : () -> ()
    %dma_wait3A_537 = arith.constant 13 : i32
    %dma_wait3A_538 = arith.constant 0 : i32
    %dma_wait3A_539 = tpu.memref_slice %arg12[%dma_wait3A_537, %dma_wait3A_538] : memref<16x512xi32, #tpu.memory_space<vmem>> -> memref<1x512xi32, #tpu.memory_space<vmem>>
    %dma_wait3A_540 = tpu.memref_squeeze %dma_wait3A_539 : memref<1x512xi32, #tpu.memory_space<vmem>> -> memref<512xi32, #tpu.memory_space<vmem>>
    %dma_wait3A_541 = arith.constant 0 : i32
    %dma_wait3A_542 = arith.constant 0 : i32
    %dma_wait3A_543 = tpu.memref_slice %arg7[%dma_wait3A_541, %dma_wait3A_542] : memref<3000x8xf32, #tpu.memory_space<hbm>> -> memref<3000x8xf32, #tpu.memory_space<hbm>>
    tpu.wait_indirect_dma semaphore(%arg18 : memref<!tpu.dma_semaphore, #tpu.memory_space<semaphore_mem>>) src(%dma_wait3A_543 : memref<3000x8xf32, #tpu.memory_space<hbm>>) dst(%arg16 : memref<512x8xf32, #tpu.memory_space<vmem>>)
    %dma_start3A_544 = arith.constant 14 : i32
    %dma_start3A_545 = arith.constant 0 : i32
    %dma_start3A_546 = tpu.memref_slice %arg12[%dma_start3A_544, %dma_start3A_545] : memref<16x512xi32, #tpu.memory_space<vmem>> -> memref<1x512xi32, #tpu.memory_space<vmem>>
    %dma_start3A_547 = tpu.memref_squeeze %dma_start3A_546 : memref<1x512xi32, #tpu.memory_space<vmem>> -> memref<512xi32, #tpu.memory_space<vmem>>
    %dma_start3A_548 = arith.constant 0 : i32
    %dma_start3A_549 = arith.constant 0 : i32
    %dma_start3A_550 = tpu.memref_slice %arg7[%dma_start3A_548, %dma_start3A_549] : memref<3000x8xf32, #tpu.memory_space<hbm>> -> memref<3000x8xf32, #tpu.memory_space<hbm>>
    tpu.enqueue_indirect_dma source(%dma_start3A_550 : memref<3000x8xf32, #tpu.memory_space<hbm>>) target(%arg15 : memref<512x8xf32, #tpu.memory_space<vmem>>) offsets(%dma_start3A_547 : memref<512xi32, #tpu.memory_space<vmem>>) semaphore(%arg17 : memref<!tpu.dma_semaphore, #tpu.memory_space<semaphore_mem>>)
    %broadcast_in_dim3A_551 = arith.constant 0.000000e+00 : f32
    %broadcast_in_dim3A_552 = vector.broadcast %broadcast_in_dim3A_551 : f32 to vector<16xf32>
    %gt3A_553 = arith.constant 0 : i32
    %gt3A_554 = arith.cmpi sgt, %reduce_max3A_229, %gt3A_553 : i32
    %convert_element_type3A_555 = arith.extui %gt3A_554 : i1 to i32
    %cond3A_556 = arith.constant 0 : i32
    %cond3A_557 = arith.cmpi ne, %convert_element_type3A_555, %cond3A_556 : i32
    scf.if %cond3A_557 {
      %scan3A_593 = arith.constant 0 : i32
      %scan3A_594 = arith.constant 0 : i32
      %scan3A_595 = arith.constant 32 : i32
      %scan3A_596 = arith.addi %scan3A_594, %scan3A_595 : i32
      %scan3A_597 = arith.constant 1 : i32
      %scan3A_598 = scf.for %scan3A_600 = %scan3A_594 to %scan3A_596 step %scan3A_597 iter_args(%scan3A_601 = %scan3A_593) -> (i32)  : i32 {
        %mul3A_602 = arith.constant 16 : i32
        %mul3A_603 = arith.muli %scan3A_600, %mul3A_602 : i32
        %add3A_604 = vector.broadcast %mul3A_603 : i32 to vector<16xi32>
        %add3A_605 = arith.addi %add3A_604, %iota3A : vector<16xi32>
        %mul3A_606 = arith.constant 16 : i32
        %mul3A_607 = arith.muli %scan3A_600, %mul3A_606 : i32
        %get3A = arith.constant 13 : i32
        %get3A_608 = arith.index_cast %get3A : i32 to index
        %get3A_609 = arith.index_cast %mul3A_607 : i32 to index
        %get3A_610 = tpu.vector_load %arg12[%get3A_608, %get3A_609] {strides = array<i32>} : memref<16x512xi32, #tpu.memory_space<vmem>>, vector<16xi32>,
        %eq3A = arith.constant 0 : i32
        %eq3A_611 = vector.broadcast %eq3A : i32 to vector<16xi32>
        %eq3A_612 = arith.cmpi eq, %get3A_610, %eq3A_611 : vector<16xi32>
        %scan3A_613 = arith.constant 0 : i32
        %scan3A_614 = arith.constant 0 : i32
        %scan3A_615 = arith.constant 8 : i32
        %scan3A_616 = arith.addi %scan3A_614, %scan3A_615 : i32
        %scan3A_617 = arith.constant 1 : i32
        %scan3A_618 = scf.for %scan3A_621 = %scan3A_614 to %scan3A_616 step %scan3A_617 iter_args(%scan3A_622 = %scan3A_613) -> (i32)  : i32 {
          %broadcast_in_dim3A_623 = arith.constant 0 : i32
          %broadcast_in_dim3A_624 = vector.broadcast %broadcast_in_dim3A_623 : i32 to vector<16xi32>
          %add3A_625 = vector.broadcast %scan3A_621 : i32 to vector<16xi32>
          %add3A_626 = arith.addi %broadcast_in_dim3A_624, %add3A_625 : vector<16xi32>
          tpu.vector_store_idx %arg16[%add3A_605, %add3A_626], %broadcast_in_dim3A_552 masked %eq3A_612 : memref<512x8xf32, #tpu.memory_space<vmem>>[vector<16xi32>, vector<16xi32>], vector<16xf32>, vector<16xi1>
          %scan3A_627 = arith.constant 0 : i32
          scf.yield %scan3A_627 : i32
        }
        %scan3A_619 = arith.constant 8 : i32
        %scan3A_620 = arith.constant 0 : i32
        scf.yield %scan3A_620 : i32
      }
      %scan3A_599 = arith.constant 32 : i32
    } else {
    }
    "tpu.region"() ({
      %run_scoped3A = tpu.sem_alloc : memref<!tpu.dma_semaphore, #tpu.memory_space<semaphore_mem>>
      %dma_start3A_593 = arith.constant 344 : i32
      %dma_start3A_594 = tpu.memref_slice %arg8[%mul3A_2, %dma_start3A_593] : memref<16384x368xf32, #tpu.memory_space<hbm>> -> memref<512x8xf32, #tpu.memory_space<hbm>>
      %dma_start3A_595 = arith.constant 344 : i32
      %dma_start3A_596 = tpu.memref_slice %arg8[%mul3A_2, %dma_start3A_595] : memref<16384x368xf32, #tpu.memory_space<hbm>> -> memref<512x8xf32, #tpu.memory_space<hbm>>
      tpu.enqueue_dma source(%arg16 : memref<512x8xf32, #tpu.memory_space<vmem>>) target(%dma_start3A_596 : memref<512x8xf32, #tpu.memory_space<hbm>>) target_semaphore(%run_scoped3A : memref<!tpu.dma_semaphore, #tpu.memory_space<semaphore_mem>>)
      %dma_wait3A_597 = arith.constant 344 : i32
      %dma_wait3A_598 = tpu.memref_slice %arg8[%mul3A_2, %dma_wait3A_597] : memref<16384x368xf32, #tpu.memory_space<hbm>> -> memref<512x8xf32, #tpu.memory_space<hbm>>
      %dma_wait3A_599 = arith.constant 344 : i32
      %dma_wait3A_600 = tpu.memref_slice %arg8[%mul3A_2, %dma_wait3A_599] : memref<16384x368xf32, #tpu.memory_space<hbm>> -> memref<512x8xf32, #tpu.memory_space<hbm>>
      tpu.wait_dma2 semaphore(%run_scoped3A : memref<!tpu.dma_semaphore, #tpu.memory_space<semaphore_mem>>) src(%arg16 : memref<512x8xf32, #tpu.memory_space<vmem>>) dst(%dma_wait3A_600 : memref<512x8xf32, #tpu.memory_space<hbm>>)
      tpu.yield
    }) : () -> ()
    %dma_wait3A_558 = arith.constant 14 : i32
    %dma_wait3A_559 = arith.constant 0 : i32
    %dma_wait3A_560 = tpu.memref_slice %arg12[%dma_wait3A_558, %dma_wait3A_559] : memref<16x512xi32, #tpu.memory_space<vmem>> -> memref<1x512xi32, #tpu.memory_space<vmem>>
    %dma_wait3A_561 = tpu.memref_squeeze %dma_wait3A_560 : memref<1x512xi32, #tpu.memory_space<vmem>> -> memref<512xi32, #tpu.memory_space<vmem>>
    %dma_wait3A_562 = arith.constant 0 : i32
    %dma_wait3A_563 = arith.constant 0 : i32
    %dma_wait3A_564 = tpu.memref_slice %arg7[%dma_wait3A_562, %dma_wait3A_563] : memref<3000x8xf32, #tpu.memory_space<hbm>> -> memref<3000x8xf32, #tpu.memory_space<hbm>>
    tpu.wait_indirect_dma semaphore(%arg17 : memref<!tpu.dma_semaphore, #tpu.memory_space<semaphore_mem>>) src(%dma_wait3A_564 : memref<3000x8xf32, #tpu.memory_space<hbm>>) dst(%arg15 : memref<512x8xf32, #tpu.memory_space<vmem>>)
    %dma_start3A_565 = arith.constant 15 : i32
    %dma_start3A_566 = arith.constant 0 : i32
    %dma_start3A_567 = tpu.memref_slice %arg12[%dma_start3A_565, %dma_start3A_566] : memref<16x512xi32, #tpu.memory_space<vmem>> -> memref<1x512xi32, #tpu.memory_space<vmem>>
    %dma_start3A_568 = tpu.memref_squeeze %dma_start3A_567 : memref<1x512xi32, #tpu.memory_space<vmem>> -> memref<512xi32, #tpu.memory_space<vmem>>
    %dma_start3A_569 = arith.constant 0 : i32
    %dma_start3A_570 = arith.constant 0 : i32
    %dma_start3A_571 = tpu.memref_slice %arg7[%dma_start3A_569, %dma_start3A_570] : memref<3000x8xf32, #tpu.memory_space<hbm>> -> memref<3000x8xf32, #tpu.memory_space<hbm>>
    tpu.enqueue_indirect_dma source(%dma_start3A_571 : memref<3000x8xf32, #tpu.memory_space<hbm>>) target(%arg16 : memref<512x8xf32, #tpu.memory_space<vmem>>) offsets(%dma_start3A_568 : memref<512xi32, #tpu.memory_space<vmem>>) semaphore(%arg18 : memref<!tpu.dma_semaphore, #tpu.memory_space<semaphore_mem>>)
    %broadcast_in_dim3A_572 = arith.constant 0.000000e+00 : f32
    %broadcast_in_dim3A_573 = vector.broadcast %broadcast_in_dim3A_572 : f32 to vector<16xf32>
    %gt3A_574 = arith.constant 0 : i32
    %gt3A_575 = arith.cmpi sgt, %reduce_max3A_245, %gt3A_574 : i32
    %convert_element_type3A_576 = arith.extui %gt3A_575 : i1 to i32
    %cond3A_577 = arith.constant 0 : i32
    %cond3A_578 = arith.cmpi ne, %convert_element_type3A_576, %cond3A_577 : i32
    scf.if %cond3A_578 {
      %scan3A_593 = arith.constant 0 : i32
      %scan3A_594 = arith.constant 0 : i32
      %scan3A_595 = arith.constant 32 : i32
      %scan3A_596 = arith.addi %scan3A_594, %scan3A_595 : i32
      %scan3A_597 = arith.constant 1 : i32
      %scan3A_598 = scf.for %scan3A_600 = %scan3A_594 to %scan3A_596 step %scan3A_597 iter_args(%scan3A_601 = %scan3A_593) -> (i32)  : i32 {
        %mul3A_602 = arith.constant 16 : i32
        %mul3A_603 = arith.muli %scan3A_600, %mul3A_602 : i32
        %add3A_604 = vector.broadcast %mul3A_603 : i32 to vector<16xi32>
        %add3A_605 = arith.addi %add3A_604, %iota3A : vector<16xi32>
        %mul3A_606 = arith.constant 16 : i32
        %mul3A_607 = arith.muli %scan3A_600, %mul3A_606 : i32
        %get3A = arith.constant 14 : i32
        %get3A_608 = arith.index_cast %get3A : i32 to index
        %get3A_609 = arith.index_cast %mul3A_607 : i32 to index
        %get3A_610 = tpu.vector_load %arg12[%get3A_608, %get3A_609] {strides = array<i32>} : memref<16x512xi32, #tpu.memory_space<vmem>>, vector<16xi32>,
        %eq3A = arith.constant 1000 : i32
        %eq3A_611 = vector.broadcast %eq3A : i32 to vector<16xi32>
        %eq3A_612 = arith.cmpi eq, %get3A_610, %eq3A_611 : vector<16xi32>
        %scan3A_613 = arith.constant 0 : i32
        %scan3A_614 = arith.constant 0 : i32
        %scan3A_615 = arith.constant 8 : i32
        %scan3A_616 = arith.addi %scan3A_614, %scan3A_615 : i32
        %scan3A_617 = arith.constant 1 : i32
        %scan3A_618 = scf.for %scan3A_621 = %scan3A_614 to %scan3A_616 step %scan3A_617 iter_args(%scan3A_622 = %scan3A_613) -> (i32)  : i32 {
          %broadcast_in_dim3A_623 = arith.constant 0 : i32
          %broadcast_in_dim3A_624 = vector.broadcast %broadcast_in_dim3A_623 : i32 to vector<16xi32>
          %add3A_625 = vector.broadcast %scan3A_621 : i32 to vector<16xi32>
          %add3A_626 = arith.addi %broadcast_in_dim3A_624, %add3A_625 : vector<16xi32>
          tpu.vector_store_idx %arg15[%add3A_605, %add3A_626], %broadcast_in_dim3A_573 masked %eq3A_612 : memref<512x8xf32, #tpu.memory_space<vmem>>[vector<16xi32>, vector<16xi32>], vector<16xf32>, vector<16xi1>
          %scan3A_627 = arith.constant 0 : i32
          scf.yield %scan3A_627 : i32
        }
        %scan3A_619 = arith.constant 8 : i32
        %scan3A_620 = arith.constant 0 : i32
        scf.yield %scan3A_620 : i32
      }
      %scan3A_599 = arith.constant 32 : i32
    } else {
    }
    "tpu.region"() ({
      %run_scoped3A = tpu.sem_alloc : memref<!tpu.dma_semaphore, #tpu.memory_space<semaphore_mem>>
      %dma_start3A_593 = arith.constant 352 : i32
      %dma_start3A_594 = tpu.memref_slice %arg8[%mul3A_2, %dma_start3A_593] : memref<16384x368xf32, #tpu.memory_space<hbm>> -> memref<512x8xf32, #tpu.memory_space<hbm>>
      %dma_start3A_595 = arith.constant 352 : i32
      %dma_start3A_596 = tpu.memref_slice %arg8[%mul3A_2, %dma_start3A_595] : memref<16384x368xf32, #tpu.memory_space<hbm>> -> memref<512x8xf32, #tpu.memory_space<hbm>>
      tpu.enqueue_dma source(%arg15 : memref<512x8xf32, #tpu.memory_space<vmem>>) target(%dma_start3A_596 : memref<512x8xf32, #tpu.memory_space<hbm>>) target_semaphore(%run_scoped3A : memref<!tpu.dma_semaphore, #tpu.memory_space<semaphore_mem>>)
      %dma_wait3A_597 = arith.constant 352 : i32
      %dma_wait3A_598 = tpu.memref_slice %arg8[%mul3A_2, %dma_wait3A_597] : memref<16384x368xf32, #tpu.memory_space<hbm>> -> memref<512x8xf32, #tpu.memory_space<hbm>>
      %dma_wait3A_599 = arith.constant 352 : i32
      %dma_wait3A_600 = tpu.memref_slice %arg8[%mul3A_2, %dma_wait3A_599] : memref<16384x368xf32, #tpu.memory_space<hbm>> -> memref<512x8xf32, #tpu.memory_space<hbm>>
      tpu.wait_dma2 semaphore(%run_scoped3A : memref<!tpu.dma_semaphore, #tpu.memory_space<semaphore_mem>>) src(%arg15 : memref<512x8xf32, #tpu.memory_space<vmem>>) dst(%dma_wait3A_600 : memref<512x8xf32, #tpu.memory_space<hbm>>)
      tpu.yield
    }) : () -> ()
    %dma_wait3A_579 = arith.constant 15 : i32
    %dma_wait3A_580 = arith.constant 0 : i32
    %dma_wait3A_581 = tpu.memref_slice %arg12[%dma_wait3A_579, %dma_wait3A_580] : memref<16x512xi32, #tpu.memory_space<vmem>> -> memref<1x512xi32, #tpu.memory_space<vmem>>
    %dma_wait3A_582 = tpu.memref_squeeze %dma_wait3A_581 : memref<1x512xi32, #tpu.memory_space<vmem>> -> memref<512xi32, #tpu.memory_space<vmem>>
    %dma_wait3A_583 = arith.constant 0 : i32
    %dma_wait3A_584 = arith.constant 0 : i32
    %dma_wait3A_585 = tpu.memref_slice %arg7[%dma_wait3A_583, %dma_wait3A_584] : memref<3000x8xf32, #tpu.memory_space<hbm>> -> memref<3000x8xf32, #tpu.memory_space<hbm>>
    tpu.wait_indirect_dma semaphore(%arg18 : memref<!tpu.dma_semaphore, #tpu.memory_space<semaphore_mem>>) src(%dma_wait3A_585 : memref<3000x8xf32, #tpu.memory_space<hbm>>) dst(%arg16 : memref<512x8xf32, #tpu.memory_space<vmem>>)
    %broadcast_in_dim3A_586 = arith.constant 0.000000e+00 : f32
    %broadcast_in_dim3A_587 = vector.broadcast %broadcast_in_dim3A_586 : f32 to vector<16xf32>
    %gt3A_588 = arith.constant 0 : i32
    %gt3A_589 = arith.cmpi sgt, %reduce_max3A_261, %gt3A_588 : i32
    %convert_element_type3A_590 = arith.extui %gt3A_589 : i1 to i32
    %cond3A_591 = arith.constant 0 : i32
    %cond3A_592 = arith.cmpi ne, %convert_element_type3A_590, %cond3A_591 : i32
    scf.if %cond3A_592 {
      %scan3A_593 = arith.constant 0 : i32
      %scan3A_594 = arith.constant 0 : i32
      %scan3A_595 = arith.constant 32 : i32
      %scan3A_596 = arith.addi %scan3A_594, %scan3A_595 : i32
      %scan3A_597 = arith.constant 1 : i32
      %scan3A_598 = scf.for %scan3A_600 = %scan3A_594 to %scan3A_596 step %scan3A_597 iter_args(%scan3A_601 = %scan3A_593) -> (i32)  : i32 {
        %mul3A_602 = arith.constant 16 : i32
        %mul3A_603 = arith.muli %scan3A_600, %mul3A_602 : i32
        %add3A_604 = vector.broadcast %mul3A_603 : i32 to vector<16xi32>
        %add3A_605 = arith.addi %add3A_604, %iota3A : vector<16xi32>
        %mul3A_606 = arith.constant 16 : i32
        %mul3A_607 = arith.muli %scan3A_600, %mul3A_606 : i32
        %get3A = arith.constant 15 : i32
        %get3A_608 = arith.index_cast %get3A : i32 to index
        %get3A_609 = arith.index_cast %mul3A_607 : i32 to index
        %get3A_610 = tpu.vector_load %arg12[%get3A_608, %get3A_609] {strides = array<i32>} : memref<16x512xi32, #tpu.memory_space<vmem>>, vector<16xi32>,
        %eq3A = arith.constant 2000 : i32
        %eq3A_611 = vector.broadcast %eq3A : i32 to vector<16xi32>
        %eq3A_612 = arith.cmpi eq, %get3A_610, %eq3A_611 : vector<16xi32>
        %scan3A_613 = arith.constant 0 : i32
        %scan3A_614 = arith.constant 0 : i32
        %scan3A_615 = arith.constant 8 : i32
        %scan3A_616 = arith.addi %scan3A_614, %scan3A_615 : i32
        %scan3A_617 = arith.constant 1 : i32
        %scan3A_618 = scf.for %scan3A_621 = %scan3A_614 to %scan3A_616 step %scan3A_617 iter_args(%scan3A_622 = %scan3A_613) -> (i32)  : i32 {
          %broadcast_in_dim3A_623 = arith.constant 0 : i32
          %broadcast_in_dim3A_624 = vector.broadcast %broadcast_in_dim3A_623 : i32 to vector<16xi32>
          %add3A_625 = vector.broadcast %scan3A_621 : i32 to vector<16xi32>
          %add3A_626 = arith.addi %broadcast_in_dim3A_624, %add3A_625 : vector<16xi32>
          tpu.vector_store_idx %arg16[%add3A_605, %add3A_626], %broadcast_in_dim3A_587 masked %eq3A_612 : memref<512x8xf32, #tpu.memory_space<vmem>>[vector<16xi32>, vector<16xi32>], vector<16xf32>, vector<16xi1>
          %scan3A_627 = arith.constant 0 : i32
          scf.yield %scan3A_627 : i32
        }
        %scan3A_619 = arith.constant 8 : i32
        %scan3A_620 = arith.constant 0 : i32
        scf.yield %scan3A_620 : i32
      }
      %scan3A_599 = arith.constant 32 : i32
    } else {
    }
    "tpu.region"() ({
      %run_scoped3A = tpu.sem_alloc : memref<!tpu.dma_semaphore, #tpu.memory_space<semaphore_mem>>
      %dma_start3A_593 = arith.constant 360 : i32
      %dma_start3A_594 = tpu.memref_slice %arg8[%mul3A_2, %dma_start3A_593] : memref<16384x368xf32, #tpu.memory_space<hbm>> -> memref<512x8xf32, #tpu.memory_space<hbm>>
      %dma_start3A_595 = arith.constant 360 : i32
      %dma_start3A_596 = tpu.memref_slice %arg8[%mul3A_2, %dma_start3A_595] : memref<16384x368xf32, #tpu.memory_space<hbm>> -> memref<512x8xf32, #tpu.memory_space<hbm>>
      tpu.enqueue_dma source(%arg16 : memref<512x8xf32, #tpu.memory_space<vmem>>) target(%dma_start3A_596 : memref<512x8xf32, #tpu.memory_space<hbm>>) target_semaphore(%run_scoped3A : memref<!tpu.dma_semaphore, #tpu.memory_space<semaphore_mem>>)
      %dma_wait3A_597 = arith.constant 360 : i32
      %dma_wait3A_598 = tpu.memref_slice %arg8[%mul3A_2, %dma_wait3A_597] : memref<16384x368xf32, #tpu.memory_space<hbm>> -> memref<512x8xf32, #tpu.memory_space<hbm>>
      %dma_wait3A_599 = arith.constant 360 : i32
      %dma_wait3A_600 = tpu.memref_slice %arg8[%mul3A_2, %dma_wait3A_599] : memref<16384x368xf32, #tpu.memory_space<hbm>> -> memref<512x8xf32, #tpu.memory_space<hbm>>
      tpu.wait_dma2 semaphore(%run_scoped3A : memref<!tpu.dma_semaphore, #tpu.memory_space<semaphore_mem>>) src(%arg16 : memref<512x8xf32, #tpu.memory_space<vmem>>) dst(%dma_wait3A_600 : memref<512x8xf32, #tpu.memory_space<hbm>>)
      tpu.yield
    }) : () -> ()
    return
  }
}

</mosaic_0001>

<sc_bundles>
// kernel: _run.3.cloned.1.call-start
scs
__scs_entry_jumppad:
0x0: {  	(pc) =	sbr.rel $0x88, $3  }
0x1: {  	(tag) =	ssettag $0x0;
	lr =	simm.s32 $0x1  }
0x2: {  	[smem:$0x3F9B] =	sst lr;
	_ =	strace $0xD0000000  }
0x3: {  	_ = 	snop  }
0x4: {  	_ = 	snop  }
0x5: {  	_ = 	snop  }
0x6: {  	_ = 	snop  }
0x7: {  	_ = 	snop  }
__scs_overlays_trampoline_lowered:
0x8: {  	[smem:$0x3FAA] =	sst s0  }
0x9: {  	[smem:$0x3FAB] =	sst s1  }
0xa: {  	[smem:$0x3FAC] =	sst s2  }
0xb: {  	[smem:$0x3FAD] =	sst s3  }
0xc: {  	[smem:$0x3FAE] =	sst s4  }
0xd: {  	[smem:$0x3FAF] =	sst s5  }
0xe: {  	[smem:$0x3FB0] =	sst s6  }
0xf: {  	[smem:$0x3FB1] =	sst s7  }
0x10: {  	[smem:$0x3FB2] =	sst s8  }
0x11: {  	[smem:$0x3FB3] =	sst s9;
	s0 =	simm.s32 @!p0 $0x0  }
0x12: {  	s1 =	sld [smem:$0x3F99];
	s0 =	simm.s32 @p0 $0x1  }
0x13: {  	[smem:$0x3FB4] =	sst s0;
	s0 =	simm.s32 @!p1 $0x0  }
0x14: {  	s2 =	sld [smem:$0x3F98];
	s0 =	simm.s32 @p1 $0x1  }
0x15: {  	[smem:$0x3FB5] =	sst s0;
	s0 =	simm.s32 @!p2 $0x0  }
0x16: {  	s3 =	sld [smem:$0x3FDB];
	s0 =	simm.s32 @p2 $0x1  }
0x17: {  	s4 =	simm.s32 $0x1BF5;
	[smem:$0x3FB7] =	sst s0  }
0x18: {  	s0 =	sld [smem:$0x3F9A];
	_ =	swait.ge [sflag:s4], $0x0  }
0x19: {  	s7 =	sld [smem:$0x3F9B]  }
0x1a: {  	s8 =	sadd.s32 $0xFFFFE003, lr  }
0x1b: {  	s9 =	sadd.s32 $0xFFFFFEF7, lr;
	s5 =	simm.s32 $0xFFFFFFFF;
	p2 =	slt.u32 s8, $0xFFFFF086  }
0x1c: {  	p1 =	slt.u32 s9, $0xF7A;
	s5 =	simm.s32 @!p2 $0x0  }
0x1d: {  	s5 =	simm.s32 @p1 $0x1;
	p0 =	seq.s32 s7, s2  }
0x1e: {  	s7 =	smul.u32 @!p0 $0xF7A, s2;
	p2 =	seq.s32 @!p0 s5, $0x0  }
0x1f: {  	s9 =	smul.u32 $0xF7A, s1;
	s8 =	simm.s32 @!p0 $0x1BF5;
	p2 =	por !p2, p0  }
0x20: {  	[sflag:s8] =	ssyncset.s32 @!p0 $0xFFFFF086;
	s6 =	sadd.s32 @!p0 s3, s7;
	s7 =	simm.s32 @!p0 $0x108  }
0x21: {  	s3 =	sadd.s32 s3, s9;
	s6 =	sadd.s32 @!p0 $0x88, s6;
	s7 =	simm.s32 @p2 $0x1082  }
0x22: {  	[simem:s7], [sflag:s8] =	dma.local @!p0 [hbm:s6], $0xF7A  }
0x23: {  	s9 =	sor.u32 $0xD0000000, s2;
	s6 =	simm.s32 $0x108;
	_ =	swait.ge @!p0 [sflag:s8], $0x0  }
0x24: {  	s3 =	sadd.s32 $0x88, s3;
	s6 =	simm.s32 @!p1 $0x1082;
	[sflag:s4] =	ssyncset.s32 $0xFFFFF086  }
0x25: {  	[simem:s6], [sflag:s4] =	dma.local [hbm:s3], $0xF7A  }
0x26: {  	[smem:$0x3F9B] =	sst s1;
	(tag) =	ssettag s2;
	_ =	strace s9  }
0x27: {  	s1 =	sld [smem:$0x3FAB]  }
0x28: {  	s2 =	sld [smem:$0x3FAC]  }
0x29: {  	s4 =	sld [smem:$0x3FAE]  }
0x2a: {  	p0 =	seq.s32 s5, $0x0;
	s5 =	sld [smem:$0x3FAF]  }
0x2b: {  	s6 =	sld [smem:$0x3FB0]  }
0x2c: {  	s7 =	sld [smem:$0x3FB1]  }
0x2d: {  	s3 =	simm.s32 $0x108;
	s8 =	sld [smem:$0x3FB2]  }
0x2e: {  	s3 =	simm.s32 @!p0 $0x1082;
	s9 =	sld [smem:$0x3FB3]  }
0x2f: {  	lr =	sadd.s32 s0, s3;
	s0 =	sld [smem:$0x3FAA]  }
0x30: {  	s3 =	sld [smem:$0x3FAD]  }
0x31: {  	[smem:$0x3FB6] =	sst s10  }
0x32: {  	s10 =	sld [smem:$0x3FB4];
	_ =	sdelay $0x3  }
0x33: {  	p0 =	seq.s32 s10, $0x1;
	s10 =	sld [smem:$0x3FB6];
	_ =	sdelay $0x3  }
0x34: {  	[smem:$0x3FB6] =	sst s10  }
0x35: {  	s10 =	sld [smem:$0x3FB5];
	_ =	sdelay $0x3  }
0x36: {  	p1 =	seq.s32 s10, $0x1;
	s10 =	sld [smem:$0x3FB6];
	_ =	sdelay $0x3  }
0x37: {  	[smem:$0x3FB6] =	sst s10  }
0x38: {  	s10 =	sld [smem:$0x3FB7]  }
0x39: {  	_ = 	snop;
	(pc) =	sbr.ind lr, $3  }
0x3a: {  	_ = 	snop  }
0x3b: {  	_ = 	snop  }
0x3c: {  	p2 =	seq.s32 s10, $0x1;
	s10 =	sld [smem:$0x3FB6]  }
0x3d: {  	_ =	shalt  }
0x3e: {  	_ =	shalt  }
0x3f: {  	_ =	shalt  }
0x40: {  	_ =	shalt  }
0x41: {  	_ =	shalt  }
0x42: {  	_ =	shalt  }
0x43: {  	_ =	shalt  }
0x44: {  	_ =	shalt  }
0x45: {  	_ =	shalt  }
0x46: {  	_ =	shalt  }
0x47: {  	_ =	shalt  }
0x48: {  	_ =	shalt  }
0x49: {  	_ =	shalt  }
0x4a: {  	_ =	shalt  }
0x4b: {  	_ =	shalt  }
0x4c: {  	_ =	shalt  }
0x4d: {  	_ =	shalt  }
0x4e: {  	_ =	shalt  }
0x4f: {  	_ =	shalt  }
0x50: {  	_ =	shalt  }
0x51: {  	_ =	shalt  }
0x52: {  	_ =	shalt  }
0x53: {  	_ =	shalt  }
0x54: {  	_ =	shalt  }
0x55: {  	_ =	shalt  }
0x56: {  	_ =	shalt  }
0x57: {  	_ =	shalt  }
0x58: {  	_ =	shalt  }
0x59: {  	_ =	shalt  }
0x5a: {  	_ =	shalt  }
0x5b: {  	_ =	shalt  }
0x5c: {  	_ =	shalt  }
0x5d: {  	_ =	shalt  }
0x5e: {  	_ =	shalt  }
0x5f: {  	_ =	shalt  }
0x60: {  	_ =	shalt  }
0x61: {  	_ =	shalt  }
0x62: {  	_ =	shalt  }
0x63: {  	_ =	shalt  }
0x64: {  	_ =	shalt  }
0x65: {  	_ =	shalt  }
0x66: {  	_ =	shalt  }
0x67: {  	_ =	shalt  }
0x68: {  	_ =	shalt  }
0x69: {  	_ =	shalt  }
0x6a: {  	_ =	shalt  }
0x6b: {  	_ =	shalt  }
0x6c: {  	_ =	shalt  }
0x6d: {  	_ =	shalt  }
0x6e: {  	_ =	shalt  }
0x6f: {  	_ =	shalt  }
0x70: {  	_ =	shalt  }
0x71: {  	_ =	shalt  }
0x72: {  	_ =	shalt  }
0x73: {  	_ =	shalt  }
0x74: {  	_ =	shalt  }
0x75: {  	_ =	shalt  }
0x76: {  	_ =	shalt  }
0x77: {  	_ =	shalt  }
0x78: {  	_ =	shalt  }
0x79: {  	_ =	shalt  }
0x7a: {  	_ =	shalt  }
0x7b: {  	_ =	shalt  }
0x7c: {  	_ =	shalt  }
0x7d: {  	_ =	shalt  }
0x7e: {  	_ =	shalt  }
0x7f: {  	_ =	shalt  }
0x80: {  	_ =	shalt  }
0x81: {  	_ =	shalt  }
0x82: {  	_ =	shalt  }
0x83: {  	_ =	shalt  }
0x84: {  	_ =	shalt  }
0x85: {  	_ =	shalt  }
0x86: {  	_ =	shalt  }
0x87: {  	_ =	shalt  }
.Lfunc_end0:
.L_simem_size_0:
called_computation_lowered:
.L_overlay_start_0:
0x88: {  	s2 =	sld [smem:$0x3FD9]  }
0x89: {  	s3 =	sld [smem:$0x3FFE];
	_ =	sdelay $0x1  }
0x8a: {  	s1 =	srdreg.scid  }
0x8b: {  	s0 =	sand.u32 $0x1, s1  }
0x8c: {  	s17 =	sshll.u32 s0, $0xA;
	s2 =	sadd.s32 s3, s2  }
0x8d: {  	s2 =	sadd.s32 s2, s17  }
0x8e: {  	[smem:$0x3FC2] =	sst s2  }
0x8f: {  	_ = 	snop  }
0x90: {  	s2 =	sld [smem:$0x3FC9]  }
0x91: {  	s18 =	sld [smem:$0x3FC8]  }
0x92: {  	s4 =	sld [smem:$0x3FC7]  }
0x93: {  	s5 =	sld [smem:$0x3FD0];
	(tm) =	ssettm $0x1  }
0x94: {  	s6 =	sld [smem:$0x3FFB];
	_ =	sdelay $0x3  }
0x95: {  	_ =	strace s6  }
0x96: {  	s6 =	sld [smem:$0x3FFC];
	_ =	sdelay $0x3  }
0x97: {  	_ =	strace s6  }
0x98: {  	s6 =	sld [smem:$0x3FFD];
	_ =	sdelay $0x3  }
0x99: {  	_ =	strace s6  }
0x9a: {  	_ =	strace $0x8FFFFFFF  }
0x9b: {  	s19 =	sld [smem:$0x3FDB];
	_ =	sdelay $0x1  }
0x9c: {  	s7 =	simm.s32 $_scs_section_size  }
0x9d: {  	s8 =	simm.s32 $_size__tile_overlayer_lowered;
	s9 =	simm.s32 $_tile_overlayer_lowered  }
0x9e: {  	s22 =	simm.s32 $0x1BFF;
	s21 =	sshll.u32 s9, $0x1;
	s6 =	sadd.s32 s7, s19  }
0x9f: {  	s10 =	simm.s32 $0x0;
	s20 =	sshll.u32 s8, $0x1;
	s8 =	sadd.s32 s21, s6  }
0xa0: {  	[timem:s10], [sflag:s22] =	dma.local [hbm:s8], s20  }
0xa1: {  	_ =	swait.ge [sflag:s22], s20  }
0xa2: {  	s7 =	ssub.s32 $0x0, s20;
	[sflag:s22] =	ssyncset.done $0x0  }
0xa3: {  	[sflag:s22] =	ssyncadd.s32 s7;
	_ =	sdelay $0x1  }
0xa4: {  	s23 =	simm.s32 $0x1B8B  }
0xa5: {  	_ =	swait.ge [sflag:s23], $0x1  }
0xa6: {  	[sflag:s23] =	ssyncset.done $0x0  }
0xa7: {  	s25 =	simm.s32 $0x1B8E;
	s24 =	sld [smem:$0x3FFE];
	[sflag:s23] =	ssyncadd.s32 $0xFFFFFFFF  }
0xa8: {  	s26 =	simm.s32 $execute0_lowered;
	[smem:$0x3FD2] =	sst s25  }
0xa9: {  	s8 =	sshll.u32 s26, $0x1;
	_ =	strace $0x80000046;
	[dreg:$0x1] =	wrdreg $0xFFFFFFFF  }
0xaa: {  	s28 =	simm.s32 $_size_execute0_lowered;
	s6 =	sadd.s32 s6, s8;
	[dreg:$0x0] =	wrdreg $0x0  }
0xab: {  	s8 =	sshll.u32 s28, $0x1;
	[dreg:$0x2] =	wrdreg s6  }
0xac: {  	[dreg:$0x3] =	wrdreg s8  }
0xad: {  	[dreg:$0x4] =	wrdreg $0xC0  }
0xae: {  	_ =	task [dreg:s10], $0x5FFFF  }
0xaf: {  	[dreg:$0x1] =	wrdreg $0xFFFFFFFF  }
0xb0: {  	[dreg:$0x0] =	wrdreg $0x60  }
0xb1: {  	[dreg:$0x2] =	wrdreg s2  }
0xb2: {  	[dreg:$0x3] =	wrdreg s18  }
0xb3: {  	[dreg:$0x4] =	wrdreg s4  }
0xb4: {  	[dreg:$0x5] =	wrdreg s24  }
0xb5: {  	[dreg:$0x6] =	wrdreg s5  }
0xb6: {  	[dreg:$0x7] =	wrdreg $0x9  }
0xb7: {  	_ =	task.clear_ibuf [dreg:s10], $0x8FFFF;
	_ =	strace $0x90000046  }
0xb8: {  	s29 =	simm.s32 $0x9;
	_ =	strace $0x80000048  }
0xb9: {  	_ =	swait.ge [sflag:s29], $0x1  }
0xba: {  	[sflag:s29] =	ssyncadd.s32 $0xFFFFFFFF  }
0xbb: {  	_ =	strace $0x90000048  }
0xbc: {  	_ =	sfence  }
0xbd: {  	s30 =	sld [smem:$0x0];
	_ =	sdelay $0x2  }
0xbe: {  	s31 =	sshll.u32 s1, $0xD;
	s1 =	sshrl.u32 s1, $0x2  }
0xbf: {  	s3 =	sand.u32 $0x4000, s31;
	s1 =	sadd.s32 s1, s30  }
0xc0: {  	s0 =	sor.u32 s3, s0;
	s1 =	sshll.u32 s1, $0x11  }
0xc1: {  	s0 =	sor.u32 s1, s0  }
0xc2: {  	s0 =	sadd.s32 $0x8F2B, s0  }
0xc3: {  	[sflag:s0] =	ssyncadd.remote.s32 $0x1  }
0xc4: {  	_ =	sfence.sel $0xFFFF  }
0xc5: {  	[dreg:$0x0] =	wrdreg $0xFFFFFFFF;
	(pc) =	sbr.abs _section_cstart, $3  }
0xc6: {  	[dreg:$0x1] =	wrdreg $0xFFFFFFFF  }
0xc7: {  	_ =	task.clear_ibuf [dreg:s10], $0x2FFFF;
	_ =	strace $0x9FFFFFFF  }
0xc8: {  	(tm) =	ssettm $0x7FFFFFFF  }
0xc9: {  	_ =	shalt  }
tec
execute0_lowered:
.L_overlay_start_1:
0x0: {  	(tag) =	ssettag $0x1  }
0x1: {  	s0 =	rddreg [dreg:$0x0]  }
0x2: {  	s1 =	rddreg [dreg:$0x1]  }
0x3: {  	s3 =	srdreg.scid;
	s7 =	stileid.u32  }
0x4: {  	s2 =	rddreg [dreg:$0x2];
	s24 =	sand.u32 $0x1, s3;
	s25 =	sshll.u32 s7, $0x1  }
0x5: {  	s4 =	rddreg [dreg:$0x3];
	s7 =	sor.u32 s24, s25  }
0x6: {  	s5 =	rddreg [dreg:$0x4];
	s6 =	simm.s32 $0x0;
	s8 =	smul.u32 $0x280, s7  }
0x7: {  	[smem:$0x7FF] =	sst s6;
	s3 =	sadd.s32 $0xF42C00, s4;
	s9 =	smul.u32 $0x5C00, s7  }
0x8: {  	s15 =	sadd.s32 $0x7E00, s4;
	_ =	strace $0x80000047;
	s7 =	smul.u32 $0xC0, s7  }
0x9: {  	s6 =	ssub.s32 $0x2, s24;
	[dreg:$0x6] =	wrdreg s15;
	s0 =	sadd.s32 s0, s8  }
0xa: {  	s26 =	sshrl.u32 s6, $0x1;
	s1 =	sadd.s32 s1, s7;
	[dreg:$0x7] =	wrdreg s0  }
0xb: {  	s8 =	sadd.s32 s5, s9;
	s9 =	sadd.s32 s2, s7;
	[dreg:$0x9] =	wrdreg s1  }
0xc: {  	s12 =	sadd.s32 $0x800, s4;
	s4 =	ssub.s32 s6, s26;
	[dreg:$0xa] =	wrdreg s9  }
0xd: {  	s26 =	smax.u32 s4, $0x1;
	[dreg:$0x8] =	wrdreg s8  }
0xe: {  	s10 =	sadd.s32 $0x4, s8;
	[dreg:$0x1a] =	wrdreg s26  }
0xf: {  	s11 =	sadd.s32 $0x8, s8;
	[dreg:$0xb] =	wrdreg s10  }
0x10: {  	s13 =	sadd.s32 $0xC, s8;
	[dreg:$0xc] =	wrdreg s11  }
0x11: {  	s14 =	sadd.s32 $0x10, s8;
	[dreg:$0xd] =	wrdreg s13  }
0x12: {  	v0 =	vlaneseq.u32;
	v8 =	vimm.s32 $0x1070503;
	v10 =	vimm.s32 $0x2000604;
	s16 =	sadd.s32 $0x14, s8;
	[dreg:$0xe] =	wrdreg s14  }
0x13: {  	v12 =	vimm.s32 $0x3010705;
	v14 =	vimm.s32 $0x4020006;
	v16 =	vimm.s32 $0x5030107;
	s17 =	sadd.s32 $0x18, s8;
	[dreg:$0xf] =	wrdreg s16  }
0x14: {  	v6 =	vimm.s32 $0x60402;
	v18 =	vimm.s32 $0x52741630;
	v19 =	vimm.s32 $0x63052741;
	s18 =	sadd.s32 $0x1C, s8;
	[dreg:$0x10] =	wrdreg s17  }
0x15: {  	s28 =	simm.s32 $0x1400;
	v21 =	vimm.s32 $0x74163052;
	v25 =	vimm.f32 $0.0e+00;
	v1 =	vmul.u32 $0xA, v0;
	s19 =	sadd.s32 $0x20, s8;
	[dreg:$0x11] =	wrdreg s18  }
0x16: {  	s29 =	simm.s32 $0x1A00;
	v2 =	vand.u32 $0x3, v0;
	v6 =	vunpack.c.0.s8.s32 v6;
	v8 =	vunpack.c.0.s8.s32 v8;
	s20 =	sadd.s32 $0x24, s8;
	[dreg:$0x12] =	wrdreg s19  }
0x17: {  	s30 =	simm.s32 $0x200;
	v10 =	vunpack.c.0.s8.s32 v10;
	v12 =	vunpack.c.0.s8.s32 v12;
	v14 =	vunpack.c.0.s8.s32 v14;
	s21 =	sadd.s32 $0x28, s8;
	[dreg:$0x13] =	wrdreg s20  }
0x18: {  	s31 =	simm.s32 $0x8000;
	v16 =	vunpack.c.0.s8.s32 v16;
	v17 =	vmul.u32 $0x3, v0;
	v20 =	vunpack.c.l.s4.s8 v18;
	s22 =	sadd.s32 $0x29, s8;
	[dreg:$0x14] =	wrdreg s21  }
0x19: {  	v22 =	vunpack.c.l.s4.s8 v19;
	v24 =	vunpack.c.l.s4.s8 v21;
	v2 =	vmul.u32 $0x2, v2;
	s23 =	sadd.s32 $0x2A, s8;
	s24 =	sadd.s32 $0x2B, s8;
	[dreg:$0x15] =	wrdreg s22  }
.Ltmp0:
0x1a: {  	v3 =	vor.u32 $0x1, v1;
	v5 =	vadd.s32 $0x2, v1;
	v7 =	vadd.s32 $0x3, v1;
	s25 =	sadd.s32 $0x2C, s8;
	[dreg:$0x16] =	wrdreg s23;
	(pc) =	sbr.rel .LBB2_1-.Ltmp0, $4  }
0x1b: {  	v9 =	vadd.s32 $0x4, v1;
	v11 =	vadd.s32 $0x5, v1;
	v13 =	vadd.s32 $0x6, v1;
	s0 =	sadd.s32 $0x2D, s8;
	s26 =	simm.s32 $0x3;
	[dreg:$0x17] =	wrdreg s24  }
0x1c: {  	v15 =	vadd.s32 $0x7, v1;
	v18 =	vadd.s32 $0x8, v1;
	v19 =	vadd.s32 $0x9, v1;
	s1 =	simm.s32 $0x1;
	s8 =	simm.s32 $0x170;
	[dreg:$0x18] =	wrdreg s25  }
0x1d: {  	v20 =	vunpack.c.0.s8.s32 v20;
	v22 =	vunpack.c.0.s8.s32 v22;
	v24 =	vunpack.c.0.s8.s32 v24;
	s9 =	simm.s32 $0x2;
	[dreg:$0x19] =	wrdreg s0;
	s0 =	simm.s32 $0x4000  }
0x1e: {  	v21 =	vadd.s32 $0x1, v17;
	v23 =	vadd.s32 $0x2, v17;
	v4 =	vor.u32 $0x1, v2;
	s10 =	simm.s32 $0xC000;
	s11 =	simm.s32 $0xD000;
	s13 =	simm.s32 $0x0  }
.LBB2_172:
0x1f: {  	s2 =	rddreg [dreg:$0x19]  }
0x20: {  	[hbm4b:s2+s6] =	stream.strided.scatter [tilespmem:s11], [sflag:$0x3], $0x1000, s8, s6, $0x38;
	[tilespmem:$0xE000] =	vst v63  }
0x21: {  	_ =	swait.ge [sflag:s26], $0x1000  }
0x22: {  	s13 =	sadd.s32 $0x1, s13;
	s25 =	rddreg [dreg:$0x1a]  }
0x23: {  	p0 =	sne.s32 s13, s25  }
.Ltmp1:
0x24: {  	_ = 	snop;
	(pc) =	sbr.rel @!p0 .LBB2_173-.Ltmp1, $3  }
0x25: {  	_ =	sdelay $0x1  }
0x26: {  	[sflag:s26] =	ssyncset.done $0x0  }
0x27: {  	[sflag:s26] =	ssyncadd.s32 $0xFFFFF000  }
.LBB2_1:
0x28: {  	s4 =	simm.s32 $0x0;
	s2 =	rddreg [dreg:$0x7]  }
0x29: {  	[tilespmem:s4], [sflag:$0x3] =	stream.linear.gather [hbm4b:s2+s4], $0x1400, $0x38;
	v26 =	vmov s4;
	[tilespmem:$0xE000] =	vst v63  }
0x2a: {  	_ =	swait.ge [sflag:s26], $0x1400;
	v26 =	vmul.u32 $0xA, v26  }
0x2b: {  	[sflag:s26] =	ssyncset.done $0x0  }
0x2c: {  	s21 =	rddreg [dreg:$0x9];
	[sflag:s26] =	ssyncadd.s32 $0xFFFFEC00;
	v26 =	vbroadcast v26, $0x0  }
0x2d: {  	[tilespmem:s28], [sflag:$0x3] =	stream.linear.gather [hbm4b:s21+s4], $0x600, $0x38;
	[tilespmem:$0xE000] =	vst v63  }
0x2e: {  	s23 =	simm.s32 $0x10;
	_ =	swait.ge [sflag:s26], $0x600;
	v26 =	vadd.s32 v1, v26  }
0x2f: {  	v27 =	vmov s23;
	[sflag:s26] =	ssyncset.done $0x0;
	v26 =	vand.u32 $0xFFFFFFF8, v26  }
0x30: {  	v27 =	vmul.u32 $0xA, v27;
	s22 =	rddreg [dreg:$0xa];
	[sflag:s26] =	ssyncadd.s32 $0xFFFFFA00;
	v26 =	vor.u32 v2, v26  }
0x31: {  	[tilespmem:s29], [sflag:$0x3] =	stream.linear.gather [hbm4b:s22+s4], $0x600, $0x38;
	[tilespmem:$0xE000] =	vst v63  }
0x32: {  	v27 =	vbroadcast v27, $0x0;
	_ =	swait.ge [sflag:s26], $0x600  }
0x33: {  	[sflag:s26] =	ssyncset.done $0x0  }
0x34: {  	s24 =	simm.s32 $0x20;
	v27 =	vadd.s32 v1, v27;
	[sflag:s26] =	ssyncadd.s32 $0xFFFFFA00  }
0x35: {  	v28 =	vmov s24;
	v29 =	vand.u32 $0xFFFFFFF8, v27;
	v26 =	vld.idx.msk [tilespmem:v26+s4+$0x0], $0xffff  }
0x36: {  	v30 =	vmul.u32 $0xA, v28;
	v28 =	vor.u32 v2, v29;
	_ =	sdelay $0x2  }
0x37: {  	s5 =	simm.s32 $0x40;
	s25 =	simm.s32 $0x2000;
	v29 =	vbroadcast v30, $0x0  }
0x38: {  	s6 =	simm.s32 $0x0;
	s2 =	simm.s32 $0x30;
	v27 =	vimm.s32 $0x0;
	s4 =	simm.s32 $0x2000;
	vm0 =	veq.s32 v26, $0x0;
	[tilespmem:s25+$0x0] =	vst v26;
	v26 =	vimm.s32 $0x0  }
.LBB2_2:
0x39: {  	p0 =	sne.s32 s5, $0x1F0;
	v29 =	vadd.s32 v1, v29;
	v30 =	vld.idx.msk [tilespmem:v28+s6+$0x0], $0xffff;
	v31 =	vmpcnt.ones.xlane vm0  }
0x3a: {  	v28 =	vand.u32 $0xFFFFFFF8, v29  }
.Ltmp2:
0x3b: {  	v29 =	vmov s2;
	s2 =	smov.u32 s5;
	v28 =	vor.u32 v2, v28;
	v26 =	vadd.s32 v26, v31;
	(pc) =	sbr.rel @p0 .LBB2_2-.Ltmp2, $3  }
0x3c: {  	v29 =	vmul.u32 $0xA, v29;
	_ =	sdelay $0x1  }
0x3d: {  	s4 =	sadd.s32 $0x10, s4;
	v29 =	vbroadcast v29, $0x0  }
0x3e: {  	s6 =	simm.s32 $0x0;
	s5 =	sadd.s32 $0x10, s5;
	vm0 =	veq.s32 v30, $0x0;
	[tilespmem:s4+$0x0] =	vst v30  }
0x3f: {  	_ =	sdelay $0x2  }
0x40: {  	v29 =	vadd.s32 v1, v29  }
0x41: {  	v28 =	vld.idx.msk [tilespmem:v28+s6+$0x0], $0xffff;
	v30 =	vmov s2;
	v29 =	vand.u32 $0xFFFFFFF8, v29  }
0x42: {  	v30 =	vmul.u32 $0xA, v30;
	v29 =	vor.u32 v2, v29;
	_ =	sdelay $0x1  }
0x43: {  	v30 =	vbroadcast v30, $0x0  }
0x44: {  	s24 =	sadd.s32 $0x10, s4  }
0x45: {  	s25 =	simm.s32 $0x0;
	[tilespmem:s24+$0x0] =	vst v28;
	v30 =	vadd.s32 v1, v30  }
0x46: {  	v30 =	vand.u32 $0xFFFFFFF8, v30;
	v29 =	vld.idx.msk [tilespmem:v29+s25+$0x0], $0xffff  }
0x47: {  	v30 =	vor.u32 v2, v30;
	_ =	sdelay $0x2  }
0x48: {  	s2 =	sadd.s32 $0x10, s24  }
0x49: {  	s7 =	simm.s32 $0x0;
	[tilespmem:s2+$0x0] =	vst v29  }
0x4a: {  	v30 =	vld.idx.msk [tilespmem:v30+s7+$0x0], $0xffff;
	_ =	sdelay $0x2  }
0x4b: {  	v31 =	vmpcnt.ones.xlane vm0;
	p1 =	por $0x1, $0x1;
	vm13 =	veq.s32 v28, $0x0  }
.Ltmp3:
0x4c: {  	v28 =	vmpcnt.ones.xlane vm13;
	vm14 =	veq.s32 v29, $0x0;
	(pc) =	sbr.rel @!p1 .LBB2_4-.Ltmp3, $4  }
0x4d: {  	v26 =	vadd.s32 v26, v31;
	v29 =	vmpcnt.ones.xlane vm14;
	vm15 =	veq.s32 v30, $0x0  }
0x4e: {  	v26 =	vadd.s32 v26, v28;
	v28 =	vmpcnt.ones.xlane vm15  }
0x4f: {  	s15 =	simm.s32 $0x2200;
	s14 =	simm.s32 $0x10;
	s2 =	sadd.s32 $0x10, s2;
	v26 =	vadd.s32 v26, v29  }
0x50: {  	p2 =	por $0x0, $0x0;
	p3 =	por $0x0, $0x0;
	p0 =	por $0x0, $0x0;
	[tilespmem:s2+$0x0] =	vst v30;
	v26 =	vadd.s32 v26, v28  }
0x51: {  	v28 =	vmov s7  }
0x52: {  	p4 =	por $0x1, $0x1;
	v28 =	vmul.u32 $0xA, v28  }
.Ltmp4:
0x53: {  	_ = 	snop;
	(pc) =	sbr.rel @!p4 .LBB2_6-.Ltmp4, $3  }
0x54: {  	v28 =	vbroadcast v28, $0x0;
	_ =	sdelay $0x1  }
0x55: {  	v28 =	vadd.s32 v3, v28  }
0x56: {  	s16 =	simm.s32 $0x20;
	p2 =	por $0x1, $0x1;
	v31 =	vand.u32 $0xFFFFFFF8, v28  }
0x57: {  	v28 =	vmov s14  }
0x58: {  	v29 =	vor.u32 v4, v31;
	p4 =	por $0x1, $0x1;
	v28 =	vmul.u32 $0xA, v28  }
.Ltmp5:
0x59: {  	_ = 	snop;
	(pc) =	sbr.rel @!p4 .LBB2_8-.Ltmp5, $3  }
0x5a: {  	v28 =	vbroadcast v28, $0x0;
	_ =	sdelay $0x1  }
0x5b: {  	v30 =	vadd.s32 v3, v28  }
0x5c: {  	s4 =	simm.s32 $0x30;
	p3 =	por $0x1, $0x1;
	v28 =	vld.idx.msk [tilespmem:v29+s7+$0x0], $0xffff;
	v31 =	vand.u32 $0xFFFFFFF8, v30  }
0x5d: {  	_ = 	snop  }
0x5e: {  	v29 =	vmov s16;
	v30 =	vor.u32 v4, v31  }
0x5f: {  	p5 =	por $0x1, $0x1;
	v29 =	vmul.u32 $0xA, v29  }
.Ltmp6:
0x60: {  	_ = 	snop;
	(pc) =	sbr.rel @!p5 .LBB2_10-.Ltmp6, $4  }
0x61: {  	v29 =	vbroadcast v29, $0x0;
	vm0 =	veq.s32 v28, $0x0;
	v31 =	vadd.s32 $0x186A0, v28  }
0x62: {  	v32 =	vmpcnt.ones.xlane vm0;
	[tilespmem:s15+$0x0] =	vst v31  }
0x63: {  	v31 =	vadd.s32 v3, v29;
	v30 =	vld.idx.msk [tilespmem:v30+s7+$0x0], $0xffff  }
0x64: {  	s5 =	simm.s32 $0x40;
	p4 =	por $0x1, $0x1;
	s2 =	simm.s32 $0x2200;
	v31 =	vand.u32 $0xFFFFFFF8, v31;
	v29 =	vadd.s32 v27, v32  }
.LBB2_11:
0x65: {  	p5 =	sne.s32 s5, $0x1F0;
	v31 =	vor.u32 v4, v31  }
0x66: {  	v32 =	vmov s4;
	s4 =	smov.u32 s5  }
0x67: {  	v32 =	vmul.u32 $0xA, v32  }
.Ltmp7:
0x68: {  	s2 =	sadd.s32 $0x10, s2;
	vm0 =	veq.s32 v30, $0x0;
	v30 =	vadd.s32 $0x186A0, v30;
	(pc) =	sbr.rel @p5 .LBB2_11-.Ltmp7, $4  }
0x69: {  	v32 =	vbroadcast v32, $0x0;
	v33 =	vmpcnt.ones.xlane vm0;
	[tilespmem:s2+$0x0] =	vst v30  }
0x6a: {  	v30 =	vld.idx.msk [tilespmem:v31+s7+$0x0], $0xffff  }
0x6b: {  	v31 =	vadd.s32 v3, v32;
	v29 =	vadd.s32 v29, v33  }
0x6c: {  	s5 =	sadd.s32 $0x10, s5;
	v31 =	vand.u32 $0xFFFFFFF8, v31  }
0x6d: {  	s16 =	smov.u32 s4  }
.LBB2_13:
0x6e: {  	v31 =	vor.u32 @p2 v4, v31  }
0x6f: {  	v32 =	vmov s16  }
0x70: {  	s2 =	sadd.s32 @p4 $0x10, s2;
	s4 =	simm.s32 $0x2200;
	v32 =	vmul.u32 $0xA, v32  }
0x71: {  	v33 =	vadd.s32 @p3 $0x186A0, v30;
	s4 =	smov.u32 @p4 s2  }
0x72: {  	[tilespmem:s4+$0x0] =	vst @p3 v33;
	v32 =	vbroadcast v32, $0x0  }
0x73: {  	v31 =	vld.idx.msk @p2 [tilespmem:v31+s7+$0x0], $0xffff  }
0x74: {  	v32 =	vadd.s32 v3, v32  }
0x75: {  	v32 =	vand.u32 $0xFFFFFFF8, v32  }
0x76: {  	v32 =	vor.u32 v4, v32;
	_ =	sdelay $0x1  }
0x77: {  	s2 =	sadd.s32 @p3 $0x10, s4;
	s4 =	simm.s32 $0x2200;
	v28 =	vpsel p2, v31, v28  }
0x78: {  	s4 =	smov.u32 @p3 s2;
	v31 =	vadd.s32 @p2 $0x186A0, v28  }
0x79: {  	[tilespmem:s4+$0x0] =	vst @p2 v31  }
0x7a: {  	v31 =	vld.idx.msk [tilespmem:v32+s7+$0x0], $0xffff  }
0x7b: {  	vm0 =	veq.s32 @p3 v30, $0x0  }
0x7c: {  	v30 =	vmpcnt.ones.xlane @p3 vm0  }
0x7d: {  	vm0 =	veq.s32 @p2 v28, $0x0  }
.Ltmp8:
0x7e: {  	v28 =	vadd.s32 @p3 v29, v30;
	v29 =	vmpcnt.ones.xlane @p2 vm0;
	(pc) =	sbr.rel @!p1 .LBB2_14-.Ltmp8, $4  }
0x7f: {  	v28 =	vpsel p3, v28, v27;
	vm15 =	veq.s32 v31, $0x0  }
0x80: {  	s2 =	sadd.s32 @p2 $0x10, s4;
	v28 =	vadd.s32 @p2 v28, v29;
	v29 =	vmpcnt.ones.xlane vm15  }
0x81: {  	s15 =	smov.u32 @p2 s2;
	v27 =	vpsel p2, v28, v27;
	v28 =	vadd.s32 $0x186A0, v31  }
0x82: {  	s16 =	simm.s32 $0x2400;
	[tilespmem:s15+$0x0] =	vst v28;
	v27 =	vadd.s32 v27, v29;
	v29 =	vimm.s32 $0x0  }
0x83: {  	v28 =	vmov s7  }
0x84: {  	p2 =	por $0x1, $0x1;
	v28 =	vmul.u32 $0xA, v28  }
.Ltmp9:
0x85: {  	_ = 	snop;
	(pc) =	sbr.rel @!p2 .LBB2_16-.Ltmp9, $3  }
0x86: {  	v28 =	vbroadcast v28, $0x0;
	_ =	sdelay $0x1  }
0x87: {  	v28 =	vadd.s32 v5, v28  }
0x88: {  	s2 =	simm.s32 $0x20;
	p1 =	por $0x1, $0x1;
	v32 =	vand.u32 $0xFFFFFFF8, v28  }
0x89: {  	v28 =	vmov s14  }
0x8a: {  	v30 =	vor.u32 v6, v32;
	p3 =	por $0x1, $0x1;
	v28 =	vmul.u32 $0xA, v28  }
.Ltmp10:
0x8b: {  	_ = 	snop;
	(pc) =	sbr.rel @!p3 .LBB2_18-.Ltmp10, $3  }
0x8c: {  	v28 =	vbroadcast v28, $0x0;
	_ =	sdelay $0x1  }
0x8d: {  	s4 =	simm.s32 $0x0;
	v31 =	vadd.s32 v5, v28  }
0x8e: {  	s14 =	simm.s32 $0x30;
	p2 =	por $0x1, $0x1;
	v28 =	vld.idx.msk [tilespmem:v30+s4+$0x0], $0xffff;
	v32 =	vand.u32 $0xFFFFFFF8, v31  }
0x8f: {  	_ = 	snop  }
0x90: {  	v30 =	vmov s2;
	v31 =	vor.u32 v6, v32  }
0x91: {  	p3 =	por $0x1, $0x1;
	v30 =	vmul.u32 $0xA, v30  }
.Ltmp11:
0x92: {  	_ = 	snop;
	(pc) =	sbr.rel @!p3 .LBB2_20-.Ltmp11, $4  }
0x93: {  	v30 =	vbroadcast v30, $0x0;
	vm0 =	veq.s32 v28, $0x0;
	v62 =	vadd.s32 $0x30D40, v28  }
0x94: {  	v33 =	vmpcnt.ones.xlane vm0;
	[tilespmem:s16+$0x0] =	vst v62  }
0x95: {  	v63 =	vadd.s32 v5, v30;
	v31 =	vld.idx.msk [tilespmem:v31+s4+$0x0], $0xffff  }
0x96: {  	p0 =	por $0x1, $0x1;
	s2 =	simm.s32 $0x2400;
	s4 =	simm.s32 $0x40;
	v32 =	vand.u32 $0xFFFFFFF8, v63;
	v30 =	vadd.s32 v29, v33  }
.LBB2_21:
0x97: {  	p3 =	sne.s32 s4, $0x1F0;
	v32 =	vor.u32 v6, v32  }
0x98: {  	v33 =	vmov s14;
	s14 =	smov.u32 s4  }
0x99: {  	v33 =	vmul.u32 $0xA, v33  }
.Ltmp12:
0x9a: {  	s2 =	sadd.s32 $0x10, s2;
	vm0 =	veq.s32 v31, $0x0;
	v31 =	vadd.s32 $0x30D40, v31;
	(pc) =	sbr.rel @p3 .LBB2_21-.Ltmp12, $4  }
0x9b: {  	s5 =	simm.s32 $0x0;
	v33 =	vbroadcast v33, $0x0;
	v34 =	vmpcnt.ones.xlane vm0;
	[tilespmem:s2+$0x0] =	vst v31  }
0x9c: {  	v31 =	vld.idx.msk [tilespmem:v32+s5+$0x0], $0xffff  }
0x9d: {  	v32 =	vadd.s32 v5, v33;
	v30 =	vadd.s32 v30, v34  }
0x9e: {  	s4 =	sadd.s32 $0x10, s4;
	v32 =	vand.u32 $0xFFFFFFF8, v32  }
.LBB2_22:
0x9f: {  	v32 =	vor.u32 @p1 v6, v32  }
0xa0: {  	v33 =	vmov s14  }
0xa1: {  	s2 =	sadd.s32 @p0 $0x10, s2;
	s4 =	simm.s32 $0x2400;
	v33 =	vmul.u32 $0xA, v33  }
0xa2: {  	s4 =	smov.u32 @p0 s2;
	v34 =	vadd.s32 @p2 $0x30D40, v31  }
0xa3: {  	s2 =	simm.s32 @p1 $0x0;
	v33 =	vbroadcast v33, $0x0;
	[tilespmem:s4+$0x0] =	vst @p2 v34  }
0xa4: {  	v32 =	vld.idx.msk @p1 [tilespmem:v32+s2+$0x0], $0xffff  }
0xa5: {  	v33 =	vadd.s32 v5, v33  }
0xa6: {  	v33 =	vand.u32 $0xFFFFFFF8, v33  }
0xa7: {  	v33 =	vor.u32 v6, v33;
	_ =	sdelay $0x1  }
0xa8: {  	vm0 =	veq.s32 @p2 v31, $0x0;
	s2 =	sadd.s32 @p2 $0x10, s4;
	s4 =	simm.s32 $0x2400;
	v28 =	vpsel p1, v32, v28  }
0xa9: {  	v31 =	vmpcnt.ones.xlane @p2 vm0;
	s4 =	smov.u32 @p2 s2;
	v32 =	vadd.s32 @p1 $0x30D40, v28  }
0xaa: {  	s7 =	simm.s32 $0x0;
	vm0 =	veq.s32 @p1 v28, $0x0;
	[tilespmem:s4+$0x0] =	vst @p1 v32  }
0xab: {  	v28 =	vadd.s32 @p2 v30, v31;
	v30 =	vmpcnt.ones.xlane @p1 vm0;
	v32 =	vld.idx.msk [tilespmem:v33+s7+$0x0], $0xffff  }
0xac: {  	v28 =	vpsel p2, v28, v29  }
0xad: {  	s2 =	sadd.s32 @p1 $0x10, s4;
	v28 =	vadd.s32 @p1 v28, v30  }
0xae: {  	s16 =	smov.u32 @p1 s2;
	v28 =	vpsel p1, v28, v29;
	p1 =	por $0x1, $0x1  }
.Ltmp13:
0xaf: {  	_ = 	snop;
	(pc) =	sbr.rel @!p1 .LBB2_23-.Ltmp13, $4  }
0xb0: {  	vm15 =	veq.s32 v32, $0x0  }
0xb1: {  	v30 =	vmpcnt.ones.xlane vm15  }
0xb2: {  	s15 =	simm.s32 $0x2600;
	s14 =	simm.s32 $0x10;
	v31 =	vadd.s32 $0x30D40, v32  }
0xb3: {  	p3 =	por $0x0, $0x0;
	p0 =	por $0x0, $0x0;
	p2 =	por $0x0, $0x0;
	[tilespmem:s16+$0x0] =	vst v31;
	v28 =	vadd.s32 v28, v30  }
0xb4: {  	v30 =	vmov s7  }
0xb5: {  	p4 =	por $0x1, $0x1;
	v30 =	vmul.u32 $0xA, v30  }
.Ltmp14:
0xb6: {  	_ = 	snop;
	(pc) =	sbr.rel @!p4 .LBB2_25-.Ltmp14, $3  }
0xb7: {  	v30 =	vbroadcast v30, $0x0;
	_ =	sdelay $0x1  }
0xb8: {  	v30 =	vadd.s32 v7, v30  }
0xb9: {  	s16 =	simm.s32 $0x20;
	p2 =	por $0x1, $0x1;
	v33 =	vand.u32 $0xFFFFFFF8, v30  }
0xba: {  	v30 =	vmov s14  }
0xbb: {  	v31 =	vor.u32 v8, v33;
	p4 =	por $0x1, $0x1;
	v30 =	vmul.u32 $0xA, v30  }
.Ltmp15:
0xbc: {  	_ = 	snop;
	(pc) =	sbr.rel @!p4 .LBB2_27-.Ltmp15, $3  }
0xbd: {  	v30 =	vbroadcast v30, $0x0;
	_ =	sdelay $0x1  }
0xbe: {  	v32 =	vadd.s32 v7, v30  }
0xbf: {  	s4 =	simm.s32 $0x30;
	p3 =	por $0x1, $0x1;
	v30 =	vld.idx.msk [tilespmem:v31+s7+$0x0], $0xffff;
	v33 =	vand.u32 $0xFFFFFFF8, v32  }
0xc0: {  	_ = 	snop  }
0xc1: {  	v31 =	vmov s16;
	v32 =	vor.u32 v8, v33  }
0xc2: {  	p5 =	por $0x1, $0x1;
	v31 =	vmul.u32 $0xA, v31  }
.Ltmp16:
0xc3: {  	_ = 	snop;
	(pc) =	sbr.rel @!p5 .LBB2_29-.Ltmp16, $4  }
0xc4: {  	v31 =	vbroadcast v31, $0x0;
	vm0 =	veq.s32 v30, $0x0;
	v62 =	vadd.s32 $0x493E0, v30  }
0xc5: {  	v34 =	vmpcnt.ones.xlane vm0;
	[tilespmem:s15+$0x0] =	vst v62  }
0xc6: {  	v63 =	vadd.s32 v7, v31;
	v32 =	vld.idx.msk [tilespmem:v32+s7+$0x0], $0xffff  }
0xc7: {  	s5 =	simm.s32 $0x40;
	p4 =	por $0x1, $0x1;
	s2 =	simm.s32 $0x2600;
	v33 =	vand.u32 $0xFFFFFFF8, v63;
	v31 =	vadd.s32 v29, v34  }
.LBB2_30:
0xc8: {  	p5 =	sne.s32 s5, $0x1F0;
	v33 =	vor.u32 v8, v33  }
0xc9: {  	v34 =	vmov s4;
	s4 =	smov.u32 s5  }
0xca: {  	v34 =	vmul.u32 $0xA, v34  }
.Ltmp17:
0xcb: {  	s2 =	sadd.s32 $0x10, s2;
	vm0 =	veq.s32 v32, $0x0;
	v32 =	vadd.s32 $0x493E0, v32;
	(pc) =	sbr.rel @p5 .LBB2_30-.Ltmp17, $4  }
0xcc: {  	v34 =	vbroadcast v34, $0x0;
	v35 =	vmpcnt.ones.xlane vm0;
	[tilespmem:s2+$0x0] =	vst v32  }
0xcd: {  	v32 =	vld.idx.msk [tilespmem:v33+s7+$0x0], $0xffff  }
0xce: {  	v33 =	vadd.s32 v7, v34;
	v31 =	vadd.s32 v31, v35  }
0xcf: {  	s5 =	sadd.s32 $0x10, s5;
	v33 =	vand.u32 $0xFFFFFFF8, v33  }
0xd0: {  	s16 =	smov.u32 s4  }
.LBB2_32:
0xd1: {  	v33 =	vor.u32 @p2 v8, v33  }
0xd2: {  	v34 =	vmov s16  }
0xd3: {  	s2 =	sadd.s32 @p4 $0x10, s2;
	s4 =	simm.s32 $0x2600;
	v34 =	vmul.u32 $0xA, v34  }
0xd4: {  	v35 =	vadd.s32 @p3 $0x493E0, v32;
	s4 =	smov.u32 @p4 s2  }
0xd5: {  	[tilespmem:s4+$0x0] =	vst @p3 v35;
	v34 =	vbroadcast v34, $0x0  }
0xd6: {  	v33 =	vld.idx.msk @p2 [tilespmem:v33+s7+$0x0], $0xffff  }
0xd7: {  	v34 =	vadd.s32 v7, v34  }
0xd8: {  	v34 =	vand.u32 $0xFFFFFFF8, v34  }
0xd9: {  	v34 =	vor.u32 v8, v34;
	_ =	sdelay $0x1  }
0xda: {  	s2 =	sadd.s32 @p3 $0x10, s4;
	s4 =	simm.s32 $0x2600;
	v30 =	vpsel p2, v33, v30  }
0xdb: {  	s4 =	smov.u32 @p3 s2;
	v33 =	vadd.s32 @p2 $0x493E0, v30  }
0xdc: {  	[tilespmem:s4+$0x0] =	vst @p2 v33  }
0xdd: {  	v33 =	vld.idx.msk [tilespmem:v34+s7+$0x0], $0xffff  }
0xde: {  	vm0 =	veq.s32 @p3 v32, $0x0  }
0xdf: {  	v32 =	vmpcnt.ones.xlane @p3 vm0  }
0xe0: {  	vm0 =	veq.s32 @p2 v30, $0x0  }
.Ltmp18:
0xe1: {  	v30 =	vadd.s32 @p3 v31, v32;
	v31 =	vmpcnt.ones.xlane @p2 vm0;
	(pc) =	sbr.rel @!p1 .LBB2_33-.Ltmp18, $4  }
0xe2: {  	v30 =	vpsel p3, v30, v29;
	vm15 =	veq.s32 v33, $0x0  }
0xe3: {  	s2 =	sadd.s32 @p2 $0x10, s4;
	v30 =	vadd.s32 @p2 v30, v31;
	v31 =	vmpcnt.ones.xlane vm15  }
0xe4: {  	s15 =	smov.u32 @p2 s2;
	v29 =	vpsel p2, v30, v29;
	v30 =	vadd.s32 $0x493E0, v33  }
0xe5: {  	s16 =	simm.s32 $0x2800;
	[tilespmem:s15+$0x0] =	vst v30;
	v29 =	vadd.s32 v29, v31;
	v31 =	vimm.s32 $0x0  }
0xe6: {  	v30 =	vmov s7  }
0xe7: {  	p2 =	por $0x1, $0x1;
	v30 =	vmul.u32 $0xA, v30  }
.Ltmp19:
0xe8: {  	_ = 	snop;
	(pc) =	sbr.rel @!p2 .LBB2_35-.Ltmp19, $3  }
0xe9: {  	v30 =	vbroadcast v30, $0x0;
	_ =	sdelay $0x1  }
0xea: {  	v30 =	vadd.s32 v9, v30  }
0xeb: {  	s2 =	simm.s32 $0x20;
	p1 =	por $0x1, $0x1;
	v34 =	vand.u32 $0xFFFFFFF8, v30  }
0xec: {  	v30 =	vmov s14  }
0xed: {  	v32 =	vor.u32 v10, v34;
	p3 =	por $0x1, $0x1;
	v30 =	vmul.u32 $0xA, v30  }
.Ltmp20:
0xee: {  	_ = 	snop;
	(pc) =	sbr.rel @!p3 .LBB2_37-.Ltmp20, $3  }
0xef: {  	v30 =	vbroadcast v30, $0x0;
	_ =	sdelay $0x1  }
0xf0: {  	s4 =	simm.s32 $0x0;
	v33 =	vadd.s32 v9, v30  }
0xf1: {  	s14 =	simm.s32 $0x30;
	p2 =	por $0x1, $0x1;
	v30 =	vld.idx.msk [tilespmem:v32+s4+$0x0], $0xffff;
	v34 =	vand.u32 $0xFFFFFFF8, v33  }
0xf2: {  	_ = 	snop  }
0xf3: {  	v32 =	vmov s2;
	v33 =	vor.u32 v10, v34  }
0xf4: {  	p3 =	por $0x1, $0x1;
	v32 =	vmul.u32 $0xA, v32  }
.Ltmp21:
0xf5: {  	_ = 	snop;
	(pc) =	sbr.rel @!p3 .LBB2_39-.Ltmp21, $4  }
0xf6: {  	v32 =	vbroadcast v32, $0x0;
	vm0 =	veq.s32 v30, $0x0;
	v62 =	vadd.s32 $0x61A80, v30  }
0xf7: {  	v35 =	vmpcnt.ones.xlane vm0;
	[tilespmem:s16+$0x0] =	vst v62  }
0xf8: {  	v63 =	vadd.s32 v9, v32;
	v33 =	vld.idx.msk [tilespmem:v33+s4+$0x0], $0xffff  }
0xf9: {  	p0 =	por $0x1, $0x1;
	s2 =	simm.s32 $0x2800;
	s4 =	simm.s32 $0x40;
	v34 =	vand.u32 $0xFFFFFFF8, v63;
	v32 =	vadd.s32 v31, v35  }
.LBB2_40:
0xfa: {  	p3 =	sne.s32 s4, $0x1F0;
	v34 =	vor.u32 v10, v34  }
0xfb: {  	v35 =	vmov s14;
	s14 =	smov.u32 s4  }
0xfc: {  	v35 =	vmul.u32 $0xA, v35  }
.Ltmp22:
0xfd: {  	s2 =	sadd.s32 $0x10, s2;
	vm0 =	veq.s32 v33, $0x0;
	v33 =	vadd.s32 $0x61A80, v33;
	(pc) =	sbr.rel @p3 .LBB2_40-.Ltmp22, $4  }
0xfe: {  	s5 =	simm.s32 $0x0;
	v35 =	vbroadcast v35, $0x0;
	v36 =	vmpcnt.ones.xlane vm0;
	[tilespmem:s2+$0x0] =	vst v33  }
0xff: {  	v33 =	vld.idx.msk [tilespmem:v34+s5+$0x0], $0xffff  }
0x100: {  	v34 =	vadd.s32 v9, v35;
	v32 =	vadd.s32 v32, v36  }
0x101: {  	s4 =	sadd.s32 $0x10, s4;
	v34 =	vand.u32 $0xFFFFFFF8, v34  }
.LBB2_41:
0x102: {  	v34 =	vor.u32 @p1 v10, v34  }
0x103: {  	v35 =	vmov s14  }
0x104: {  	s2 =	sadd.s32 @p0 $0x10, s2;
	s4 =	simm.s32 $0x2800;
	v35 =	vmul.u32 $0xA, v35  }
0x105: {  	s4 =	smov.u32 @p0 s2;
	v36 =	vadd.s32 @p2 $0x61A80, v33  }
0x106: {  	s2 =	simm.s32 @p1 $0x0;
	v35 =	vbroadcast v35, $0x0;
	[tilespmem:s4+$0x0] =	vst @p2 v36  }
0x107: {  	v34 =	vld.idx.msk @p1 [tilespmem:v34+s2+$0x0], $0xffff  }
0x108: {  	v35 =	vadd.s32 v9, v35  }
0x109: {  	v35 =	vand.u32 $0xFFFFFFF8, v35  }
0x10a: {  	v35 =	vor.u32 v10, v35;
	_ =	sdelay $0x1  }
0x10b: {  	vm0 =	veq.s32 @p2 v33, $0x0;
	s2 =	sadd.s32 @p2 $0x10, s4;
	s4 =	simm.s32 $0x2800;
	v30 =	vpsel p1, v34, v30  }
0x10c: {  	v33 =	vmpcnt.ones.xlane @p2 vm0;
	s4 =	smov.u32 @p2 s2;
	v34 =	vadd.s32 @p1 $0x61A80, v30  }
0x10d: {  	s7 =	simm.s32 $0x0;
	vm0 =	veq.s32 @p1 v30, $0x0;
	[tilespmem:s4+$0x0] =	vst @p1 v34  }
0x10e: {  	v30 =	vadd.s32 @p2 v32, v33;
	v32 =	vmpcnt.ones.xlane @p1 vm0;
	v34 =	vld.idx.msk [tilespmem:v35+s7+$0x0], $0xffff  }
0x10f: {  	v30 =	vpsel p2, v30, v31  }
0x110: {  	s2 =	sadd.s32 @p1 $0x10, s4;
	v30 =	vadd.s32 @p1 v30, v32  }
0x111: {  	s16 =	smov.u32 @p1 s2;
	v30 =	vpsel p1, v30, v31;
	p1 =	por $0x1, $0x1  }
.Ltmp23:
0x112: {  	_ = 	snop;
	(pc) =	sbr.rel @!p1 .LBB2_42-.Ltmp23, $4  }
0x113: {  	vm15 =	veq.s32 v34, $0x0  }
0x114: {  	v62 =	vmpcnt.ones.xlane vm15  }
0x115: {  	s15 =	simm.s32 $0x2A00;
	s14 =	simm.s32 $0x10;
	v63 =	vadd.s32 $0x61A80, v34  }
0x116: {  	p3 =	por $0x0, $0x0;
	p0 =	por $0x0, $0x0;
	p2 =	por $0x0, $0x0;
	[tilespmem:s16+$0x0] =	vst v63;
	v30 =	vadd.s32 v30, v62  }
0x117: {  	v32 =	vmov s7  }
0x118: {  	p4 =	por $0x1, $0x1;
	v32 =	vmul.u32 $0xA, v32  }
.Ltmp24:
0x119: {  	_ = 	snop;
	(pc) =	sbr.rel @!p4 .LBB2_44-.Ltmp24, $3  }
0x11a: {  	v32 =	vbroadcast v32, $0x0;
	_ =	sdelay $0x1  }
0x11b: {  	v32 =	vadd.s32 v11, v32  }
0x11c: {  	s16 =	simm.s32 $0x20;
	p2 =	por $0x1, $0x1;
	v35 =	vand.u32 $0xFFFFFFF8, v32  }
0x11d: {  	v32 =	vmov s14  }
0x11e: {  	v33 =	vor.u32 v12, v35;
	p4 =	por $0x1, $0x1;
	v32 =	vmul.u32 $0xA, v32  }
.Ltmp25:
0x11f: {  	_ = 	snop;
	(pc) =	sbr.rel @!p4 .LBB2_46-.Ltmp25, $3  }
0x120: {  	v32 =	vbroadcast v32, $0x0;
	_ =	sdelay $0x1  }
0x121: {  	v34 =	vadd.s32 v11, v32  }
0x122: {  	s4 =	simm.s32 $0x30;
	p3 =	por $0x1, $0x1;
	v32 =	vld.idx.msk [tilespmem:v33+s7+$0x0], $0xffff;
	v35 =	vand.u32 $0xFFFFFFF8, v34  }
0x123: {  	_ = 	snop  }
0x124: {  	v33 =	vmov s16;
	v34 =	vor.u32 v12, v35  }
0x125: {  	p5 =	por $0x1, $0x1;
	v33 =	vmul.u32 $0xA, v33  }
.Ltmp26:
0x126: {  	_ = 	snop;
	(pc) =	sbr.rel @!p5 .LBB2_48-.Ltmp26, $4  }
0x127: {  	v33 =	vbroadcast v33, $0x0;
	vm0 =	veq.s32 v32, $0x0;
	v62 =	vadd.s32 $0x7A120, v32  }
0x128: {  	v36 =	vmpcnt.ones.xlane vm0;
	[tilespmem:s15+$0x0] =	vst v62  }
0x129: {  	v63 =	vadd.s32 v11, v33;
	v34 =	vld.idx.msk [tilespmem:v34+s7+$0x0], $0xffff  }
0x12a: {  	s5 =	simm.s32 $0x40;
	p4 =	por $0x1, $0x1;
	s2 =	simm.s32 $0x2A00;
	v35 =	vand.u32 $0xFFFFFFF8, v63;
	v33 =	vadd.s32 v31, v36  }
.LBB2_49:
0x12b: {  	p5 =	sne.s32 s5, $0x1F0;
	v35 =	vor.u32 v12, v35  }
0x12c: {  	v36 =	vmov s4;
	s4 =	smov.u32 s5  }
0x12d: {  	v36 =	vmul.u32 $0xA, v36  }
.Ltmp27:
0x12e: {  	s2 =	sadd.s32 $0x10, s2;
	vm0 =	veq.s32 v34, $0x0;
	v34 =	vadd.s32 $0x7A120, v34;
	(pc) =	sbr.rel @p5 .LBB2_49-.Ltmp27, $4  }
0x12f: {  	v36 =	vbroadcast v36, $0x0;
	v37 =	vmpcnt.ones.xlane vm0;
	[tilespmem:s2+$0x0] =	vst v34  }
0x130: {  	v34 =	vld.idx.msk [tilespmem:v35+s7+$0x0], $0xffff  }
0x131: {  	v35 =	vadd.s32 v11, v36;
	v33 =	vadd.s32 v33, v37  }
0x132: {  	s5 =	sadd.s32 $0x10, s5;
	v35 =	vand.u32 $0xFFFFFFF8, v35  }
0x133: {  	s16 =	smov.u32 s4  }
.LBB2_51:
0x134: {  	v35 =	vor.u32 @p2 v12, v35  }
0x135: {  	v36 =	vmov s16  }
0x136: {  	s2 =	sadd.s32 @p4 $0x10, s2;
	s4 =	simm.s32 $0x2A00;
	v36 =	vmul.u32 $0xA, v36  }
0x137: {  	v37 =	vadd.s32 @p3 $0x7A120, v34;
	s4 =	smov.u32 @p4 s2  }
0x138: {  	[tilespmem:s4+$0x0] =	vst @p3 v37;
	v36 =	vbroadcast v36, $0x0  }
0x139: {  	v35 =	vld.idx.msk @p2 [tilespmem:v35+s7+$0x0], $0xffff  }
0x13a: {  	v36 =	vadd.s32 v11, v36  }
0x13b: {  	v36 =	vand.u32 $0xFFFFFFF8, v36  }
0x13c: {  	v36 =	vor.u32 v12, v36;
	_ =	sdelay $0x1  }
0x13d: {  	s2 =	sadd.s32 @p3 $0x10, s4;
	s4 =	simm.s32 $0x2A00;
	v32 =	vpsel p2, v35, v32  }
0x13e: {  	s4 =	smov.u32 @p3 s2;
	v35 =	vadd.s32 @p2 $0x7A120, v32  }
0x13f: {  	[tilespmem:s4+$0x0] =	vst @p2 v35  }
0x140: {  	v35 =	vld.idx.msk [tilespmem:v36+s7+$0x0], $0xffff  }
0x141: {  	vm0 =	veq.s32 @p3 v34, $0x0  }
0x142: {  	v34 =	vmpcnt.ones.xlane @p3 vm0  }
0x143: {  	vm0 =	veq.s32 @p2 v32, $0x0  }
.Ltmp28:
0x144: {  	v32 =	vadd.s32 @p3 v33, v34;
	v33 =	vmpcnt.ones.xlane @p2 vm0;
	(pc) =	sbr.rel @!p1 .LBB2_52-.Ltmp28, $4  }
0x145: {  	v32 =	vpsel p3, v32, v31;
	vm15 =	veq.s32 v35, $0x0  }
0x146: {  	s2 =	sadd.s32 @p2 $0x10, s4;
	v32 =	vadd.s32 @p2 v32, v33;
	v62 =	vmpcnt.ones.xlane vm15  }
0x147: {  	s15 =	smov.u32 @p2 s2;
	v31 =	vpsel p2, v32, v31;
	v63 =	vadd.s32 $0x7A120, v35  }
0x148: {  	s16 =	simm.s32 $0x2C00;
	v33 =	vimm.s32 $0x0;
	[tilespmem:s15+$0x0] =	vst v63;
	v31 =	vadd.s32 v31, v62  }
0x149: {  	v32 =	vmov s7  }
0x14a: {  	p2 =	por $0x1, $0x1;
	v32 =	vmul.u32 $0xA, v32  }
.Ltmp29:
0x14b: {  	_ = 	snop;
	(pc) =	sbr.rel @!p2 .LBB2_54-.Ltmp29, $3  }
0x14c: {  	v32 =	vbroadcast v32, $0x0;
	_ =	sdelay $0x1  }
0x14d: {  	v32 =	vadd.s32 v13, v32  }
0x14e: {  	s2 =	simm.s32 $0x20;
	p1 =	por $0x1, $0x1;
	v36 =	vand.u32 $0xFFFFFFF8, v32  }
0x14f: {  	v32 =	vmov s14  }
0x150: {  	v34 =	vor.u32 v14, v36;
	p3 =	por $0x1, $0x1;
	v32 =	vmul.u32 $0xA, v32  }
.Ltmp30:
0x151: {  	_ = 	snop;
	(pc) =	sbr.rel @!p3 .LBB2_56-.Ltmp30, $3  }
0x152: {  	v32 =	vbroadcast v32, $0x0;
	_ =	sdelay $0x1  }
0x153: {  	s4 =	simm.s32 $0x0;
	v35 =	vadd.s32 v13, v32  }
0x154: {  	s14 =	simm.s32 $0x30;
	p2 =	por $0x1, $0x1;
	v32 =	vld.idx.msk [tilespmem:v34+s4+$0x0], $0xffff;
	v36 =	vand.u32 $0xFFFFFFF8, v35  }
0x155: {  	_ = 	snop  }
0x156: {  	v34 =	vmov s2;
	v35 =	vor.u32 v14, v36  }
0x157: {  	p3 =	por $0x1, $0x1;
	v34 =	vmul.u32 $0xA, v34  }
.Ltmp31:
0x158: {  	_ = 	snop;
	(pc) =	sbr.rel @!p3 .LBB2_58-.Ltmp31, $4  }
0x159: {  	v34 =	vbroadcast v34, $0x0;
	vm0 =	veq.s32 v32, $0x0;
	v62 =	vadd.s32 $0x927C0, v32  }
0x15a: {  	v37 =	vmpcnt.ones.xlane vm0;
	[tilespmem:s16+$0x0] =	vst v62  }
0x15b: {  	v63 =	vadd.s32 v13, v34;
	v35 =	vld.idx.msk [tilespmem:v35+s4+$0x0], $0xffff  }
0x15c: {  	p0 =	por $0x1, $0x1;
	s2 =	simm.s32 $0x2C00;
	s4 =	simm.s32 $0x40;
	v36 =	vand.u32 $0xFFFFFFF8, v63;
	v34 =	vadd.s32 v33, v37  }
.LBB2_59:
0x15d: {  	p3 =	sne.s32 s4, $0x1F0;
	v36 =	vor.u32 v14, v36  }
0x15e: {  	v37 =	vmov s14;
	s14 =	smov.u32 s4  }
0x15f: {  	v37 =	vmul.u32 $0xA, v37  }
.Ltmp32:
0x160: {  	s2 =	sadd.s32 $0x10, s2;
	vm0 =	veq.s32 v35, $0x0;
	v35 =	vadd.s32 $0x927C0, v35;
	(pc) =	sbr.rel @p3 .LBB2_59-.Ltmp32, $4  }
0x161: {  	s5 =	simm.s32 $0x0;
	v37 =	vbroadcast v37, $0x0;
	v38 =	vmpcnt.ones.xlane vm0;
	[tilespmem:s2+$0x0] =	vst v35  }
0x162: {  	v35 =	vld.idx.msk [tilespmem:v36+s5+$0x0], $0xffff  }
0x163: {  	v36 =	vadd.s32 v13, v37;
	v34 =	vadd.s32 v34, v38  }
0x164: {  	s4 =	sadd.s32 $0x10, s4;
	v36 =	vand.u32 $0xFFFFFFF8, v36  }
.LBB2_60:
0x165: {  	v36 =	vor.u32 @p1 v14, v36  }
0x166: {  	v37 =	vmov s14  }
0x167: {  	s2 =	sadd.s32 @p0 $0x10, s2;
	s4 =	simm.s32 $0x2C00;
	v37 =	vmul.u32 $0xA, v37  }
0x168: {  	s4 =	smov.u32 @p0 s2;
	v38 =	vadd.s32 @p2 $0x927C0, v35  }
0x169: {  	s2 =	simm.s32 @p1 $0x0;
	v37 =	vbroadcast v37, $0x0;
	[tilespmem:s4+$0x0] =	vst @p2 v38  }
0x16a: {  	v36 =	vld.idx.msk @p1 [tilespmem:v36+s2+$0x0], $0xffff  }
0x16b: {  	v37 =	vadd.s32 v13, v37  }
0x16c: {  	v37 =	vand.u32 $0xFFFFFFF8, v37  }
0x16d: {  	v37 =	vor.u32 v14, v37;
	_ =	sdelay $0x1  }
0x16e: {  	vm0 =	veq.s32 @p2 v35, $0x0;
	s2 =	sadd.s32 @p2 $0x10, s4;
	s4 =	simm.s32 $0x2C00;
	v32 =	vpsel p1, v36, v32  }
0x16f: {  	v35 =	vmpcnt.ones.xlane @p2 vm0;
	s4 =	smov.u32 @p2 s2;
	v36 =	vadd.s32 @p1 $0x927C0, v32  }
0x170: {  	s7 =	simm.s32 $0x0;
	vm0 =	veq.s32 @p1 v32, $0x0;
	[tilespmem:s4+$0x0] =	vst @p1 v36  }
0x171: {  	v32 =	vadd.s32 @p2 v34, v35;
	v34 =	vmpcnt.ones.xlane @p1 vm0;
	v36 =	vld.idx.msk [tilespmem:v37+s7+$0x0], $0xffff  }
0x172: {  	v32 =	vpsel p2, v32, v33  }
0x173: {  	s2 =	sadd.s32 @p1 $0x10, s4;
	v32 =	vadd.s32 @p1 v32, v34  }
0x174: {  	s16 =	smov.u32 @p1 s2;
	v32 =	vpsel p1, v32, v33;
	p1 =	por $0x1, $0x1  }
.Ltmp33:
0x175: {  	_ = 	snop;
	(pc) =	sbr.rel @!p1 .LBB2_61-.Ltmp33, $4  }
0x176: {  	vm15 =	veq.s32 v36, $0x0  }
0x177: {  	v62 =	vmpcnt.ones.xlane vm15  }
0x178: {  	s15 =	simm.s32 $0x2E00;
	s14 =	simm.s32 $0x10;
	v63 =	vadd.s32 $0x927C0, v36  }
0x179: {  	p3 =	por $0x0, $0x0;
	p0 =	por $0x0, $0x0;
	p2 =	por $0x0, $0x0;
	[tilespmem:s16+$0x0] =	vst v63;
	v32 =	vadd.s32 v32, v62  }
0x17a: {  	v34 =	vmov s7  }
0x17b: {  	p4 =	por $0x1, $0x1;
	v34 =	vmul.u32 $0xA, v34  }
.Ltmp34:
0x17c: {  	_ = 	snop;
	(pc) =	sbr.rel @!p4 .LBB2_63-.Ltmp34, $3  }
0x17d: {  	v34 =	vbroadcast v34, $0x0;
	_ =	sdelay $0x1  }
0x17e: {  	v34 =	vadd.s32 v15, v34  }
0x17f: {  	s16 =	simm.s32 $0x20;
	p2 =	por $0x1, $0x1;
	v37 =	vand.u32 $0xFFFFFFF8, v34  }
0x180: {  	v34 =	vmov s14  }
0x181: {  	v35 =	vor.u32 v16, v37;
	p4 =	por $0x1, $0x1;
	v34 =	vmul.u32 $0xA, v34  }
.Ltmp35:
0x182: {  	_ = 	snop;
	(pc) =	sbr.rel @!p4 .LBB2_65-.Ltmp35, $3  }
0x183: {  	v34 =	vbroadcast v34, $0x0;
	_ =	sdelay $0x1  }
0x184: {  	v36 =	vadd.s32 v15, v34  }
0x185: {  	s4 =	simm.s32 $0x30;
	p3 =	por $0x1, $0x1;
	v34 =	vld.idx.msk [tilespmem:v35+s7+$0x0], $0xffff;
	v37 =	vand.u32 $0xFFFFFFF8, v36  }
0x186: {  	_ = 	snop  }
0x187: {  	v35 =	vmov s16;
	v36 =	vor.u32 v16, v37  }
0x188: {  	p5 =	por $0x1, $0x1;
	v35 =	vmul.u32 $0xA, v35  }
.Ltmp36:
0x189: {  	_ = 	snop;
	(pc) =	sbr.rel @!p5 .LBB2_67-.Ltmp36, $4  }
0x18a: {  	v35 =	vbroadcast v35, $0x0;
	vm0 =	veq.s32 v34, $0x0;
	v62 =	vadd.s32 $0xAAE60, v34  }
0x18b: {  	v38 =	vmpcnt.ones.xlane vm0;
	[tilespmem:s15+$0x0] =	vst v62  }
0x18c: {  	v63 =	vadd.s32 v15, v35;
	v36 =	vld.idx.msk [tilespmem:v36+s7+$0x0], $0xffff  }
0x18d: {  	s5 =	simm.s32 $0x40;
	p4 =	por $0x1, $0x1;
	s2 =	simm.s32 $0x2E00;
	v37 =	vand.u32 $0xFFFFFFF8, v63;
	v35 =	vadd.s32 v33, v38  }
.LBB2_68:
0x18e: {  	p5 =	sne.s32 s5, $0x1F0;
	v37 =	vor.u32 v16, v37  }
0x18f: {  	v38 =	vmov s4;
	s4 =	smov.u32 s5  }
0x190: {  	v38 =	vmul.u32 $0xA, v38  }
.Ltmp37:
0x191: {  	s2 =	sadd.s32 $0x10, s2;
	vm0 =	veq.s32 v36, $0x0;
	v36 =	vadd.s32 $0xAAE60, v36;
	(pc) =	sbr.rel @p5 .LBB2_68-.Ltmp37, $4  }
0x192: {  	v38 =	vbroadcast v38, $0x0;
	v39 =	vmpcnt.ones.xlane vm0;
	[tilespmem:s2+$0x0] =	vst v36  }
0x193: {  	v36 =	vld.idx.msk [tilespmem:v37+s7+$0x0], $0xffff  }
0x194: {  	v37 =	vadd.s32 v15, v38;
	v35 =	vadd.s32 v35, v39  }
0x195: {  	s5 =	sadd.s32 $0x10, s5;
	v37 =	vand.u32 $0xFFFFFFF8, v37  }
0x196: {  	s16 =	smov.u32 s4  }
.LBB2_70:
0x197: {  	v37 =	vor.u32 @p2 v16, v37  }
0x198: {  	v38 =	vmov s16  }
0x199: {  	s2 =	sadd.s32 @p4 $0x10, s2;
	s4 =	simm.s32 $0x2E00;
	v38 =	vmul.u32 $0xA, v38  }
0x19a: {  	v39 =	vadd.s32 @p3 $0xAAE60, v36;
	s4 =	smov.u32 @p4 s2  }
0x19b: {  	[tilespmem:s4+$0x0] =	vst @p3 v39;
	v38 =	vbroadcast v38, $0x0  }
0x19c: {  	v37 =	vld.idx.msk @p2 [tilespmem:v37+s7+$0x0], $0xffff  }
0x19d: {  	v38 =	vadd.s32 v15, v38  }
0x19e: {  	v38 =	vand.u32 $0xFFFFFFF8, v38  }
0x19f: {  	v38 =	vor.u32 v16, v38;
	_ =	sdelay $0x1  }
0x1a0: {  	s2 =	sadd.s32 @p3 $0x10, s4;
	s4 =	simm.s32 $0x2E00;
	v34 =	vpsel p2, v37, v34  }
0x1a1: {  	s4 =	smov.u32 @p3 s2;
	v37 =	vadd.s32 @p2 $0xAAE60, v34  }
0x1a2: {  	[tilespmem:s4+$0x0] =	vst @p2 v37  }
0x1a3: {  	v37 =	vld.idx.msk [tilespmem:v38+s7+$0x0], $0xffff  }
0x1a4: {  	vm0 =	veq.s32 @p3 v36, $0x0  }
0x1a5: {  	v36 =	vmpcnt.ones.xlane @p3 vm0  }
0x1a6: {  	vm0 =	veq.s32 @p2 v34, $0x0  }
.Ltmp38:
0x1a7: {  	v34 =	vadd.s32 @p3 v35, v36;
	v35 =	vmpcnt.ones.xlane @p2 vm0;
	(pc) =	sbr.rel @!p1 .LBB2_71-.Ltmp38, $4  }
0x1a8: {  	v34 =	vpsel p3, v34, v33;
	vm15 =	veq.s32 v37, $0x0  }
0x1a9: {  	s2 =	sadd.s32 @p2 $0x10, s4;
	v34 =	vadd.s32 @p2 v34, v35;
	v61 =	vmpcnt.ones.xlane vm15  }
0x1aa: {  	s15 =	smov.u32 @p2 s2;
	v62 =	vpsel p2, v34, v33;
	v63 =	vadd.s32 $0xAAE60, v37  }
0x1ab: {  	s16 =	simm.s32 $0x3000;
	v35 =	vimm.s32 $0x0;
	[tilespmem:s15+$0x0] =	vst v63;
	v33 =	vadd.s32 v62, v61  }
0x1ac: {  	v34 =	vmov s7  }
0x1ad: {  	p2 =	por $0x1, $0x1;
	v34 =	vmul.u32 $0xA, v34  }
.Ltmp39:
0x1ae: {  	_ = 	snop;
	(pc) =	sbr.rel @!p2 .LBB2_73-.Ltmp39, $3  }
0x1af: {  	v34 =	vbroadcast v34, $0x0;
	_ =	sdelay $0x1  }
0x1b0: {  	v34 =	vadd.s32 v18, v34  }
0x1b1: {  	s2 =	simm.s32 $0x20;
	p1 =	por $0x1, $0x1;
	v38 =	vand.u32 $0xFFFFFFF8, v34  }
0x1b2: {  	v34 =	vmov s14  }
0x1b3: {  	v36 =	vor.u32 v2, v38;
	p3 =	por $0x1, $0x1;
	v34 =	vmul.u32 $0xA, v34  }
.Ltmp40:
0x1b4: {  	_ = 	snop;
	(pc) =	sbr.rel @!p3 .LBB2_75-.Ltmp40, $3  }
0x1b5: {  	v34 =	vbroadcast v34, $0x0;
	_ =	sdelay $0x1  }
0x1b6: {  	s4 =	simm.s32 $0x0;
	v37 =	vadd.s32 v18, v34  }
0x1b7: {  	s14 =	simm.s32 $0x30;
	p2 =	por $0x1, $0x1;
	v34 =	vld.idx.msk [tilespmem:v36+s4+$0x0], $0xffff;
	v38 =	vand.u32 $0xFFFFFFF8, v37  }
0x1b8: {  	_ = 	snop  }
0x1b9: {  	v36 =	vmov s2;
	v37 =	vor.u32 v2, v38  }
0x1ba: {  	p3 =	por $0x1, $0x1;
	v36 =	vmul.u32 $0xA, v36  }
.Ltmp41:
0x1bb: {  	_ = 	snop;
	(pc) =	sbr.rel @!p3 .LBB2_77-.Ltmp41, $4  }
0x1bc: {  	v36 =	vbroadcast v36, $0x0;
	vm0 =	veq.s32 v34, $0x0;
	v62 =	vadd.s32 $0xC3500, v34  }
0x1bd: {  	v39 =	vmpcnt.ones.xlane vm0;
	[tilespmem:s16+$0x0] =	vst v62  }
0x1be: {  	v63 =	vadd.s32 v18, v36;
	v37 =	vld.idx.msk [tilespmem:v37+s4+$0x0], $0xffff  }
0x1bf: {  	p0 =	por $0x1, $0x1;
	s2 =	simm.s32 $0x3000;
	s4 =	simm.s32 $0x40;
	v38 =	vand.u32 $0xFFFFFFF8, v63;
	v36 =	vadd.s32 v35, v39  }
.LBB2_78:
0x1c0: {  	p3 =	sne.s32 s4, $0x1F0;
	v38 =	vor.u32 v2, v38  }
0x1c1: {  	v39 =	vmov s14;
	s14 =	smov.u32 s4  }
0x1c2: {  	v39 =	vmul.u32 $0xA, v39  }
.Ltmp42:
0x1c3: {  	s2 =	sadd.s32 $0x10, s2;
	vm0 =	veq.s32 v37, $0x0;
	v37 =	vadd.s32 $0xC3500, v37;
	(pc) =	sbr.rel @p3 .LBB2_78-.Ltmp42, $4  }
0x1c4: {  	s5 =	simm.s32 $0x0;
	v39 =	vbroadcast v39, $0x0;
	v40 =	vmpcnt.ones.xlane vm0;
	[tilespmem:s2+$0x0] =	vst v37  }
0x1c5: {  	v37 =	vld.idx.msk [tilespmem:v38+s5+$0x0], $0xffff  }
0x1c6: {  	v38 =	vadd.s32 v18, v39;
	v36 =	vadd.s32 v36, v40  }
0x1c7: {  	s4 =	sadd.s32 $0x10, s4;
	v38 =	vand.u32 $0xFFFFFFF8, v38  }
.LBB2_79:
0x1c8: {  	v38 =	vor.u32 @p1 v2, v38  }
0x1c9: {  	v39 =	vmov s14  }
0x1ca: {  	s2 =	sadd.s32 @p0 $0x10, s2;
	s4 =	simm.s32 $0x3000;
	v39 =	vmul.u32 $0xA, v39  }
0x1cb: {  	s4 =	smov.u32 @p0 s2;
	v40 =	vadd.s32 @p2 $0xC3500, v37  }
0x1cc: {  	s2 =	simm.s32 @p1 $0x0;
	v39 =	vbroadcast v39, $0x0;
	[tilespmem:s4+$0x0] =	vst @p2 v40  }
0x1cd: {  	v38 =	vld.idx.msk @p1 [tilespmem:v38+s2+$0x0], $0xffff  }
0x1ce: {  	v39 =	vadd.s32 v18, v39  }
0x1cf: {  	v39 =	vand.u32 $0xFFFFFFF8, v39  }
0x1d0: {  	v39 =	vor.u32 v2, v39;
	_ =	sdelay $0x1  }
0x1d1: {  	vm0 =	veq.s32 @p2 v37, $0x0;
	s2 =	sadd.s32 @p2 $0x10, s4;
	s4 =	simm.s32 $0x3000;
	v34 =	vpsel p1, v38, v34  }
0x1d2: {  	v37 =	vmpcnt.ones.xlane @p2 vm0;
	s4 =	smov.u32 @p2 s2;
	v38 =	vadd.s32 @p1 $0xC3500, v34  }
0x1d3: {  	s7 =	simm.s32 $0x0;
	vm0 =	veq.s32 @p1 v34, $0x0;
	[tilespmem:s4+$0x0] =	vst @p1 v38  }
0x1d4: {  	v34 =	vadd.s32 @p2 v36, v37;
	v36 =	vmpcnt.ones.xlane @p1 vm0;
	v38 =	vld.idx.msk [tilespmem:v39+s7+$0x0], $0xffff  }
0x1d5: {  	v34 =	vpsel p2, v34, v35  }
0x1d6: {  	s2 =	sadd.s32 @p1 $0x10, s4;
	v34 =	vadd.s32 @p1 v34, v36  }
0x1d7: {  	s16 =	smov.u32 @p1 s2;
	v34 =	vpsel p1, v34, v35;
	p1 =	por $0x1, $0x1  }
.Ltmp43:
0x1d8: {  	_ = 	snop;
	(pc) =	sbr.rel @!p1 .LBB2_80-.Ltmp43, $4  }
0x1d9: {  	vm15 =	veq.s32 v38, $0x0  }
0x1da: {  	v62 =	vmpcnt.ones.xlane vm15  }
0x1db: {  	s15 =	simm.s32 $0x3200;
	s14 =	simm.s32 $0x10;
	v63 =	vadd.s32 $0xC3500, v38  }
0x1dc: {  	p3 =	por $0x0, $0x0;
	p0 =	por $0x0, $0x0;
	p2 =	por $0x0, $0x0;
	[tilespmem:s16+$0x0] =	vst v63;
	v34 =	vadd.s32 v34, v62  }
0x1dd: {  	v36 =	vmov s7  }
0x1de: {  	p4 =	por $0x1, $0x1;
	v36 =	vmul.u32 $0xA, v36  }
.Ltmp44:
0x1df: {  	_ = 	snop;
	(pc) =	sbr.rel @!p4 .LBB2_82-.Ltmp44, $3  }
0x1e0: {  	v36 =	vbroadcast v36, $0x0;
	_ =	sdelay $0x1  }
0x1e1: {  	v36 =	vadd.s32 v19, v36  }
0x1e2: {  	s16 =	simm.s32 $0x20;
	p2 =	por $0x1, $0x1;
	v39 =	vand.u32 $0xFFFFFFF8, v36  }
0x1e3: {  	v36 =	vmov s14  }
0x1e4: {  	v37 =	vor.u32 v4, v39;
	p4 =	por $0x1, $0x1;
	v36 =	vmul.u32 $0xA, v36  }
.Ltmp45:
0x1e5: {  	_ = 	snop;
	(pc) =	sbr.rel @!p4 .LBB2_84-.Ltmp45, $3  }
0x1e6: {  	v36 =	vbroadcast v36, $0x0;
	_ =	sdelay $0x1  }
0x1e7: {  	v38 =	vadd.s32 v19, v36  }
0x1e8: {  	s4 =	simm.s32 $0x30;
	p3 =	por $0x1, $0x1;
	v36 =	vld.idx.msk [tilespmem:v37+s7+$0x0], $0xffff;
	v39 =	vand.u32 $0xFFFFFFF8, v38  }
0x1e9: {  	_ = 	snop  }
0x1ea: {  	v37 =	vmov s16;
	v38 =	vor.u32 v4, v39  }
0x1eb: {  	p5 =	por $0x1, $0x1;
	v37 =	vmul.u32 $0xA, v37  }
.Ltmp46:
0x1ec: {  	_ = 	snop;
	(pc) =	sbr.rel @!p5 .LBB2_86-.Ltmp46, $4  }
0x1ed: {  	v37 =	vbroadcast v37, $0x0;
	vm0 =	veq.s32 v36, $0x0;
	v62 =	vadd.s32 $0xDBBA0, v36  }
0x1ee: {  	v40 =	vmpcnt.ones.xlane vm0;
	[tilespmem:s15+$0x0] =	vst v62  }
0x1ef: {  	v63 =	vadd.s32 v19, v37;
	v38 =	vld.idx.msk [tilespmem:v38+s7+$0x0], $0xffff  }
0x1f0: {  	s5 =	simm.s32 $0x40;
	p4 =	por $0x1, $0x1;
	s2 =	simm.s32 $0x3200;
	v39 =	vand.u32 $0xFFFFFFF8, v63;
	v37 =	vadd.s32 v35, v40  }
.LBB2_87:
0x1f1: {  	p5 =	sne.s32 s5, $0x1F0;
	v39 =	vor.u32 v4, v39  }
0x1f2: {  	v40 =	vmov s4;
	s4 =	smov.u32 s5  }
0x1f3: {  	v40 =	vmul.u32 $0xA, v40  }
.Ltmp47:
0x1f4: {  	s2 =	sadd.s32 $0x10, s2;
	vm0 =	veq.s32 v38, $0x0;
	v38 =	vadd.s32 $0xDBBA0, v38;
	(pc) =	sbr.rel @p5 .LBB2_87-.Ltmp47, $4  }
0x1f5: {  	v40 =	vbroadcast v40, $0x0;
	v41 =	vmpcnt.ones.xlane vm0;
	[tilespmem:s2+$0x0] =	vst v38  }
0x1f6: {  	v38 =	vld.idx.msk [tilespmem:v39+s7+$0x0], $0xffff  }
0x1f7: {  	v39 =	vadd.s32 v19, v40;
	v37 =	vadd.s32 v37, v41  }
0x1f8: {  	s5 =	sadd.s32 $0x10, s5;
	v39 =	vand.u32 $0xFFFFFFF8, v39  }
0x1f9: {  	s16 =	smov.u32 s4  }
.LBB2_89:
0x1fa: {  	v39 =	vor.u32 @p2 v4, v39  }
0x1fb: {  	v40 =	vmov s16  }
0x1fc: {  	s2 =	sadd.s32 @p4 $0x10, s2;
	s4 =	simm.s32 $0x3200;
	v40 =	vmul.u32 $0xA, v40  }
0x1fd: {  	v41 =	vadd.s32 @p3 $0xDBBA0, v38;
	s4 =	smov.u32 @p4 s2  }
0x1fe: {  	[tilespmem:s4+$0x0] =	vst @p3 v41;
	v40 =	vbroadcast v40, $0x0  }
0x1ff: {  	v39 =	vld.idx.msk @p2 [tilespmem:v39+s7+$0x0], $0xffff  }
0x200: {  	v40 =	vadd.s32 v19, v40  }
0x201: {  	v40 =	vand.u32 $0xFFFFFFF8, v40  }
0x202: {  	v40 =	vor.u32 v4, v40;
	_ =	sdelay $0x1  }
0x203: {  	s2 =	sadd.s32 @p3 $0x10, s4;
	s4 =	simm.s32 $0x3200;
	v36 =	vpsel p2, v39, v36  }
0x204: {  	s4 =	smov.u32 @p3 s2;
	v39 =	vadd.s32 @p2 $0xDBBA0, v36  }
0x205: {  	[tilespmem:s4+$0x0] =	vst @p2 v39  }
0x206: {  	v39 =	vld.idx.msk [tilespmem:v40+s7+$0x0], $0xffff  }
0x207: {  	vm0 =	veq.s32 @p3 v38, $0x0  }
0x208: {  	v38 =	vmpcnt.ones.xlane @p3 vm0  }
0x209: {  	vm0 =	veq.s32 @p2 v36, $0x0  }
.Ltmp48:
0x20a: {  	v36 =	vadd.s32 @p3 v37, v38;
	v37 =	vmpcnt.ones.xlane @p2 vm0;
	(pc) =	sbr.rel @!p1 .LBB2_90-.Ltmp48, $4  }
0x20b: {  	v36 =	vpsel p3, v36, v35;
	vm15 =	veq.s32 v39, $0x0  }
0x20c: {  	s2 =	sadd.s32 @p2 $0x10, s4;
	v36 =	vadd.s32 @p2 v36, v37;
	v61 =	vmpcnt.ones.xlane vm15  }
0x20d: {  	s15 =	smov.u32 @p2 s2;
	v62 =	vpsel p2, v36, v35;
	v63 =	vadd.s32 $0xDBBA0, v39  }
0x20e: {  	v37 =	vimm.s32 $0x0;
	[tilespmem:s15+$0x0] =	vst v63;
	s15 =	simm.s32 $0x3400;
	v35 =	vadd.s32 v62, v61  }
0x20f: {  	p2 =	por $0x1, $0x1  }
.Ltmp49:
0x210: {  	_ = 	snop;
	(pc) =	sbr.rel @!p2 .LBB2_92-.Ltmp49, $3  }
0x211: {  	v36 =	vmov s7  }
0x212: {  	v36 =	vmul.u32 $0x3, v36;
	_ =	sdelay $0x1  }
0x213: {  	s2 =	simm.s32 $0x20;
	p1 =	por $0x1, $0x1;
	v39 =	vbroadcast v36, $0x0  }
0x214: {  	p3 =	por $0x1, $0x1  }
.Ltmp50:
0x215: {  	_ = 	snop;
	(pc) =	sbr.rel @!p3 .LBB2_94-.Ltmp50, $4  }
0x216: {  	v36 =	vmov s14  }
0x217: {  	v38 =	vadd.s32 v17, v39;
	v36 =	vmul.u32 $0x3, v36  }
0x218: {  	v38 =	vand.u32 $0xFFFFFFF8, v38  }
0x219: {  	s14 =	simm.s32 $0x30;
	p2 =	por $0x1, $0x1;
	v38 =	vor.u32 v20, v38;
	v39 =	vbroadcast v36, $0x0  }
0x21a: {  	_ =	sdelay $0x2  }
0x21b: {  	v39 =	vadd.s32 v17, v39  }
0x21c: {  	v36 =	vld.idx.msk [tilespmem:v38+s28+$0x0], $0xffff;
	v40 =	vmov s2;
	p3 =	por $0x1, $0x1;
	v39 =	vand.u32 $0xFFFFFFF8, v39  }
.Ltmp51:
0x21d: {  	v41 =	vmul.u32 $0x3, v40;
	v40 =	vor.u32 v20, v39;
	(pc) =	sbr.rel @!p3 .LBB2_96-.Ltmp51, $3  }
0x21e: {  	_ =	sdelay $0x1  }
0x21f: {  	v39 =	vbroadcast v41, $0x0  }
0x220: {  	s4 =	simm.s32 $0x40;
	p0 =	por $0x1, $0x1;
	s2 =	simm.s32 $0x3400;
	vm0 =	veq.s32 v36, $0x0;
	[tilespmem:s15+$0x0] =	vst v36;
	v36 =	vimm.s32 $0x0  }
.LBB2_97:
0x221: {  	p3 =	sne.s32 s4, $0x1F0;
	v39 =	vadd.s32 v17, v39;
	v41 =	vld.idx.msk [tilespmem:v40+s28+$0x0], $0xffff;
	v42 =	vmpcnt.ones.xlane vm0  }
0x222: {  	v39 =	vand.u32 $0xFFFFFFF8, v39  }
.Ltmp52:
0x223: {  	v43 =	vmov s14;
	s14 =	smov.u32 s4;
	v40 =	vor.u32 v20, v39;
	v36 =	vadd.s32 v36, v42;
	(pc) =	sbr.rel @p3 .LBB2_97-.Ltmp52, $3  }
0x224: {  	v39 =	vmul.u32 $0x3, v43;
	_ =	sdelay $0x1  }
0x225: {  	s2 =	sadd.s32 $0x10, s2;
	v39 =	vbroadcast v39, $0x0  }
0x226: {  	s4 =	sadd.s32 $0x10, s4;
	vm0 =	veq.s32 v41, $0x0;
	[tilespmem:s2+$0x0] =	vst v41  }
.LBB2_98:
0x227: {  	_ =	sdelay $0x1  }
0x228: {  	v39 =	vadd.s32 @p1 v17, v39  }
0x229: {  	v39 =	vand.u32 @p1 $0xFFFFFFF8, v39  }
0x22a: {  	v40 =	vld.idx.msk @p2 [tilespmem:v40+s28+$0x0], $0xffff;
	v41 =	vmov s14;
	v39 =	vor.u32 @p1 v20, v39  }
0x22b: {  	v41 =	vmul.u32 $0x3, v41;
	v38 =	vpsel p1, v39, v38;
	_ =	sdelay $0x1  }
0x22c: {  	s2 =	sadd.s32 @p0 $0x10, s2;
	s4 =	simm.s32 $0x3400;
	v52 =	vbroadcast v41, $0x0  }
0x22d: {  	s4 =	smov.u32 @p0 s2  }
0x22e: {  	s23 =	simm.s32 $0x0;
	[tilespmem:s4+$0x0] =	vst @p2 v40;
	v39 =	vadd.s32 v17, v52  }
0x22f: {  	v54 =	vmov s23;
	v53 =	vand.u32 $0xFFFFFFF8, v39;
	v41 =	vld.idx.msk @p1 [tilespmem:v38+s28+$0x0], $0xffff  }
0x230: {  	v55 =	vmul.u32 $0x3, v54;
	v42 =	vor.u32 v20, v53;
	_ =	sdelay $0x1  }
0x231: {  	s2 =	sadd.s32 @p2 $0x10, s4;
	s4 =	simm.s32 $0x3400;
	v38 =	vbroadcast v55, $0x0  }
0x232: {  	s4 =	smov.u32 @p2 s2  }
0x233: {  	v56 =	vadd.s32 v21, v38;
	[tilespmem:s4+$0x0] =	vst @p1 v41  }
0x234: {  	s24 =	simm.s32 $0x10;
	v39 =	vand.u32 $0xFFFFFFF8, v56;
	v42 =	vld.idx.msk [tilespmem:v42+s28+$0x0], $0xffff  }
0x235: {  	v57 =	vmov s24;
	v43 =	vor.u32 v22, v39  }
0x236: {  	v39 =	vmul.u32 $0x3, v57  }
0x237: {  	v44 =	vmpcnt.ones.xlane @p0 vm0;
	vm0 =	veq.s32 @p2 v40, $0x0;
	s2 =	sadd.s32 @p1 $0x10, s4  }
0x238: {  	vm0 =	vmmov @p2 vm0;
	s15 =	smov.u32 @p1 s2;
	v39 =	vbroadcast v39, $0x0  }
0x239: {  	v36 =	vadd.s32 @p0 v36, v44;
	v40 =	vmpcnt.ones.xlane @p2 vm0;
	[tilespmem:s15+$0x0] =	vst v42  }
0x23a: {  	s25 =	simm.s32 $0x20;
	v36 =	vpsel p0, v36, v37;
	v58 =	vadd.s32 v21, v39;
	v43 =	vld.idx.msk [tilespmem:v43+s28+$0x0], $0xffff  }
0x23b: {  	v59 =	vmov s25;
	v36 =	vadd.s32 @p2 v36, v40;
	v40 =	vand.u32 $0xFFFFFFF8, v58  }
0x23c: {  	v61 =	vmul.u32 $0x3, v59;
	vm0 =	veq.s32 @p1 v41, $0x0;
	v60 =	vor.u32 v22, v40  }
0x23d: {  	vm0 =	vmmov @p1 vm0  }
0x23e: {  	v36 =	vpsel p2, v36, v37;
	v41 =	vmpcnt.ones.xlane @p1 vm0;
	v40 =	vbroadcast v61, $0x0  }
0x23f: {  	s4 =	simm.s32 $0x3600;
	vm14 =	veq.s32 v42, $0x0;
	vm15 =	veq.s32 v43, $0x0;
	v62 =	vadd.s32 $0x2710, v43  }
0x240: {  	v36 =	vadd.s32 @p1 v36, v41;
	v42 =	vmpcnt.ones.xlane vm14;
	v63 =	vmpcnt.ones.xlane vm15;
	[tilespmem:s4+$0x0] =	vst v62  }
0x241: {  	v36 =	vpsel p1, v36, v37;
	v45 =	vadd.s32 v21, v40;
	v41 =	vld.idx.msk [tilespmem:v60+s28+$0x0], $0xffff  }
0x242: {  	s5 =	simm.s32 $0x40;
	s7 =	simm.s32 $0x30;
	s2 =	simm.s32 $0x30;
	v36 =	vadd.s32 v36, v42;
	v42 =	vand.u32 $0xFFFFFFF8, v45;
	v37 =	vadd.s32 v37, v63  }
.LBB2_99:
0x243: {  	p0 =	sne.s32 s5, $0x1F0;
	v42 =	vor.u32 v22, v42  }
0x244: {  	v43 =	vmov s7;
	s7 =	smov.u32 s5  }
0x245: {  	v43 =	vmul.u32 $0x3, v43  }
.Ltmp53:
0x246: {  	s4 =	sadd.s32 $0x10, s4;
	vm0 =	veq.s32 v41, $0x0;
	v41 =	vadd.s32 $0x2710, v41;
	(pc) =	sbr.rel @p0 .LBB2_99-.Ltmp53, $4  }
0x247: {  	v43 =	vbroadcast v43, $0x0;
	v44 =	vmpcnt.ones.xlane vm0;
	[tilespmem:s4+$0x0] =	vst v41  }
0x248: {  	v41 =	vld.idx.msk [tilespmem:v42+s28+$0x0], $0xffff  }
0x249: {  	v42 =	vadd.s32 v21, v43;
	v37 =	vadd.s32 v37, v44  }
0x24a: {  	s5 =	sadd.s32 $0x10, s5;
	v42 =	vand.u32 $0xFFFFFFF8, v42  }
0x24b: {  	v42 =	vor.u32 v22, v42;
	v43 =	vmov s7  }
0x24c: {  	v43 =	vmul.u32 $0x3, v43;
	_ =	sdelay $0x1  }
0x24d: {  	s4 =	sadd.s32 $0x10, s4;
	v44 =	vadd.s32 $0x2710, v41;
	v43 =	vbroadcast v43, $0x0  }
0x24e: {  	[tilespmem:s4+$0x0] =	vst v44  }
0x24f: {  	v42 =	vld.idx.msk [tilespmem:v42+s28+$0x0], $0xffff;
	v43 =	vadd.s32 v21, v43  }
0x250: {  	v43 =	vand.u32 $0xFFFFFFF8, v43  }
0x251: {  	v43 =	vor.u32 v22, v43;
	_ =	sdelay $0x2  }
0x252: {  	s4 =	sadd.s32 $0x10, s4;
	v59 =	vadd.s32 $0x2710, v42  }
0x253: {  	[tilespmem:s4+$0x0] =	vst v59  }
0x254: {  	v38 =	vadd.s32 v23, v38;
	v43 =	vld.idx.msk [tilespmem:v43+s28+$0x0], $0xffff  }
0x255: {  	v38 =	vand.u32 $0xFFFFFFF8, v38  }
0x256: {  	v38 =	vor.u32 v24, v38;
	_ =	sdelay $0x2  }
0x257: {  	s4 =	sadd.s32 $0x10, s4;
	v60 =	vadd.s32 $0x2710, v43  }
0x258: {  	[tilespmem:s4+$0x0] =	vst v60  }
0x259: {  	v39 =	vadd.s32 v23, v39;
	v38 =	vld.idx.msk [tilespmem:v38+s28+$0x0], $0xffff  }
0x25a: {  	v39 =	vand.u32 $0xFFFFFFF8, v39  }
0x25b: {  	v61 =	vor.u32 v24, v39  }
0x25c: {  	vm0 =	veq.s32 v41, $0x0;
	vm14 =	veq.s32 v42, $0x0  }
0x25d: {  	v62 =	vmpcnt.ones.xlane vm0;
	v42 =	vmpcnt.ones.xlane vm14  }
0x25e: {  	vm1 =	veq.s32 v43, $0x0;
	s4 =	simm.s32 $0x3800;
	vm15 =	veq.s32 v38, $0x0;
	v38 =	vadd.s32 $0x4E20, v38  }
0x25f: {  	v37 =	vadd.s32 v37, v62;
	v43 =	vmpcnt.ones.xlane vm1;
	v63 =	vmpcnt.ones.xlane vm15;
	[tilespmem:s4+$0x0] =	vst v38  }
0x260: {  	v40 =	vadd.s32 v23, v40;
	v39 =	vimm.s32 $0x0;
	v37 =	vadd.s32 v37, v42;
	v41 =	vld.idx.msk [tilespmem:v61+s28+$0x0], $0xffff  }
0x261: {  	s5 =	simm.s32 $0x40;
	v40 =	vand.u32 $0xFFFFFFF8, v40;
	v37 =	vadd.s32 v37, v43;
	v38 =	vadd.s32 v39, v63  }
.LBB2_101:
0x262: {  	p0 =	sne.s32 s5, $0x1F0;
	v40 =	vor.u32 v24, v40  }
0x263: {  	v42 =	vmov s2;
	s2 =	smov.u32 s5  }
0x264: {  	v42 =	vmul.u32 $0x3, v42  }
.Ltmp54:
0x265: {  	s4 =	sadd.s32 $0x10, s4;
	vm0 =	veq.s32 v41, $0x0;
	v41 =	vadd.s32 $0x4E20, v41;
	(pc) =	sbr.rel @p0 .LBB2_101-.Ltmp54, $4  }
0x266: {  	v42 =	vbroadcast v42, $0x0;
	v43 =	vmpcnt.ones.xlane vm0;
	[tilespmem:s4+$0x0] =	vst v41  }
0x267: {  	v41 =	vld.idx.msk [tilespmem:v40+s28+$0x0], $0xffff  }
0x268: {  	v40 =	vadd.s32 v23, v42;
	v38 =	vadd.s32 v38, v43  }
0x269: {  	s5 =	sadd.s32 $0x10, s5;
	v40 =	vand.u32 $0xFFFFFFF8, v40  }
0x26a: {  	v40 =	vor.u32 v24, v40;
	v42 =	vmov s2  }
0x26b: {  	v42 =	vmul.u32 $0x3, v42;
	_ =	sdelay $0x1  }
0x26c: {  	s22 =	sadd.s32 $0x10, s4;
	v43 =	vadd.s32 $0x4E20, v41;
	v42 =	vbroadcast v42, $0x0  }
0x26d: {  	[tilespmem:s22+$0x0] =	vst v43  }
0x26e: {  	v43 =	vld.idx.msk [tilespmem:v40+s28+$0x0], $0xffff;
	v54 =	vadd.s32 v23, v42  }
0x26f: {  	v40 =	vand.u32 $0xFFFFFFF8, v54  }
0x270: {  	s23 =	simm.s32 $0x0;
	v55 =	vor.u32 v24, v40  }
0x271: {  	v56 =	vmov s23  }
0x272: {  	v40 =	vmul.u32 $0x3, v56  }
0x273: {  	s2 =	sadd.s32 $0x10, s22;
	v44 =	vadd.s32 $0x4E20, v43  }
0x274: {  	v40 =	vbroadcast v40, $0x0;
	[tilespmem:s2+$0x0] =	vst v44  }
0x275: {  	s24 =	simm.s32 $0x10;
	v42 =	vld.idx.msk [tilespmem:v55+s28+$0x0], $0xffff  }
0x276: {  	v46 =	vmov s24;
	v57 =	vadd.s32 v17, v40  }
0x277: {  	vm0 =	veq.s32 v41, $0x0;
	v58 =	vmul.u32 $0x3, v46;
	v44 =	vand.u32 $0xFFFFFFF8, v57  }
0x278: {  	v59 =	vmpcnt.ones.xlane vm0;
	vm0 =	veq.s32 v43, $0x0;
	v44 =	vor.u32 v20, v44  }
0x279: {  	v43 =	vmpcnt.ones.xlane vm0  }
0x27a: {  	v45 =	vadd.s32 $0x4E20, v42;
	vm0 =	veq.s32 v42, $0x0;
	v42 =	vbroadcast v58, $0x0  }
0x27b: {  	s2 =	sadd.s32 $0x10, s2  }
0x27c: {  	v38 =	vadd.s32 v38, v59;
	[tilespmem:s2+$0x0] =	vst v45;
	v63 =	vadd.s32 v17, v42  }
0x27d: {  	s25 =	simm.s32 $0x20;
	v38 =	vadd.s32 v38, v43;
	v60 =	vld.idx.msk [tilespmem:v44+s29+$0x0], $0xffff;
	v43 =	vand.u32 $0xFFFFFFF8, v63  }
0x27e: {  	v62 =	vmov s25;
	v43 =	vor.u32 v20, v43  }
0x27f: {  	v41 =	vmul.u32 $0x3, v62  }
0x280: {  	v61 =	vmpcnt.ones.xlane vm0  }
0x281: {  	s4 =	simm.s32 $0x3A00;
	v44 =	vbroadcast v41, $0x0  }
0x282: {  	s5 =	simm.s32 $0x40;
	s7 =	simm.s32 $0x30;
	s2 =	simm.s32 $0x30;
	v38 =	vadd.s32 v38, v61;
	vm0 =	veq.s32 v60, $0x0;
	[tilespmem:s4+$0x0] =	vst v60  }
.LBB2_103:
0x283: {  	p0 =	sne.s32 s5, $0x1F0;
	v44 =	vadd.s32 v17, v44;
	v45 =	vld.idx.msk [tilespmem:v43+s29+$0x0], $0xffff;
	v46 =	vmpcnt.ones.xlane vm0  }
0x284: {  	v43 =	vand.u32 $0xFFFFFFF8, v44  }
.Ltmp55:
0x285: {  	v44 =	vmov s7;
	s7 =	smov.u32 s5;
	v43 =	vor.u32 v20, v43;
	v39 =	vadd.s32 v39, v46;
	(pc) =	sbr.rel @p0 .LBB2_103-.Ltmp55, $3  }
0x286: {  	v44 =	vmul.u32 $0x3, v44;
	_ =	sdelay $0x1  }
0x287: {  	s4 =	sadd.s32 $0x10, s4;
	v44 =	vbroadcast v44, $0x0  }
0x288: {  	s5 =	sadd.s32 $0x10, s5;
	vm0 =	veq.s32 v45, $0x0;
	[tilespmem:s4+$0x0] =	vst v45  }
0x289: {  	_ =	sdelay $0x2  }
0x28a: {  	v44 =	vadd.s32 v17, v44  }
0x28b: {  	v43 =	vld.idx.msk [tilespmem:v43+s29+$0x0], $0xffff;
	v45 =	vmov s7;
	v44 =	vand.u32 $0xFFFFFFF8, v44  }
0x28c: {  	v45 =	vmul.u32 $0x3, v45;
	v44 =	vor.u32 v20, v44;
	_ =	sdelay $0x1  }
0x28d: {  	v45 =	vbroadcast v45, $0x0  }
0x28e: {  	s4 =	sadd.s32 $0x10, s4  }
0x28f: {  	[tilespmem:s4+$0x0] =	vst v43;
	v45 =	vadd.s32 v17, v45  }
0x290: {  	v45 =	vand.u32 $0xFFFFFFF8, v45;
	v44 =	vld.idx.msk [tilespmem:v44+s29+$0x0], $0xffff  }
0x291: {  	v45 =	vor.u32 v20, v45;
	_ =	sdelay $0x2  }
0x292: {  	s4 =	sadd.s32 $0x10, s4  }
0x293: {  	v40 =	vadd.s32 v21, v40;
	[tilespmem:s4+$0x0] =	vst v44  }
0x294: {  	v40 =	vand.u32 $0xFFFFFFF8, v40;
	v45 =	vld.idx.msk [tilespmem:v45+s29+$0x0], $0xffff  }
0x295: {  	v40 =	vor.u32 v22, v40;
	_ =	sdelay $0x2  }
0x296: {  	s4 =	sadd.s32 $0x10, s4  }
0x297: {  	[tilespmem:s4+$0x0] =	vst v45  }
0x298: {  	v42 =	vadd.s32 v21, v42;
	v40 =	vld.idx.msk [tilespmem:v40+s29+$0x0], $0xffff  }
0x299: {  	v42 =	vand.u32 $0xFFFFFFF8, v42  }
0x29a: {  	v46 =	vmpcnt.ones.xlane vm0;
	v42 =	vor.u32 v22, v42  }
0x29b: {  	v61 =	vbroadcast v41, $0x0;
	vm12 =	veq.s32 v43, $0x0;
	vm13 =	veq.s32 v44, $0x0  }
0x29c: {  	v39 =	vadd.s32 v39, v46;
	v43 =	vmpcnt.ones.xlane vm12;
	v44 =	vmpcnt.ones.xlane vm13  }
0x29d: {  	vm14 =	veq.s32 v45, $0x0;
	s4 =	simm.s32 $0x3C00;
	vm15 =	veq.s32 v40, $0x0;
	v40 =	vadd.s32 $0x3E8, v40  }
0x29e: {  	v39 =	vadd.s32 v39, v43;
	v45 =	vmpcnt.ones.xlane vm14;
	v62 =	vmpcnt.ones.xlane vm15;
	[tilespmem:s4+$0x0] =	vst v40  }
0x29f: {  	v41 =	vimm.s32 $0x0;
	v63 =	vadd.s32 v21, v61;
	v39 =	vadd.s32 v39, v44;
	v42 =	vld.idx.msk [tilespmem:v42+s29+$0x0], $0xffff  }
0x2a0: {  	s5 =	simm.s32 $0x40;
	v43 =	vand.u32 $0xFFFFFFF8, v63;
	v39 =	vadd.s32 v39, v45;
	v40 =	vadd.s32 v41, v62  }
.LBB2_105:
0x2a1: {  	p0 =	sne.s32 s5, $0x1F0;
	v43 =	vor.u32 v22, v43  }
0x2a2: {  	v44 =	vmov s2;
	s2 =	smov.u32 s5  }
0x2a3: {  	v44 =	vmul.u32 $0x3, v44  }
.Ltmp56:
0x2a4: {  	s4 =	sadd.s32 $0x10, s4;
	vm0 =	veq.s32 v42, $0x0;
	v42 =	vadd.s32 $0x3E8, v42;
	(pc) =	sbr.rel @p0 .LBB2_105-.Ltmp56, $4  }
0x2a5: {  	v44 =	vbroadcast v44, $0x0;
	v45 =	vmpcnt.ones.xlane vm0;
	[tilespmem:s4+$0x0] =	vst v42  }
0x2a6: {  	v42 =	vld.idx.msk [tilespmem:v43+s29+$0x0], $0xffff  }
0x2a7: {  	v43 =	vadd.s32 v21, v44;
	v40 =	vadd.s32 v40, v45  }
0x2a8: {  	s5 =	sadd.s32 $0x10, s5;
	v43 =	vand.u32 $0xFFFFFFF8, v43  }
0x2a9: {  	v43 =	vor.u32 v22, v43;
	v44 =	vmov s2  }
0x2aa: {  	v44 =	vmul.u32 $0x3, v44;
	_ =	sdelay $0x1  }
0x2ab: {  	s22 =	sadd.s32 $0x10, s4;
	v45 =	vadd.s32 $0x3E8, v42;
	v44 =	vbroadcast v44, $0x0  }
0x2ac: {  	[tilespmem:s22+$0x0] =	vst v45  }
0x2ad: {  	v43 =	vld.idx.msk [tilespmem:v43+s29+$0x0], $0xffff;
	v44 =	vadd.s32 v21, v44  }
0x2ae: {  	s23 =	simm.s32 $0x0;
	v44 =	vand.u32 $0xFFFFFFF8, v44  }
0x2af: {  	v56 =	vmov s23;
	v44 =	vor.u32 v22, v44  }
0x2b0: {  	v45 =	vmul.u32 $0x3, v56;
	_ =	sdelay $0x1  }
0x2b1: {  	s2 =	sadd.s32 $0x10, s22;
	v45 =	vbroadcast v45, $0x0;
	v46 =	vadd.s32 $0x3E8, v43  }
0x2b2: {  	[tilespmem:s2+$0x0] =	vst v46  }
0x2b3: {  	v45 =	vadd.s32 v23, v45;
	v44 =	vld.idx.msk [tilespmem:v44+s29+$0x0], $0xffff  }
0x2b4: {  	s24 =	simm.s32 $0x10;
	v45 =	vand.u32 $0xFFFFFFF8, v45  }
0x2b5: {  	v57 =	vmov s24;
	v45 =	vor.u32 v24, v45  }
0x2b6: {  	v46 =	vmul.u32 $0x3, v57;
	_ =	sdelay $0x1  }
0x2b7: {  	s2 =	sadd.s32 $0x10, s2;
	v46 =	vbroadcast v46, $0x0;
	v47 =	vadd.s32 $0x3E8, v44  }
0x2b8: {  	[tilespmem:s2+$0x0] =	vst v47  }
0x2b9: {  	s25 =	simm.s32 $0x20;
	v46 =	vadd.s32 v23, v46;
	v45 =	vld.idx.msk [tilespmem:v45+s29+$0x0], $0xffff  }
0x2ba: {  	v59 =	vmov s25;
	v58 =	vand.u32 $0xFFFFFFF8, v46  }
0x2bb: {  	vm0 =	veq.s32 v42, $0x0;
	v60 =	vmul.u32 $0x3, v59;
	v42 =	vor.u32 v24, v58  }
0x2bc: {  	v61 =	vmpcnt.ones.xlane vm0;
	vm1 =	veq.s32 v43, $0x0  }
0x2bd: {  	v43 =	vbroadcast v60, $0x0;
	v62 =	vmpcnt.ones.xlane vm1  }
0x2be: {  	vm14 =	veq.s32 v44, $0x0;
	s2 =	simm.s32 $0x3E00;
	vm15 =	veq.s32 v45, $0x0;
	v45 =	vadd.s32 $0x7D0, v45  }
0x2bf: {  	v40 =	vadd.s32 v40, v61;
	v44 =	vmpcnt.ones.xlane vm14;
	v63 =	vmpcnt.ones.xlane vm15;
	[tilespmem:s2+$0x0] =	vst v45  }
0x2c0: {  	v43 =	vadd.s32 v23, v43;
	v40 =	vadd.s32 v40, v62;
	v42 =	vld.idx.msk [tilespmem:v42+s29+$0x0], $0xffff  }
0x2c1: {  	s15 =	smov.u32 s12;
	s4 =	simm.s32 $0x30;
	s5 =	simm.s32 $0x40;
	v43 =	vand.u32 $0xFFFFFFF8, v43;
	v40 =	vadd.s32 v40, v44;
	v41 =	vadd.s32 v41, v63  }
.LBB2_107:
0x2c2: {  	p0 =	sne.s32 s5, $0x1F0;
	v43 =	vor.u32 v24, v43  }
0x2c3: {  	v44 =	vmov s4;
	s4 =	smov.u32 s5  }
0x2c4: {  	v44 =	vmul.u32 $0x3, v44  }
.Ltmp57:
0x2c5: {  	s2 =	sadd.s32 $0x10, s2;
	vm0 =	veq.s32 v42, $0x0;
	v42 =	vadd.s32 $0x7D0, v42;
	(pc) =	sbr.rel @p0 .LBB2_107-.Ltmp57, $4  }
0x2c6: {  	v44 =	vbroadcast v44, $0x0;
	v45 =	vmpcnt.ones.xlane vm0;
	[tilespmem:s2+$0x0] =	vst v42  }
0x2c7: {  	v42 =	vld.idx.msk [tilespmem:v43+s29+$0x0], $0xffff  }
0x2c8: {  	v43 =	vadd.s32 v23, v44;
	v41 =	vadd.s32 v41, v45  }
0x2c9: {  	s5 =	sadd.s32 $0x10, s5;
	v43 =	vand.u32 $0xFFFFFFF8, v43  }
0x2ca: {  	v43 =	vor.u32 v24, v43;
	v44 =	vmov s4  }
0x2cb: {  	v44 =	vmul.u32 $0x3, v44;
	_ =	sdelay $0x1  }
0x2cc: {  	s2 =	sadd.s32 $0x10, s2;
	v45 =	vadd.s32 $0x7D0, v42;
	v44 =	vbroadcast v44, $0x0  }
0x2cd: {  	[tilespmem:s2+$0x0] =	vst v45  }
0x2ce: {  	v26 =	vxor.u32 $0x80000000, v26;
	v43 =	vld.idx.msk [tilespmem:v43+s29+$0x0], $0xffff;
	v44 =	vadd.s32 v23, v44  }
0x2cf: {  	(xrf0) =	vmax.scan.msk.u32 $0xffff, v26;
	v26 =	vxor.u32 $0x80000000, v27;
	v44 =	vand.u32 $0xFFFFFFF8, v44  }
0x2d0: {  	(xrf0) =	vmax.scan.msk.u32 $0xffff, v26;
	v26 =	vxor.u32 $0x80000000, v28;
	v44 =	vor.u32 v24, v44  }
0x2d1: {  	(xrf0) =	vmax.scan.msk.u32 $0xffff, v26;
	v26 =	vxor.u32 $0x80000000, v29  }
0x2d2: {  	(xrf0) =	vmax.scan.msk.u32 $0xffff, v26;
	v26 =	vxor.u32 $0x80000000, v30  }
0x2d3: {  	s14 =	sadd.s32 $0x10, s2;
	(xrf0) =	vmax.scan.msk.u32 $0xffff, v26;
	v26 =	vxor.u32 $0x80000000, v31;
	v27 =	vadd.s32 $0x7D0, v43  }
0x2d4: {  	(xrf0) =	vmax.scan.msk.u32 $0xffff, v26;
	v26 =	vxor.u32 $0x80000000, v32;
	[tilespmem:s14+$0x0] =	vst v27  }
0x2d5: {  	v53, _, _ =	vpop (xrf0);
	(xrf0) =	vmax.scan.msk.u32 $0xffff, v26;
	v26 =	vxor.u32 $0x80000000, v33;
	v52 =	vld.idx.msk [tilespmem:v44+s29+$0x0], $0xffff  }
0x2d6: {  	(v2sf) =	vpush v53, $0xF;
	v54, _, _ =	vpop (xrf0);
	(xrf0) =	vmax.scan.msk.u32 $0xffff, v26;
	v26 =	vxor.u32 $0x80000000, v34  }
0x2d7: {  	vm0 =	veq.s32 v42, $0x0;
	(v2sf) =	vpush v54, $0xF;
	v55, _, _ =	vpop (xrf0);
	(xrf0) =	vmax.scan.msk.u32 $0xffff, v26;
	v26 =	vxor.u32 $0x80000000, v35  }
0x2d8: {  	vm14 =	veq.s32 v43, $0x0;
	(v2sf) =	vpush v55, $0xF;
	v57, _, _ =	vpop (xrf0);
	(xrf0) =	vmax.scan.msk.u32 $0xffff, v26;
	v26 =	vxor.u32 $0x80000000, v36  }
0x2d9: {  	v27 =	vmpcnt.ones.xlane vm0;
	v56 =	vmpcnt.ones.xlane vm14;
	(v2sf) =	vpush v57, $0xF;
	v58, _, _ =	vpop (xrf0)  }
0x2da: {  	(xrf0) =	vmax.scan.msk.u32 $0xffff, v26;
	v26 =	vxor.u32 $0x80000000, v37;
	(v2sf) =	vpush v58, $0xF;
	vm15 =	veq.s32 v52, $0x0  }
0x2db: {  	v60, _, _ =	vpop (xrf0);
	(xrf0) =	vmax.scan.msk.u32 $0xffff, v26;
	v26 =	vxor.u32 $0x80000000, v38;
	v27 =	vadd.s32 v41, v27;
	v59 =	vmpcnt.ones.xlane vm15  }
0x2dc: {  	(v2sf) =	vpush v60, $0xF;
	v61, _, _ =	vpop (xrf0);
	(xrf0) =	vmax.scan.msk.u32 $0xffff, v26;
	v26 =	vxor.u32 $0x80000000, v39;
	v27 =	vadd.s32 v27, v56  }
0x2dd: {  	(v2sf) =	vpush v61, $0xF;
	v62, _, _ =	vpop (xrf0);
	(xrf0) =	vmax.scan.msk.u32 $0xffff, v26;
	v26 =	vxor.u32 $0x80000000, v40;
	v27 =	vadd.s32 v27, v59  }
0x2de: {  	(v2sf) =	vpush v62, $0xF;
	v63, _, _ =	vpop (xrf0);
	(xrf0) =	vmax.scan.msk.u32 $0xffff, v26;
	v26 =	vxor.u32 $0x80000000, v27  }
0x2df: {  	(v2sf) =	vpush v63, $0xF  }
0x2e0: {  	v27, _, _ =	vpop (xrf0);
	(xrf0) =	vmax.scan.msk.u32 $0xffff, v26  }
0x2e1: {  	v26, _, _ =	vpop (xrf0);
	(v2sf) =	vpush v27, $0xF  }
0x2e2: {  	v27, _, _ =	vpop (xrf0);
	(v2sf) =	vpush v26, $0xF  }
0x2e3: {  	v26, _, _ =	vpop (xrf0);
	(v2sf) =	vpush v27, $0xF  }
0x2e4: {  	v27, _, _ =	vpop (xrf0);
	(v2sf) =	vpush v26, $0xF  }
0x2e5: {  	v26, _, _ =	vpop (xrf0);
	(v2sf) =	vpush v27, $0xF  }
0x2e6: {  	s5 =	spop (v2sf);
	(v2sf) =	vpush v26, $0xF;
	v26, _, _ =	vpop (xrf0)  }
0x2e7: {  	s4 =	spop (v2sf);
	(v2sf) =	vpush v26, $0xF  }
0x2e8: {  	s2 =	spop (v2sf)  }
0x2e9: {  	s7 =	spop (v2sf)  }
0x2ea: {  	s25 =	spop (v2sf)  }
0x2eb: {  	s24 =	spop (v2sf)  }
0x2ec: {  	s23 =	spop (v2sf)  }
0x2ed: {  	s14 =	sadd.s32 $0x10, s14;
	s22 =	spop (v2sf);
	v26 =	vadd.s32 $0x7D0, v52  }
0x2ee: {  	s12 =	simm.s32 $0x2000;
	s21 =	spop (v2sf);
	[tilespmem:s14+$0x0] =	vst v26  }
0x2ef: {  	[tilespmem:s0], [sflag:$0x1] =	stream.indirect.gather [hbm4b:s3+s30], $0x20, s12, s30, $0xb8;
	[tilespmem:$0xE000] =	vst v63  }
0x2f0: {  	s20 =	spop (v2sf)  }
0x2f1: {  	s19 =	spop (v2sf)  }
0x2f2: {  	s18 =	spop (v2sf)  }
0x2f3: {  	s17 =	spop (v2sf)  }
0x2f4: {  	s16 =	spop (v2sf)  }
0x2f5: {  	s6 =	spop (v2sf)  }
0x2f6: {  	p0 =	slt.u32 s5, $0x80000001;
	[dreg:$0x1b] =	wrdreg s6;
	s14 =	spop (v2sf)  }
.Ltmp58:
0x2f7: {  	_ =	swait.ge [sflag:s1], $0x4000;
	(pc) =	sbr.rel @p0 .LBB2_112-.Ltmp58, $4  }
0x2f8: {  	[sflag:s1] =	ssyncset.done $0x0  }
0x2f9: {  	s12 =	simm.s32 $0x2200;
	[sflag:s1] =	ssyncadd.s32 $0xFFFFC000  }
0x2fa: {  	[tilespmem:s31], [sflag:$0x2] =	stream.indirect.gather [hbm4b:s3+s30], $0x20, s12, s30, $0xb8;
	[tilespmem:$0xE000] =	vst v63  }
0x2fb: {  	s5 =	simm.s32 $0x0;
	s12 =	simm.s32 $0x0  }
.LBB2_109:
0x2fc: {  	s6 =	sshll.u32 s12, $0x4  }
0x2fd: {  	v27 =	vld [tilespmem:s6+$0x2000];
	_ =	sdelay $0x1  }
0x2fe: {  	v26 =	vmov s5  }
0x2ff: {  	v29 =	vmul.u32 $0x20, v0;
	v28 =	vmov s6;
	v26 =	vand.u32 $0x1F, v26  }
0x300: {  	v28 =	vshll.u32 v28, $0x5;
	v30 =	vbroadcast v26, $0x0  }
0x301: {  	v26 =	vor.u32 v29, v28;
	vm0 =	veq.s32 v27, $0x0  }
0x302: {  	s6 =	simm.s32 $0x1;
	v27 =	vor.u32 v26, v30  }
.LBB2_110:
0x303: {  	p0 =	sne.s32 s6, $0x1F  }
.Ltmp59:
0x304: {  	v28 =	vmov s6;
	s6 =	sadd.s32 $0x1, s6;
	(pc) =	sbr.rel @p0 .LBB2_110-.Ltmp59, $4  }
0x305: {  	v28 =	vand.u32 $0x1F, v28  }
0x306: {  	v28 =	vbroadcast v28, $0x0  }
0x307: {  	[tilespmem:v27+s0+$0x0] =	vst.idx.msk vm0, v25  }
0x308: {  	v27 =	vor.u32 v26, v28  }
0x309: {  	s12 =	sadd.s32 $0x1, s12  }
0x30a: {  	p0 =	sne.s32 s12, $0x20  }
.Ltmp60:
0x30b: {  	_ = 	snop;
	(pc) =	sbr.rel @p0 .LBB2_109-.Ltmp60, $2  }
0x30c: {  	_ =	sdelay $0x2  }
0x30d: {  	[tilespmem:v27+s0+$0x0] =	vst.idx.msk vm0, v25  }
.LBB2_112:
0x30e: {  	s5 =	rddreg [dreg:$0x8];
	s6 =	simm.s32 $0x20  }
0x30f: {  	[hbm4b:s5+s6] =	stream.strided.scatter [tilespmem:s0], [sflag:$0x3], $0x4000, s8, s6, $0x38;
	[tilespmem:$0xE000] =	vst v63  }
0x310: {  	_ =	swait.ge [sflag:s26], $0x4000  }
0x311: {  	[sflag:s26] =	ssyncset.done $0x0  }
0x312: {  	p0 =	slt.u32 s4, $0x80000001;
	[sflag:s26] =	ssyncadd.s32 $0xFFFFC000  }
.Ltmp61:
0x313: {  	_ =	swait.ge [sflag:s9], $0x4000;
	(pc) =	sbr.rel @p0 .LBB2_116-.Ltmp61, $4  }
0x314: {  	[sflag:s9] =	ssyncset.done $0x0  }
0x315: {  	s12 =	simm.s32 $0x2400;
	s4 =	simm.s32 $0x0;
	[sflag:s9] =	ssyncadd.s32 $0xFFFFC000  }
0x316: {  	[tilespmem:s0], [sflag:$0x1] =	stream.indirect.gather [hbm4b:s3+s30], $0x20, s12, s30, $0xb8;
	[tilespmem:$0xE000] =	vst v63  }
0x317: {  	s5 =	simm.s32 $0x0;
	s12 =	smov.u32 s15;
	s15 =	rddreg [dreg:$0x6]  }
.LBB2_113:
0x318: {  	s6 =	sshll.u32 s5, $0x4  }
0x319: {  	v27 =	vld [tilespmem:s6+$0x2200];
	_ =	sdelay $0x1  }
0x31a: {  	v26 =	vmov s4  }
0x31b: {  	v29 =	vmul.u32 $0x20, v0;
	v28 =	vmov s6;
	v26 =	vand.u32 $0x1F, v26  }
0x31c: {  	v28 =	vshll.u32 v28, $0x5;
	v30 =	vbroadcast v26, $0x0  }
0x31d: {  	v26 =	vor.u32 v29, v28;
	vm0 =	veq.s32 v27, $0x186A0  }
0x31e: {  	s6 =	simm.s32 $0x1;
	v27 =	vor.u32 v26, v30  }
.LBB2_114:
0x31f: {  	p0 =	sne.s32 s6, $0x1F  }
.Ltmp62:
0x320: {  	v28 =	vmov s6;
	s6 =	sadd.s32 $0x1, s6;
	(pc) =	sbr.rel @p0 .LBB2_114-.Ltmp62, $4  }
0x321: {  	v28 =	vand.u32 $0x1F, v28  }
0x322: {  	v28 =	vbroadcast v28, $0x0  }
0x323: {  	[tilespmem:v27+s31+$0x0] =	vst.idx.msk vm0, v25  }
0x324: {  	v27 =	vor.u32 v26, v28  }
0x325: {  	s5 =	sadd.s32 $0x1, s5  }
0x326: {  	p0 =	sne.s32 s5, $0x20  }
.Ltmp63:
0x327: {  	_ = 	snop;
	(pc) =	sbr.rel @p0 .LBB2_113-.Ltmp63, $2  }
0x328: {  	_ =	sdelay $0x2  }
0x329: {  	[tilespmem:v27+s31+$0x0] =	vst.idx.msk vm0, v25  }
.LBB2_116:
0x32a: {  	s4 =	rddreg [dreg:$0xb];
	s6 =	simm.s32 $0x20  }
0x32b: {  	[hbm4b:s4+s6] =	stream.strided.scatter [tilespmem:s31], [sflag:$0x3], $0x4000, s8, s6, $0x38;
	[tilespmem:$0xE000] =	vst v63  }
0x32c: {  	_ =	swait.ge [sflag:s26], $0x4000  }
0x32d: {  	p0 =	slt.u32 s2, $0x80000001;
	[sflag:s26] =	ssyncset.done $0x0  }
.Ltmp64:
0x32e: {  	[sflag:s26] =	ssyncadd.s32 $0xFFFFC000;
	(pc) =	sbr.rel @p0 .LBB2_120-.Ltmp64, $4  }
0x32f: {  	_ =	swait.ge [sflag:s1], $0x4000  }
0x330: {  	s5 =	simm.s32 $0x2600;
	[sflag:s1] =	ssyncset.done $0x0  }
0x331: {  	s2 =	simm.s32 $0x0;
	s4 =	simm.s32 $0x0;
	[sflag:s1] =	ssyncadd.s32 $0xFFFFC000  }
0x332: {  	[tilespmem:s31], [sflag:$0x2] =	stream.indirect.gather [hbm4b:s3+s30], $0x20, s5, s30, $0xb8;
	[tilespmem:$0xE000] =	vst v63  }
.LBB2_117:
0x333: {  	s5 =	sshll.u32 s4, $0x4  }
0x334: {  	v27 =	vld [tilespmem:s5+$0x2400];
	_ =	sdelay $0x1  }
0x335: {  	v26 =	vmov s2  }
0x336: {  	v29 =	vmul.u32 $0x20, v0;
	v28 =	vmov s5;
	v26 =	vand.u32 $0x1F, v26  }
0x337: {  	v28 =	vshll.u32 v28, $0x5;
	v30 =	vbroadcast v26, $0x0  }
0x338: {  	v26 =	vor.u32 v29, v28;
	vm0 =	veq.s32 v27, $0x30D40  }
0x339: {  	s5 =	simm.s32 $0x1;
	v27 =	vor.u32 v26, v30  }
.LBB2_118:
0x33a: {  	p0 =	sne.s32 s5, $0x1F  }
.Ltmp65:
0x33b: {  	v28 =	vmov s5;
	s5 =	sadd.s32 $0x1, s5;
	(pc) =	sbr.rel @p0 .LBB2_118-.Ltmp65, $4  }
0x33c: {  	v28 =	vand.u32 $0x1F, v28  }
0x33d: {  	v28 =	vbroadcast v28, $0x0  }
0x33e: {  	[tilespmem:v27+s0+$0x0] =	vst.idx.msk vm0, v25  }
0x33f: {  	v27 =	vor.u32 v26, v28  }
0x340: {  	s4 =	sadd.s32 $0x1, s4  }
0x341: {  	p0 =	sne.s32 s4, $0x20  }
.Ltmp66:
0x342: {  	_ = 	snop;
	(pc) =	sbr.rel @p0 .LBB2_117-.Ltmp66, $2  }
0x343: {  	_ =	sdelay $0x2  }
0x344: {  	[tilespmem:v27+s0+$0x0] =	vst.idx.msk vm0, v25  }
.LBB2_120:
0x345: {  	s2 =	rddreg [dreg:$0xc]  }
0x346: {  	[hbm4b:s2+s6] =	stream.strided.scatter [tilespmem:s0], [sflag:$0x3], $0x4000, s8, s6, $0x38;
	[tilespmem:$0xE000] =	vst v63  }
0x347: {  	_ =	swait.ge [sflag:s26], $0x4000  }
0x348: {  	p0 =	slt.u32 s7, $0x80000001;
	[sflag:s26] =	ssyncset.done $0x0  }
.Ltmp67:
0x349: {  	[sflag:s26] =	ssyncadd.s32 $0xFFFFC000;
	(pc) =	sbr.rel @p0 .LBB2_124-.Ltmp67, $4  }
0x34a: {  	_ =	swait.ge [sflag:s9], $0x4000  }
0x34b: {  	s5 =	simm.s32 $0x2800;
	[sflag:s9] =	ssyncset.done $0x0  }
0x34c: {  	s4 =	simm.s32 $0x0;
	s2 =	simm.s32 $0x0;
	[sflag:s9] =	ssyncadd.s32 $0xFFFFC000  }
0x34d: {  	[tilespmem:s0], [sflag:$0x1] =	stream.indirect.gather [hbm4b:s3+s30], $0x20, s5, s30, $0xb8;
	[tilespmem:$0xE000] =	vst v63  }
.LBB2_121:
0x34e: {  	s5 =	sshll.u32 s4, $0x4  }
0x34f: {  	v27 =	vld [tilespmem:s5+$0x2600];
	_ =	sdelay $0x1  }
0x350: {  	v26 =	vmov s2  }
0x351: {  	v29 =	vmul.u32 $0x20, v0;
	v28 =	vmov s5;
	v26 =	vand.u32 $0x1F, v26  }
0x352: {  	v28 =	vshll.u32 v28, $0x5;
	v30 =	vbroadcast v26, $0x0  }
0x353: {  	v26 =	vor.u32 v29, v28;
	vm0 =	veq.s32 v27, $0x493E0  }
0x354: {  	s5 =	simm.s32 $0x1;
	v27 =	vor.u32 v26, v30  }
.LBB2_122:
0x355: {  	p0 =	sne.s32 s5, $0x1F  }
.Ltmp68:
0x356: {  	v28 =	vmov s5;
	s5 =	sadd.s32 $0x1, s5;
	(pc) =	sbr.rel @p0 .LBB2_122-.Ltmp68, $4  }
0x357: {  	v28 =	vand.u32 $0x1F, v28  }
0x358: {  	v28 =	vbroadcast v28, $0x0  }
0x359: {  	[tilespmem:v27+s31+$0x0] =	vst.idx.msk vm0, v25  }
0x35a: {  	v27 =	vor.u32 v26, v28  }
0x35b: {  	s4 =	sadd.s32 $0x1, s4  }
0x35c: {  	p0 =	sne.s32 s4, $0x20  }
.Ltmp69:
0x35d: {  	_ = 	snop;
	(pc) =	sbr.rel @p0 .LBB2_121-.Ltmp69, $2  }
0x35e: {  	_ =	sdelay $0x2  }
0x35f: {  	[tilespmem:v27+s31+$0x0] =	vst.idx.msk vm0, v25  }
.LBB2_124:
0x360: {  	s2 =	rddreg [dreg:$0xd]  }
0x361: {  	[hbm4b:s2+s6] =	stream.strided.scatter [tilespmem:s31], [sflag:$0x3], $0x4000, s8, s6, $0x38;
	[tilespmem:$0xE000] =	vst v63  }
0x362: {  	_ =	swait.ge [sflag:s26], $0x4000  }
0x363: {  	p0 =	slt.u32 s25, $0x80000001;
	[sflag:s26] =	ssyncset.done $0x0  }
.Ltmp70:
0x364: {  	[sflag:s26] =	ssyncadd.s32 $0xFFFFC000;
	(pc) =	sbr.rel @p0 .LBB2_128-.Ltmp70, $4  }
0x365: {  	_ =	swait.ge [sflag:s1], $0x4000  }
0x366: {  	s7 =	simm.s32 $0x2A00;
	[sflag:s1] =	ssyncset.done $0x0  }
0x367: {  	s4 =	simm.s32 $0x0;
	s2 =	simm.s32 $0x0;
	[sflag:s1] =	ssyncadd.s32 $0xFFFFC000  }
0x368: {  	[tilespmem:s31], [sflag:$0x2] =	stream.indirect.gather [hbm4b:s3+s30], $0x20, s7, s30, $0xb8;
	[tilespmem:$0xE000] =	vst v63  }
.LBB2_125:
0x369: {  	s5 =	sshll.u32 s4, $0x4  }
0x36a: {  	v27 =	vld [tilespmem:s5+$0x2800];
	_ =	sdelay $0x1  }
0x36b: {  	v26 =	vmov s2  }
0x36c: {  	v29 =	vmul.u32 $0x20, v0;
	v28 =	vmov s5;
	v26 =	vand.u32 $0x1F, v26  }
0x36d: {  	v28 =	vshll.u32 v28, $0x5;
	v30 =	vbroadcast v26, $0x0  }
0x36e: {  	v26 =	vor.u32 v29, v28;
	vm0 =	veq.s32 v27, $0x61A80  }
0x36f: {  	s5 =	simm.s32 $0x1;
	v27 =	vor.u32 v26, v30  }
.LBB2_126:
0x370: {  	p0 =	sne.s32 s5, $0x1F  }
.Ltmp71:
0x371: {  	v28 =	vmov s5;
	s5 =	sadd.s32 $0x1, s5;
	(pc) =	sbr.rel @p0 .LBB2_126-.Ltmp71, $4  }
0x372: {  	v28 =	vand.u32 $0x1F, v28  }
0x373: {  	v28 =	vbroadcast v28, $0x0  }
0x374: {  	[tilespmem:v27+s0+$0x0] =	vst.idx.msk vm0, v25  }
0x375: {  	v27 =	vor.u32 v26, v28  }
0x376: {  	s4 =	sadd.s32 $0x1, s4  }
0x377: {  	p0 =	sne.s32 s4, $0x20  }
.Ltmp72:
0x378: {  	_ = 	snop;
	(pc) =	sbr.rel @p0 .LBB2_125-.Ltmp72, $2  }
0x379: {  	_ =	sdelay $0x2  }
0x37a: {  	[tilespmem:v27+s0+$0x0] =	vst.idx.msk vm0, v25  }
.LBB2_128:
0x37b: {  	s2 =	rddreg [dreg:$0xe]  }
0x37c: {  	[hbm4b:s2+s6] =	stream.strided.scatter [tilespmem:s0], [sflag:$0x3], $0x4000, s8, s6, $0x38;
	[tilespmem:$0xE000] =	vst v63  }
0x37d: {  	_ =	swait.ge [sflag:s26], $0x4000  }
0x37e: {  	p0 =	slt.u32 s24, $0x80000001;
	[sflag:s26] =	ssyncset.done $0x0  }
.Ltmp73:
0x37f: {  	[sflag:s26] =	ssyncadd.s32 $0xFFFFC000;
	(pc) =	sbr.rel @p0 .LBB2_132-.Ltmp73, $4  }
0x380: {  	_ =	swait.ge [sflag:s9], $0x4000  }
0x381: {  	s25 =	simm.s32 $0x2C00;
	[sflag:s9] =	ssyncset.done $0x0  }
0x382: {  	s4 =	simm.s32 $0x0;
	s2 =	simm.s32 $0x0;
	[sflag:s9] =	ssyncadd.s32 $0xFFFFC000  }
0x383: {  	[tilespmem:s0], [sflag:$0x1] =	stream.indirect.gather [hbm4b:s3+s30], $0x20, s25, s30, $0xb8;
	[tilespmem:$0xE000] =	vst v63  }
.LBB2_129:
0x384: {  	s5 =	sshll.u32 s4, $0x4  }
0x385: {  	v27 =	vld [tilespmem:s5+$0x2A00];
	_ =	sdelay $0x1  }
0x386: {  	v26 =	vmov s2  }
0x387: {  	v29 =	vmul.u32 $0x20, v0;
	v28 =	vmov s5;
	v26 =	vand.u32 $0x1F, v26  }
0x388: {  	v28 =	vshll.u32 v28, $0x5;
	v30 =	vbroadcast v26, $0x0  }
0x389: {  	v26 =	vor.u32 v29, v28;
	vm0 =	veq.s32 v27, $0x7A120  }
0x38a: {  	s5 =	simm.s32 $0x1;
	v27 =	vor.u32 v26, v30  }
.LBB2_130:
0x38b: {  	p0 =	sne.s32 s5, $0x1F  }
.Ltmp74:
0x38c: {  	v28 =	vmov s5;
	s5 =	sadd.s32 $0x1, s5;
	(pc) =	sbr.rel @p0 .LBB2_130-.Ltmp74, $4  }
0x38d: {  	v28 =	vand.u32 $0x1F, v28  }
0x38e: {  	v28 =	vbroadcast v28, $0x0  }
0x38f: {  	[tilespmem:v27+s31+$0x0] =	vst.idx.msk vm0, v25  }
0x390: {  	v27 =	vor.u32 v26, v28  }
0x391: {  	s4 =	sadd.s32 $0x1, s4  }
0x392: {  	p0 =	sne.s32 s4, $0x20  }
.Ltmp75:
0x393: {  	_ = 	snop;
	(pc) =	sbr.rel @p0 .LBB2_129-.Ltmp75, $2  }
0x394: {  	_ =	sdelay $0x2  }
0x395: {  	[tilespmem:v27+s31+$0x0] =	vst.idx.msk vm0, v25  }
.LBB2_132:
0x396: {  	s2 =	rddreg [dreg:$0xf]  }
0x397: {  	[hbm4b:s2+s6] =	stream.strided.scatter [tilespmem:s31], [sflag:$0x3], $0x4000, s8, s6, $0x38;
	[tilespmem:$0xE000] =	vst v63  }
0x398: {  	_ =	swait.ge [sflag:s26], $0x4000  }
0x399: {  	p0 =	slt.u32 s23, $0x80000001;
	[sflag:s26] =	ssyncset.done $0x0  }
.Ltmp76:
0x39a: {  	[sflag:s26] =	ssyncadd.s32 $0xFFFFC000;
	(pc) =	sbr.rel @p0 .LBB2_136-.Ltmp76, $4  }
0x39b: {  	_ =	swait.ge [sflag:s1], $0x4000  }
0x39c: {  	s25 =	simm.s32 $0x2E00;
	[sflag:s1] =	ssyncset.done $0x0  }
0x39d: {  	s4 =	simm.s32 $0x0;
	s2 =	simm.s32 $0x0;
	[sflag:s1] =	ssyncadd.s32 $0xFFFFC000  }
0x39e: {  	[tilespmem:s31], [sflag:$0x2] =	stream.indirect.gather [hbm4b:s3+s30], $0x20, s25, s30, $0xb8;
	[tilespmem:$0xE000] =	vst v63  }
.LBB2_133:
0x39f: {  	s5 =	sshll.u32 s4, $0x4  }
0x3a0: {  	v27 =	vld [tilespmem:s5+$0x2C00];
	_ =	sdelay $0x1  }
0x3a1: {  	v26 =	vmov s2  }
0x3a2: {  	v29 =	vmul.u32 $0x20, v0;
	v28 =	vmov s5;
	v26 =	vand.u32 $0x1F, v26  }
0x3a3: {  	v28 =	vshll.u32 v28, $0x5;
	v30 =	vbroadcast v26, $0x0  }
0x3a4: {  	v26 =	vor.u32 v29, v28;
	vm0 =	veq.s32 v27, $0x927C0  }
0x3a5: {  	s5 =	simm.s32 $0x1;
	v27 =	vor.u32 v26, v30  }
.LBB2_134:
0x3a6: {  	p0 =	sne.s32 s5, $0x1F  }
.Ltmp77:
0x3a7: {  	v28 =	vmov s5;
	s5 =	sadd.s32 $0x1, s5;
	(pc) =	sbr.rel @p0 .LBB2_134-.Ltmp77, $4  }
0x3a8: {  	v28 =	vand.u32 $0x1F, v28  }
0x3a9: {  	v28 =	vbroadcast v28, $0x0  }
0x3aa: {  	[tilespmem:v27+s0+$0x0] =	vst.idx.msk vm0, v25  }
0x3ab: {  	v27 =	vor.u32 v26, v28  }
0x3ac: {  	s4 =	sadd.s32 $0x1, s4  }
0x3ad: {  	p0 =	sne.s32 s4, $0x20  }
.Ltmp78:
0x3ae: {  	_ = 	snop;
	(pc) =	sbr.rel @p0 .LBB2_133-.Ltmp78, $2  }
0x3af: {  	_ =	sdelay $0x2  }
0x3b0: {  	[tilespmem:v27+s0+$0x0] =	vst.idx.msk vm0, v25  }
.LBB2_136:
0x3b1: {  	s2 =	rddreg [dreg:$0x10]  }
0x3b2: {  	[hbm4b:s2+s6] =	stream.strided.scatter [tilespmem:s0], [sflag:$0x3], $0x4000, s8, s6, $0x38;
	[tilespmem:$0xE000] =	vst v63  }
0x3b3: {  	_ =	swait.ge [sflag:s26], $0x4000  }
0x3b4: {  	p0 =	slt.u32 s22, $0x80000001;
	[sflag:s26] =	ssyncset.done $0x0  }
.Ltmp79:
0x3b5: {  	[sflag:s26] =	ssyncadd.s32 $0xFFFFC000;
	(pc) =	sbr.rel @p0 .LBB2_140-.Ltmp79, $4  }
0x3b6: {  	_ =	swait.ge [sflag:s9], $0x4000  }
0x3b7: {  	s25 =	simm.s32 $0x3000;
	[sflag:s9] =	ssyncset.done $0x0  }
0x3b8: {  	s4 =	simm.s32 $0x0;
	s2 =	simm.s32 $0x0;
	[sflag:s9] =	ssyncadd.s32 $0xFFFFC000  }
0x3b9: {  	[tilespmem:s0], [sflag:$0x1] =	stream.indirect.gather [hbm4b:s3+s30], $0x20, s25, s30, $0xb8;
	[tilespmem:$0xE000] =	vst v63  }
.LBB2_137:
0x3ba: {  	s5 =	sshll.u32 s4, $0x4  }
0x3bb: {  	v27 =	vld [tilespmem:s5+$0x2E00];
	_ =	sdelay $0x1  }
0x3bc: {  	v26 =	vmov s2  }
0x3bd: {  	v29 =	vmul.u32 $0x20, v0;
	v28 =	vmov s5;
	v26 =	vand.u32 $0x1F, v26  }
0x3be: {  	v28 =	vshll.u32 v28, $0x5;
	v30 =	vbroadcast v26, $0x0  }
0x3bf: {  	v26 =	vor.u32 v29, v28;
	vm0 =	veq.s32 v27, $0xAAE60  }
0x3c0: {  	s5 =	simm.s32 $0x1;
	v27 =	vor.u32 v26, v30  }
.LBB2_138:
0x3c1: {  	p0 =	sne.s32 s5, $0x1F  }
.Ltmp80:
0x3c2: {  	v28 =	vmov s5;
	s5 =	sadd.s32 $0x1, s5;
	(pc) =	sbr.rel @p0 .LBB2_138-.Ltmp80, $4  }
0x3c3: {  	v28 =	vand.u32 $0x1F, v28  }
0x3c4: {  	v28 =	vbroadcast v28, $0x0  }
0x3c5: {  	[tilespmem:v27+s31+$0x0] =	vst.idx.msk vm0, v25  }
0x3c6: {  	v27 =	vor.u32 v26, v28  }
0x3c7: {  	s4 =	sadd.s32 $0x1, s4  }
0x3c8: {  	p0 =	sne.s32 s4, $0x20  }
.Ltmp81:
0x3c9: {  	_ = 	snop;
	(pc) =	sbr.rel @p0 .LBB2_137-.Ltmp81, $2  }
0x3ca: {  	_ =	sdelay $0x2  }
0x3cb: {  	[tilespmem:v27+s31+$0x0] =	vst.idx.msk vm0, v25  }
.LBB2_140:
0x3cc: {  	s2 =	rddreg [dreg:$0x11]  }
0x3cd: {  	[hbm4b:s2+s6] =	stream.strided.scatter [tilespmem:s31], [sflag:$0x3], $0x4000, s8, s6, $0x38;
	[tilespmem:$0xE000] =	vst v63  }
0x3ce: {  	_ =	swait.ge [sflag:s26], $0x4000  }
0x3cf: {  	p0 =	slt.u32 s21, $0x80000001;
	[sflag:s26] =	ssyncset.done $0x0  }
.Ltmp82:
0x3d0: {  	[sflag:s26] =	ssyncadd.s32 $0xFFFFC000;
	(pc) =	sbr.rel @p0 .LBB2_144-.Ltmp82, $4  }
0x3d1: {  	_ =	swait.ge [sflag:s1], $0x4000  }
0x3d2: {  	s25 =	simm.s32 $0x3200;
	[sflag:s1] =	ssyncset.done $0x0  }
0x3d3: {  	s4 =	simm.s32 $0x0;
	s2 =	simm.s32 $0x0;
	[sflag:s1] =	ssyncadd.s32 $0xFFFFC000  }
0x3d4: {  	[tilespmem:s31], [sflag:$0x2] =	stream.indirect.gather [hbm4b:s3+s30], $0x20, s25, s30, $0xb8;
	[tilespmem:$0xE000] =	vst v63  }
.LBB2_141:
0x3d5: {  	s5 =	sshll.u32 s4, $0x4  }
0x3d6: {  	v27 =	vld [tilespmem:s5+$0x3000];
	_ =	sdelay $0x1  }
0x3d7: {  	v26 =	vmov s2  }
0x3d8: {  	v29 =	vmul.u32 $0x20, v0;
	v28 =	vmov s5;
	v26 =	vand.u32 $0x1F, v26  }
0x3d9: {  	v28 =	vshll.u32 v28, $0x5;
	v30 =	vbroadcast v26, $0x0  }
0x3da: {  	v26 =	vor.u32 v29, v28;
	vm0 =	veq.s32 v27, $0xC3500  }
0x3db: {  	s5 =	simm.s32 $0x1;
	v27 =	vor.u32 v26, v30  }
.LBB2_142:
0x3dc: {  	p0 =	sne.s32 s5, $0x1F  }
.Ltmp83:
0x3dd: {  	v28 =	vmov s5;
	s5 =	sadd.s32 $0x1, s5;
	(pc) =	sbr.rel @p0 .LBB2_142-.Ltmp83, $4  }
0x3de: {  	v28 =	vand.u32 $0x1F, v28  }
0x3df: {  	v28 =	vbroadcast v28, $0x0  }
0x3e0: {  	[tilespmem:v27+s0+$0x0] =	vst.idx.msk vm0, v25  }
0x3e1: {  	v27 =	vor.u32 v26, v28  }
0x3e2: {  	s4 =	sadd.s32 $0x1, s4  }
0x3e3: {  	p0 =	sne.s32 s4, $0x20  }
.Ltmp84:
0x3e4: {  	_ = 	snop;
	(pc) =	sbr.rel @p0 .LBB2_141-.Ltmp84, $2  }
0x3e5: {  	_ =	sdelay $0x2  }
0x3e6: {  	[tilespmem:v27+s0+$0x0] =	vst.idx.msk vm0, v25  }
.LBB2_144:
0x3e7: {  	s2 =	rddreg [dreg:$0x12]  }
0x3e8: {  	[hbm4b:s2+s6] =	stream.strided.scatter [tilespmem:s0], [sflag:$0x3], $0x4000, s8, s6, $0x38;
	[tilespmem:$0xE000] =	vst v63  }
0x3e9: {  	_ =	swait.ge [sflag:s26], $0x4000  }
0x3ea: {  	p0 =	slt.u32 s20, $0x80000001;
	[sflag:s26] =	ssyncset.done $0x0  }
.Ltmp85:
0x3eb: {  	[sflag:s26] =	ssyncadd.s32 $0xFFFFC000;
	(pc) =	sbr.rel @p0 .LBB2_148-.Ltmp85, $4  }
0x3ec: {  	_ =	swait.ge [sflag:s9], $0x4000  }
0x3ed: {  	s25 =	simm.s32 $0x3400;
	[sflag:s9] =	ssyncset.done $0x0  }
0x3ee: {  	s4 =	simm.s32 $0x0;
	s2 =	simm.s32 $0x0;
	[sflag:s9] =	ssyncadd.s32 $0xFFFFC000  }
0x3ef: {  	[tilespmem:s10], [sflag:$0x1] =	stream.indirect.gather [hbm4b:s12+s30], $0x8, s25, s30, $0xb8;
	[tilespmem:$0xE000] =	vst v63  }
.LBB2_145:
0x3f0: {  	s5 =	sshll.u32 s4, $0x4  }
0x3f1: {  	v27 =	vld [tilespmem:s5+$0x3200];
	_ =	sdelay $0x1  }
0x3f2: {  	v26 =	vmov s2  }
0x3f3: {  	v29 =	vmul.u32 $0x20, v0;
	v28 =	vmov s5;
	v26 =	vand.u32 $0x1F, v26  }
0x3f4: {  	v28 =	vshll.u32 v28, $0x5;
	v30 =	vbroadcast v26, $0x0  }
0x3f5: {  	v26 =	vor.u32 v29, v28;
	vm0 =	veq.s32 v27, $0xDBBA0  }
0x3f6: {  	s5 =	simm.s32 $0x1;
	v27 =	vor.u32 v26, v30  }
.LBB2_146:
0x3f7: {  	p0 =	sne.s32 s5, $0x1F  }
.Ltmp86:
0x3f8: {  	v28 =	vmov s5;
	s5 =	sadd.s32 $0x1, s5;
	(pc) =	sbr.rel @p0 .LBB2_146-.Ltmp86, $4  }
0x3f9: {  	v28 =	vand.u32 $0x1F, v28  }
0x3fa: {  	v28 =	vbroadcast v28, $0x0  }
0x3fb: {  	[tilespmem:v27+s31+$0x0] =	vst.idx.msk vm0, v25  }
0x3fc: {  	v27 =	vor.u32 v26, v28  }
0x3fd: {  	s4 =	sadd.s32 $0x1, s4  }
0x3fe: {  	p0 =	sne.s32 s4, $0x20  }
.Ltmp87:
0x3ff: {  	_ = 	snop;
	(pc) =	sbr.rel @p0 .LBB2_145-.Ltmp87, $2  }
0x400: {  	_ =	sdelay $0x2  }
0x401: {  	[tilespmem:v27+s31+$0x0] =	vst.idx.msk vm0, v25  }
.LBB2_148:
0x402: {  	s2 =	rddreg [dreg:$0x13]  }
0x403: {  	[hbm4b:s2+s6] =	stream.strided.scatter [tilespmem:s31], [sflag:$0x3], $0x4000, s8, s6, $0x38;
	[tilespmem:$0xE000] =	vst v63  }
0x404: {  	_ =	swait.ge [sflag:s26], $0x4000  }
0x405: {  	p0 =	slt.u32 s19, $0x80000001;
	[sflag:s26] =	ssyncset.done $0x0  }
.Ltmp88:
0x406: {  	[sflag:s26] =	ssyncadd.s32 $0xFFFFC000;
	(pc) =	sbr.rel @p0 .LBB2_152-.Ltmp88, $4  }
0x407: {  	_ =	swait.ge [sflag:s1], $0x1000  }
0x408: {  	[sflag:s1] =	ssyncset.done $0x0  }
0x409: {  	s25 =	simm.s32 $0x3600;
	s6 =	simm.s32 $0x8;
	[sflag:s1] =	ssyncadd.s32 $0xFFFFF000  }
0x40a: {  	[tilespmem:s11], [sflag:$0x2] =	stream.indirect.gather [hbm4b:s12+s30], $0x8, s25, s30, $0xb8;
	[tilespmem:$0xE000] =	vst v63  }
0x40b: {  	s2 =	simm.s32 $0x3400  }
0x40c: {  	v27 =	vld [tilespmem:s2+$0x0];
	_ =	sdelay $0x2  }
0x40d: {  	s4 =	simm.s32 $0x0  }
0x40e: {  	v26 =	vmul.u32 $0x8, v0;
	v28 =	vmov s4  }
0x40f: {  	v28 =	vshll.u32 v28, $0x3;
	vm0 =	veq.s32 v27, $0x0  }
0x410: {  	v27 =	vor.u32 v26, v28  }
0x411: {  	v28 =	vor.u32 $0x1, v27  }
0x412: {  	v29 =	vor.u32 $0x2, v27  }
0x413: {  	v30 =	vor.u32 $0x3, v27  }
0x414: {  	v31 =	vor.u32 $0x4, v27  }
0x415: {  	v32 =	vor.u32 $0x5, v27;
	[tilespmem:v27+s10+$0x0] =	vst.idx.msk vm0, v25  }
0x416: {  	[tilespmem:v28+s10+$0x0] =	vst.idx.msk vm0, v25;
	v28 =	vor.u32 $0x6, v27  }
0x417: {  	[tilespmem:v29+s10+$0x0] =	vst.idx.msk vm0, v25  }
0x418: {  	v27 =	vor.u32 $0x7, v27;
	[tilespmem:v30+s10+$0x0] =	vst.idx.msk vm0, v25  }
0x419: {  	[tilespmem:v31+s10+$0x0] =	vst.idx.msk vm0, v25  }
0x41a: {  	[tilespmem:v32+s10+$0x0] =	vst.idx.msk vm0, v25  }
0x41b: {  	s4 =	simm.s32 $0x10;
	[tilespmem:v28+s10+$0x0] =	vst.idx.msk vm0, v25  }
.LBB2_150:
0x41c: {  	p0 =	sne.s32 s4, $0x1F0  }
0x41d: {  	[tilespmem:v27+s10+$0x0] =	vst.idx.msk vm0, v25;
	s2 =	sadd.s32 $0x10, s2;
	s5 =	smov.u32 s4;
	s4 =	sadd.s32 $0x10, s4  }
0x41e: {  	v27 =	vld [tilespmem:s2+$0x0];
	_ =	sdelay $0x3  }
0x41f: {  	v28 =	vmov s5  }
0x420: {  	v28 =	vshll.u32 v28, $0x3;
	vm0 =	veq.s32 v27, $0x0  }
0x421: {  	v27 =	vor.u32 v26, v28  }
0x422: {  	v28 =	vor.u32 $0x1, v27  }
0x423: {  	v29 =	vor.u32 $0x2, v27  }
0x424: {  	v30 =	vor.u32 $0x3, v27  }
0x425: {  	v31 =	vor.u32 $0x4, v27  }
0x426: {  	v32 =	vor.u32 $0x5, v27;
	[tilespmem:v27+s10+$0x0] =	vst.idx.msk vm0, v25  }
0x427: {  	[tilespmem:v28+s10+$0x0] =	vst.idx.msk vm0, v25;
	v28 =	vor.u32 $0x6, v27  }
.Ltmp89:
0x428: {  	v27 =	vor.u32 $0x7, v27;
	[tilespmem:v29+s10+$0x0] =	vst.idx.msk vm0, v25;
	(pc) =	sbr.rel @p0 .LBB2_150-.Ltmp89, $4  }
0x429: {  	[tilespmem:v30+s10+$0x0] =	vst.idx.msk vm0, v25  }
0x42a: {  	[tilespmem:v31+s10+$0x0] =	vst.idx.msk vm0, v25  }
0x42b: {  	[tilespmem:v32+s10+$0x0] =	vst.idx.msk vm0, v25  }
0x42c: {  	[tilespmem:v28+s10+$0x0] =	vst.idx.msk vm0, v25  }
0x42d: {  	_ =	sdelay $0x4  }
0x42e: {  	[tilespmem:v27+s10+$0x0] =	vst.idx.msk vm0, v25  }
.LBB2_152:
0x42f: {  	s2 =	rddreg [dreg:$0x14]  }
0x430: {  	[hbm4b:s2+s6] =	stream.strided.scatter [tilespmem:s10], [sflag:$0x3], $0x1000, s8, s6, $0x38;
	[tilespmem:$0xE000] =	vst v63  }
0x431: {  	_ =	swait.ge [sflag:s26], $0x1000  }
0x432: {  	p0 =	slt.u32 s18, $0x80000001;
	[sflag:s26] =	ssyncset.done $0x0  }
.Ltmp90:
0x433: {  	[sflag:s26] =	ssyncadd.s32 $0xFFFFF000;
	(pc) =	sbr.rel @p0 .LBB2_156-.Ltmp90, $4  }
0x434: {  	_ =	swait.ge [sflag:s9], $0x1000  }
0x435: {  	[sflag:s9] =	ssyncset.done $0x0  }
0x436: {  	s25 =	simm.s32 $0x3800;
	[sflag:s9] =	ssyncadd.s32 $0xFFFFF000  }
0x437: {  	[tilespmem:s10], [sflag:$0x1] =	stream.indirect.gather [hbm4b:s12+s30], $0x8, s25, s30, $0xb8;
	[tilespmem:$0xE000] =	vst v63  }
0x438: {  	s2 =	simm.s32 $0x3600  }
0x439: {  	v27 =	vld [tilespmem:s2+$0x0];
	_ =	sdelay $0x2  }
0x43a: {  	s4 =	simm.s32 $0x0  }
0x43b: {  	v26 =	vmul.u32 $0x8, v0;
	v28 =	vmov s4  }
0x43c: {  	v28 =	vshll.u32 v28, $0x3;
	vm0 =	veq.s32 v27, $0x2710  }
0x43d: {  	v27 =	vor.u32 v26, v28  }
0x43e: {  	v28 =	vor.u32 $0x1, v27  }
0x43f: {  	v29 =	vor.u32 $0x2, v27  }
0x440: {  	v30 =	vor.u32 $0x3, v27  }
0x441: {  	v31 =	vor.u32 $0x4, v27  }
0x442: {  	v32 =	vor.u32 $0x5, v27;
	[tilespmem:v27+s11+$0x0] =	vst.idx.msk vm0, v25  }
0x443: {  	[tilespmem:v28+s11+$0x0] =	vst.idx.msk vm0, v25;
	v28 =	vor.u32 $0x6, v27  }
0x444: {  	[tilespmem:v29+s11+$0x0] =	vst.idx.msk vm0, v25  }
0x445: {  	v27 =	vor.u32 $0x7, v27;
	[tilespmem:v30+s11+$0x0] =	vst.idx.msk vm0, v25  }
0x446: {  	[tilespmem:v31+s11+$0x0] =	vst.idx.msk vm0, v25  }
0x447: {  	[tilespmem:v32+s11+$0x0] =	vst.idx.msk vm0, v25  }
0x448: {  	s4 =	simm.s32 $0x10;
	[tilespmem:v28+s11+$0x0] =	vst.idx.msk vm0, v25  }
.LBB2_154:
0x449: {  	p0 =	sne.s32 s4, $0x1F0  }
0x44a: {  	[tilespmem:v27+s11+$0x0] =	vst.idx.msk vm0, v25;
	s2 =	sadd.s32 $0x10, s2;
	s5 =	smov.u32 s4;
	s4 =	sadd.s32 $0x10, s4  }
0x44b: {  	v27 =	vld [tilespmem:s2+$0x0];
	_ =	sdelay $0x3  }
0x44c: {  	v28 =	vmov s5  }
0x44d: {  	v28 =	vshll.u32 v28, $0x3;
	vm0 =	veq.s32 v27, $0x2710  }
0x44e: {  	v27 =	vor.u32 v26, v28  }
0x44f: {  	v28 =	vor.u32 $0x1, v27  }
0x450: {  	v29 =	vor.u32 $0x2, v27  }
0x451: {  	v30 =	vor.u32 $0x3, v27  }
0x452: {  	v31 =	vor.u32 $0x4, v27  }
0x453: {  	v32 =	vor.u32 $0x5, v27;
	[tilespmem:v27+s11+$0x0] =	vst.idx.msk vm0, v25  }
0x454: {  	[tilespmem:v28+s11+$0x0] =	vst.idx.msk vm0, v25;
	v28 =	vor.u32 $0x6, v27  }
.Ltmp91:
0x455: {  	v27 =	vor.u32 $0x7, v27;
	[tilespmem:v29+s11+$0x0] =	vst.idx.msk vm0, v25;
	(pc) =	sbr.rel @p0 .LBB2_154-.Ltmp91, $4  }
0x456: {  	[tilespmem:v30+s11+$0x0] =	vst.idx.msk vm0, v25  }
0x457: {  	[tilespmem:v31+s11+$0x0] =	vst.idx.msk vm0, v25  }
0x458: {  	[tilespmem:v32+s11+$0x0] =	vst.idx.msk vm0, v25  }
0x459: {  	[tilespmem:v28+s11+$0x0] =	vst.idx.msk vm0, v25  }
0x45a: {  	_ =	sdelay $0x4  }
0x45b: {  	[tilespmem:v27+s11+$0x0] =	vst.idx.msk vm0, v25  }
.LBB2_156:
0x45c: {  	s2 =	rddreg [dreg:$0x15]  }
0x45d: {  	[hbm4b:s2+s6] =	stream.strided.scatter [tilespmem:s11], [sflag:$0x3], $0x1000, s8, s6, $0x38;
	[tilespmem:$0xE000] =	vst v63  }
0x45e: {  	_ =	swait.ge [sflag:s26], $0x1000  }
0x45f: {  	p0 =	slt.u32 s17, $0x80000001;
	[sflag:s26] =	ssyncset.done $0x0  }
.Ltmp92:
0x460: {  	[sflag:s26] =	ssyncadd.s32 $0xFFFFF000;
	(pc) =	sbr.rel @p0 .LBB2_160-.Ltmp92, $4  }
0x461: {  	_ =	swait.ge [sflag:s1], $0x1000  }
0x462: {  	[sflag:s1] =	ssyncset.done $0x0  }
0x463: {  	s25 =	simm.s32 $0x3A00;
	[sflag:s1] =	ssyncadd.s32 $0xFFFFF000  }
0x464: {  	[tilespmem:s11], [sflag:$0x2] =	stream.indirect.gather [hbm4b:s15+s30], $0x8, s25, s30, $0xb8;
	[tilespmem:$0xE000] =	vst v63  }
0x465: {  	s2 =	simm.s32 $0x3800  }
0x466: {  	v27 =	vld [tilespmem:s2+$0x0];
	_ =	sdelay $0x2  }
0x467: {  	s4 =	simm.s32 $0x0  }
0x468: {  	v26 =	vmul.u32 $0x8, v0;
	v28 =	vmov s4  }
0x469: {  	v28 =	vshll.u32 v28, $0x3;
	vm0 =	veq.s32 v27, $0x4E20  }
0x46a: {  	v27 =	vor.u32 v26, v28  }
0x46b: {  	v28 =	vor.u32 $0x1, v27  }
0x46c: {  	v29 =	vor.u32 $0x2, v27  }
0x46d: {  	v30 =	vor.u32 $0x3, v27  }
0x46e: {  	v31 =	vor.u32 $0x4, v27  }
0x46f: {  	v32 =	vor.u32 $0x5, v27;
	[tilespmem:v27+s10+$0x0] =	vst.idx.msk vm0, v25  }
0x470: {  	[tilespmem:v28+s10+$0x0] =	vst.idx.msk vm0, v25;
	v28 =	vor.u32 $0x6, v27  }
0x471: {  	[tilespmem:v29+s10+$0x0] =	vst.idx.msk vm0, v25  }
0x472: {  	v27 =	vor.u32 $0x7, v27;
	[tilespmem:v30+s10+$0x0] =	vst.idx.msk vm0, v25  }
0x473: {  	[tilespmem:v31+s10+$0x0] =	vst.idx.msk vm0, v25  }
0x474: {  	[tilespmem:v32+s10+$0x0] =	vst.idx.msk vm0, v25  }
0x475: {  	s4 =	simm.s32 $0x10;
	[tilespmem:v28+s10+$0x0] =	vst.idx.msk vm0, v25  }
.LBB2_158:
0x476: {  	p0 =	sne.s32 s4, $0x1F0  }
0x477: {  	[tilespmem:v27+s10+$0x0] =	vst.idx.msk vm0, v25;
	s2 =	sadd.s32 $0x10, s2;
	s5 =	smov.u32 s4;
	s4 =	sadd.s32 $0x10, s4  }
0x478: {  	v27 =	vld [tilespmem:s2+$0x0];
	_ =	sdelay $0x3  }
0x479: {  	v28 =	vmov s5  }
0x47a: {  	v28 =	vshll.u32 v28, $0x3;
	vm0 =	veq.s32 v27, $0x4E20  }
0x47b: {  	v27 =	vor.u32 v26, v28  }
0x47c: {  	v28 =	vor.u32 $0x1, v27  }
0x47d: {  	v29 =	vor.u32 $0x2, v27  }
0x47e: {  	v30 =	vor.u32 $0x3, v27  }
0x47f: {  	v31 =	vor.u32 $0x4, v27  }
0x480: {  	v32 =	vor.u32 $0x5, v27;
	[tilespmem:v27+s10+$0x0] =	vst.idx.msk vm0, v25  }
0x481: {  	[tilespmem:v28+s10+$0x0] =	vst.idx.msk vm0, v25;
	v28 =	vor.u32 $0x6, v27  }
.Ltmp93:
0x482: {  	v27 =	vor.u32 $0x7, v27;
	[tilespmem:v29+s10+$0x0] =	vst.idx.msk vm0, v25;
	(pc) =	sbr.rel @p0 .LBB2_158-.Ltmp93, $4  }
0x483: {  	[tilespmem:v30+s10+$0x0] =	vst.idx.msk vm0, v25  }
0x484: {  	[tilespmem:v31+s10+$0x0] =	vst.idx.msk vm0, v25  }
0x485: {  	[tilespmem:v32+s10+$0x0] =	vst.idx.msk vm0, v25  }
0x486: {  	[tilespmem:v28+s10+$0x0] =	vst.idx.msk vm0, v25  }
0x487: {  	_ =	sdelay $0x4  }
0x488: {  	[tilespmem:v27+s10+$0x0] =	vst.idx.msk vm0, v25  }
.LBB2_160:
0x489: {  	s2 =	rddreg [dreg:$0x16]  }
0x48a: {  	[hbm4b:s2+s6] =	stream.strided.scatter [tilespmem:s10], [sflag:$0x3], $0x1000, s8, s6, $0x38;
	[tilespmem:$0xE000] =	vst v63  }
0x48b: {  	_ =	swait.ge [sflag:s26], $0x1000  }
0x48c: {  	p0 =	slt.u32 s16, $0x80000001;
	[sflag:s26] =	ssyncset.done $0x0  }
.Ltmp94:
0x48d: {  	[sflag:s26] =	ssyncadd.s32 $0xFFFFF000;
	(pc) =	sbr.rel @p0 .LBB2_164-.Ltmp94, $4  }
0x48e: {  	_ =	swait.ge [sflag:s9], $0x1000  }
0x48f: {  	[sflag:s9] =	ssyncset.done $0x0  }
0x490: {  	s25 =	simm.s32 $0x3C00;
	[sflag:s9] =	ssyncadd.s32 $0xFFFFF000  }
0x491: {  	[tilespmem:s10], [sflag:$0x1] =	stream.indirect.gather [hbm4b:s15+s30], $0x8, s25, s30, $0xb8;
	[tilespmem:$0xE000] =	vst v63  }
0x492: {  	s2 =	simm.s32 $0x3A00  }
0x493: {  	v27 =	vld [tilespmem:s2+$0x0];
	_ =	sdelay $0x2  }
0x494: {  	s4 =	simm.s32 $0x0  }
0x495: {  	v26 =	vmul.u32 $0x8, v0;
	v28 =	vmov s4  }
0x496: {  	v28 =	vshll.u32 v28, $0x3;
	vm0 =	veq.s32 v27, $0x0  }
0x497: {  	v27 =	vor.u32 v26, v28  }
0x498: {  	v28 =	vor.u32 $0x1, v27  }
0x499: {  	v29 =	vor.u32 $0x2, v27  }
0x49a: {  	v30 =	vor.u32 $0x3, v27  }
0x49b: {  	v31 =	vor.u32 $0x4, v27  }
0x49c: {  	v32 =	vor.u32 $0x5, v27;
	[tilespmem:v27+s11+$0x0] =	vst.idx.msk vm0, v25  }
0x49d: {  	[tilespmem:v28+s11+$0x0] =	vst.idx.msk vm0, v25;
	v28 =	vor.u32 $0x6, v27  }
0x49e: {  	[tilespmem:v29+s11+$0x0] =	vst.idx.msk vm0, v25  }
0x49f: {  	v27 =	vor.u32 $0x7, v27;
	[tilespmem:v30+s11+$0x0] =	vst.idx.msk vm0, v25  }
0x4a0: {  	[tilespmem:v31+s11+$0x0] =	vst.idx.msk vm0, v25  }
0x4a1: {  	[tilespmem:v32+s11+$0x0] =	vst.idx.msk vm0, v25  }
0x4a2: {  	s4 =	simm.s32 $0x10;
	[tilespmem:v28+s11+$0x0] =	vst.idx.msk vm0, v25  }
.LBB2_162:
0x4a3: {  	p0 =	sne.s32 s4, $0x1F0  }
0x4a4: {  	[tilespmem:v27+s11+$0x0] =	vst.idx.msk vm0, v25;
	s2 =	sadd.s32 $0x10, s2;
	s5 =	smov.u32 s4;
	s4 =	sadd.s32 $0x10, s4  }
0x4a5: {  	v27 =	vld [tilespmem:s2+$0x0];
	_ =	sdelay $0x3  }
0x4a6: {  	v28 =	vmov s5  }
0x4a7: {  	v28 =	vshll.u32 v28, $0x3;
	vm0 =	veq.s32 v27, $0x0  }
0x4a8: {  	v27 =	vor.u32 v26, v28  }
0x4a9: {  	v28 =	vor.u32 $0x1, v27  }
0x4aa: {  	v29 =	vor.u32 $0x2, v27  }
0x4ab: {  	v30 =	vor.u32 $0x3, v27  }
0x4ac: {  	v31 =	vor.u32 $0x4, v27  }
0x4ad: {  	v32 =	vor.u32 $0x5, v27;
	[tilespmem:v27+s11+$0x0] =	vst.idx.msk vm0, v25  }
0x4ae: {  	[tilespmem:v28+s11+$0x0] =	vst.idx.msk vm0, v25;
	v28 =	vor.u32 $0x6, v27  }
.Ltmp95:
0x4af: {  	v27 =	vor.u32 $0x7, v27;
	[tilespmem:v29+s11+$0x0] =	vst.idx.msk vm0, v25;
	(pc) =	sbr.rel @p0 .LBB2_162-.Ltmp95, $4  }
0x4b0: {  	[tilespmem:v30+s11+$0x0] =	vst.idx.msk vm0, v25  }
0x4b1: {  	[tilespmem:v31+s11+$0x0] =	vst.idx.msk vm0, v25  }
0x4b2: {  	[tilespmem:v32+s11+$0x0] =	vst.idx.msk vm0, v25  }
0x4b3: {  	[tilespmem:v28+s11+$0x0] =	vst.idx.msk vm0, v25  }
0x4b4: {  	_ =	sdelay $0x4  }
0x4b5: {  	[tilespmem:v27+s11+$0x0] =	vst.idx.msk vm0, v25  }
.LBB2_164:
0x4b6: {  	s2 =	rddreg [dreg:$0x17]  }
0x4b7: {  	[hbm4b:s2+s6] =	stream.strided.scatter [tilespmem:s11], [sflag:$0x3], $0x1000, s8, s6, $0x38;
	[tilespmem:$0xE000] =	vst v63  }
0x4b8: {  	_ =	swait.ge [sflag:s26], $0x1000  }
0x4b9: {  	[sflag:s26] =	ssyncset.done $0x0  }
0x4ba: {  	[sflag:s26] =	ssyncadd.s32 $0xFFFFF000  }
0x4bb: {  	_ =	swait.ge [sflag:s1], $0x1000  }
0x4bc: {  	s25 =	rddreg [dreg:$0x1b]  }
0x4bd: {  	p0 =	slt.u32 s25, $0x80000001  }
.Ltmp96:
0x4be: {  	_ = 	snop;
	(pc) =	sbr.rel @p0 .LBB2_168-.Ltmp96, $4  }
0x4bf: {  	_ = 	snop  }
0x4c0: {  	[sflag:s1] =	ssyncset.done $0x0  }
0x4c1: {  	s24 =	simm.s32 $0x3E00;
	[sflag:s1] =	ssyncadd.s32 $0xFFFFF000  }
0x4c2: {  	[tilespmem:s11], [sflag:$0x2] =	stream.indirect.gather [hbm4b:s15+s30], $0x8, s24, s30, $0xb8;
	[tilespmem:$0xE000] =	vst v63  }
0x4c3: {  	s2 =	simm.s32 $0x3C00  }
0x4c4: {  	v27 =	vld [tilespmem:s2+$0x0];
	_ =	sdelay $0x2  }
0x4c5: {  	s4 =	simm.s32 $0x0  }
0x4c6: {  	v26 =	vmul.u32 $0x8, v0;
	v28 =	vmov s4  }
0x4c7: {  	v28 =	vshll.u32 v28, $0x3;
	vm0 =	veq.s32 v27, $0x3E8  }
0x4c8: {  	v27 =	vor.u32 v26, v28  }
0x4c9: {  	v28 =	vor.u32 $0x1, v27  }
0x4ca: {  	v29 =	vor.u32 $0x2, v27  }
0x4cb: {  	v30 =	vor.u32 $0x3, v27  }
0x4cc: {  	v31 =	vor.u32 $0x4, v27  }
0x4cd: {  	v32 =	vor.u32 $0x5, v27;
	[tilespmem:v27+s10+$0x0] =	vst.idx.msk vm0, v25  }
0x4ce: {  	[tilespmem:v28+s10+$0x0] =	vst.idx.msk vm0, v25;
	v28 =	vor.u32 $0x6, v27  }
0x4cf: {  	[tilespmem:v29+s10+$0x0] =	vst.idx.msk vm0, v25  }
0x4d0: {  	v27 =	vor.u32 $0x7, v27;
	[tilespmem:v30+s10+$0x0] =	vst.idx.msk vm0, v25  }
0x4d1: {  	[tilespmem:v31+s10+$0x0] =	vst.idx.msk vm0, v25  }
0x4d2: {  	[tilespmem:v32+s10+$0x0] =	vst.idx.msk vm0, v25  }
0x4d3: {  	s4 =	simm.s32 $0x10;
	[tilespmem:v28+s10+$0x0] =	vst.idx.msk vm0, v25  }
.LBB2_166:
0x4d4: {  	p0 =	sne.s32 s4, $0x1F0  }
0x4d5: {  	[tilespmem:v27+s10+$0x0] =	vst.idx.msk vm0, v25;
	s2 =	sadd.s32 $0x10, s2;
	s5 =	smov.u32 s4;
	s4 =	sadd.s32 $0x10, s4  }
0x4d6: {  	v27 =	vld [tilespmem:s2+$0x0];
	_ =	sdelay $0x3  }
0x4d7: {  	v28 =	vmov s5  }
0x4d8: {  	v28 =	vshll.u32 v28, $0x3;
	vm0 =	veq.s32 v27, $0x3E8  }
0x4d9: {  	v27 =	vor.u32 v26, v28  }
0x4da: {  	v28 =	vor.u32 $0x1, v27  }
0x4db: {  	v29 =	vor.u32 $0x2, v27  }
0x4dc: {  	v30 =	vor.u32 $0x3, v27  }
0x4dd: {  	v31 =	vor.u32 $0x4, v27  }
0x4de: {  	v32 =	vor.u32 $0x5, v27;
	[tilespmem:v27+s10+$0x0] =	vst.idx.msk vm0, v25  }
0x4df: {  	[tilespmem:v28+s10+$0x0] =	vst.idx.msk vm0, v25;
	v28 =	vor.u32 $0x6, v27  }
.Ltmp97:
0x4e0: {  	v27 =	vor.u32 $0x7, v27;
	[tilespmem:v29+s10+$0x0] =	vst.idx.msk vm0, v25;
	(pc) =	sbr.rel @p0 .LBB2_166-.Ltmp97, $4  }
0x4e1: {  	[tilespmem:v30+s10+$0x0] =	vst.idx.msk vm0, v25  }
0x4e2: {  	[tilespmem:v31+s10+$0x0] =	vst.idx.msk vm0, v25  }
0x4e3: {  	[tilespmem:v32+s10+$0x0] =	vst.idx.msk vm0, v25  }
0x4e4: {  	[tilespmem:v28+s10+$0x0] =	vst.idx.msk vm0, v25  }
0x4e5: {  	_ =	sdelay $0x4  }
0x4e6: {  	[tilespmem:v27+s10+$0x0] =	vst.idx.msk vm0, v25  }
.LBB2_168:
0x4e7: {  	s2 =	rddreg [dreg:$0x18]  }
0x4e8: {  	[hbm4b:s2+s6] =	stream.strided.scatter [tilespmem:s10], [sflag:$0x3], $0x1000, s8, s6, $0x38;
	[tilespmem:$0xE000] =	vst v63  }
0x4e9: {  	p0 =	slt.u32 s14, $0x80000001;
	_ =	swait.ge [sflag:s26], $0x1000  }
.Ltmp98:
0x4ea: {  	[sflag:s26] =	ssyncset.done $0x0;
	(pc) =	sbr.rel @p0 .LBB2_172-.Ltmp98, $4  }
0x4eb: {  	[sflag:s26] =	ssyncadd.s32 $0xFFFFF000  }
0x4ec: {  	_ =	swait.ge [sflag:s9], $0x1000  }
0x4ed: {  	[sflag:s9] =	ssyncset.done $0x0  }
0x4ee: {  	[sflag:s9] =	ssyncadd.s32 $0xFFFFF000  }
0x4ef: {  	s2 =	simm.s32 $0x3E00  }
0x4f0: {  	v27 =	vld [tilespmem:s2+$0x0];
	_ =	sdelay $0x2  }
0x4f1: {  	s4 =	simm.s32 $0x0  }
0x4f2: {  	v26 =	vmul.u32 $0x8, v0;
	v28 =	vmov s4  }
0x4f3: {  	v28 =	vshll.u32 v28, $0x3;
	vm0 =	veq.s32 v27, $0x7D0  }
0x4f4: {  	v27 =	vor.u32 v26, v28  }
0x4f5: {  	v28 =	vor.u32 $0x1, v27  }
0x4f6: {  	v29 =	vor.u32 $0x2, v27  }
0x4f7: {  	v30 =	vor.u32 $0x3, v27  }
0x4f8: {  	v31 =	vor.u32 $0x4, v27  }
0x4f9: {  	v32 =	vor.u32 $0x5, v27;
	[tilespmem:v27+s11+$0x0] =	vst.idx.msk vm0, v25  }
0x4fa: {  	[tilespmem:v28+s11+$0x0] =	vst.idx.msk vm0, v25;
	v28 =	vor.u32 $0x6, v27  }
0x4fb: {  	[tilespmem:v29+s11+$0x0] =	vst.idx.msk vm0, v25  }
0x4fc: {  	v27 =	vor.u32 $0x7, v27;
	[tilespmem:v30+s11+$0x0] =	vst.idx.msk vm0, v25  }
0x4fd: {  	[tilespmem:v31+s11+$0x0] =	vst.idx.msk vm0, v25  }
0x4fe: {  	[tilespmem:v32+s11+$0x0] =	vst.idx.msk vm0, v25  }
0x4ff: {  	s4 =	simm.s32 $0x10;
	[tilespmem:v28+s11+$0x0] =	vst.idx.msk vm0, v25  }
.LBB2_170:
0x500: {  	p0 =	sne.s32 s4, $0x1F0  }
0x501: {  	[tilespmem:v27+s11+$0x0] =	vst.idx.msk vm0, v25;
	s2 =	sadd.s32 $0x10, s2;
	s5 =	smov.u32 s4;
	s4 =	sadd.s32 $0x10, s4  }
0x502: {  	v27 =	vld [tilespmem:s2+$0x0];
	_ =	sdelay $0x3  }
0x503: {  	v28 =	vmov s5  }
0x504: {  	v28 =	vshll.u32 v28, $0x3;
	vm0 =	veq.s32 v27, $0x7D0  }
0x505: {  	v27 =	vor.u32 v26, v28  }
0x506: {  	v28 =	vor.u32 $0x1, v27  }
0x507: {  	v29 =	vor.u32 $0x2, v27  }
0x508: {  	v30 =	vor.u32 $0x3, v27  }
0x509: {  	v31 =	vor.u32 $0x4, v27  }
0x50a: {  	v32 =	vor.u32 $0x5, v27;
	[tilespmem:v27+s11+$0x0] =	vst.idx.msk vm0, v25  }
0x50b: {  	[tilespmem:v28+s11+$0x0] =	vst.idx.msk vm0, v25;
	v28 =	vor.u32 $0x6, v27  }
.Ltmp99:
0x50c: {  	v27 =	vor.u32 $0x7, v27;
	[tilespmem:v29+s11+$0x0] =	vst.idx.msk vm0, v25;
	(pc) =	sbr.rel @p0 .LBB2_170-.Ltmp99, $4  }
0x50d: {  	[tilespmem:v30+s11+$0x0] =	vst.idx.msk vm0, v25  }
0x50e: {  	[tilespmem:v31+s11+$0x0] =	vst.idx.msk vm0, v25  }
0x50f: {  	[tilespmem:v32+s11+$0x0] =	vst.idx.msk vm0, v25  }
0x510: {  	[tilespmem:v28+s11+$0x0] =	vst.idx.msk vm0, v25  }
0x511: {  	_ = 	snop  }
.Ltmp100:
0x512: {  	_ = 	snop;
	(pc) =	sbr.rel .LBB2_172-.Ltmp100, $2  }
0x513: {  	_ =	sdelay $0x2  }
0x514: {  	[tilespmem:v27+s11+$0x0] =	vst.idx.msk vm0, v25  }
.LBB2_4:
.Ltmp101:
0x515: {  	(pc) =	sbr.rel .LBB2_13-.Ltmp101, $2  }
0x516: {  	_ =	sdelay $0x2  }
0x517: {  	s16 =	simm.s32 $0x0;
	s2 =	simm.s32 $0x2200;
	v29 =	vimm.s32 $0x0;
	p4 =	por $0x0, $0x0  }
.LBB2_14:
.Ltmp102:
0x518: {  	(pc) =	sbr.rel .LBB2_22-.Ltmp102, $3  }
0x519: {  	_ =	sdelay $0x1  }
0x51a: {  	s14 =	simm.s32 $0x0  }
0x51b: {  	s2 =	simm.s32 $0x2400;
	v30 =	vimm.s32 $0x0;
	p1 =	por $0x0, $0x0;
	p2 =	por $0x0, $0x0  }
.LBB2_23:
.Ltmp103:
0x51c: {  	(pc) =	sbr.rel .LBB2_32-.Ltmp103, $2  }
0x51d: {  	_ =	sdelay $0x2  }
0x51e: {  	s16 =	simm.s32 $0x0;
	s2 =	simm.s32 $0x2600;
	v31 =	vimm.s32 $0x0;
	p4 =	por $0x0, $0x0  }
.LBB2_33:
.Ltmp104:
0x51f: {  	(pc) =	sbr.rel .LBB2_41-.Ltmp104, $3  }
0x520: {  	_ =	sdelay $0x1  }
0x521: {  	s14 =	simm.s32 $0x0  }
0x522: {  	s2 =	simm.s32 $0x2800;
	v32 =	vimm.s32 $0x0;
	p1 =	por $0x0, $0x0;
	p2 =	por $0x0, $0x0  }
.LBB2_42:
.Ltmp105:
0x523: {  	(pc) =	sbr.rel .LBB2_51-.Ltmp105, $2  }
0x524: {  	_ =	sdelay $0x2  }
0x525: {  	s16 =	simm.s32 $0x0;
	s2 =	simm.s32 $0x2A00;
	v33 =	vimm.s32 $0x0;
	p4 =	por $0x0, $0x0  }
.LBB2_52:
.Ltmp106:
0x526: {  	(pc) =	sbr.rel .LBB2_60-.Ltmp106, $3  }
0x527: {  	_ =	sdelay $0x1  }
0x528: {  	s14 =	simm.s32 $0x0  }
0x529: {  	s2 =	simm.s32 $0x2C00;
	v34 =	vimm.s32 $0x0;
	p1 =	por $0x0, $0x0;
	p2 =	por $0x0, $0x0  }
.LBB2_61:
.Ltmp107:
0x52a: {  	(pc) =	sbr.rel .LBB2_70-.Ltmp107, $2  }
0x52b: {  	_ =	sdelay $0x2  }
0x52c: {  	s16 =	simm.s32 $0x0;
	s2 =	simm.s32 $0x2E00;
	v35 =	vimm.s32 $0x0;
	p4 =	por $0x0, $0x0  }
.LBB2_71:
.Ltmp108:
0x52d: {  	(pc) =	sbr.rel .LBB2_79-.Ltmp108, $3  }
0x52e: {  	_ =	sdelay $0x1  }
0x52f: {  	s14 =	simm.s32 $0x0  }
0x530: {  	s2 =	simm.s32 $0x3000;
	v36 =	vimm.s32 $0x0;
	p1 =	por $0x0, $0x0;
	p2 =	por $0x0, $0x0  }
.LBB2_80:
.Ltmp109:
0x531: {  	(pc) =	sbr.rel .LBB2_89-.Ltmp109, $2  }
0x532: {  	_ =	sdelay $0x2  }
0x533: {  	s16 =	simm.s32 $0x0;
	s2 =	simm.s32 $0x3200;
	v37 =	vimm.s32 $0x0;
	p4 =	por $0x0, $0x0  }
.LBB2_90:
.Ltmp110:
0x534: {  	(pc) =	sbr.rel .LBB2_98-.Ltmp110, $3  }
0x535: {  	_ =	sdelay $0x1  }
0x536: {  	s14 =	simm.s32 $0x0  }
0x537: {  	v36 =	vimm.s32 $0x0;
	s2 =	simm.s32 $0x3400;
	p1 =	por $0x0, $0x0;
	p2 =	por $0x0, $0x0  }
.LBB2_6:
.Ltmp111:
0x538: {  	(pc) =	sbr.rel .LBB2_13-.Ltmp111, $2  }
0x539: {  	_ =	sdelay $0x2  }
0x53a: {  	s16 =	simm.s32 $0x10;
	s2 =	simm.s32 $0x2200;
	v29 =	vimm.s32 $0x0;
	p4 =	por $0x0, $0x0  }
.LBB2_16:
.Ltmp112:
0x53b: {  	(pc) =	sbr.rel .LBB2_22-.Ltmp112, $2  }
0x53c: {  	_ =	sdelay $0x2  }
0x53d: {  	s2 =	simm.s32 $0x2400;
	v30 =	vimm.s32 $0x0;
	p2 =	por $0x0, $0x0  }
.LBB2_25:
.Ltmp113:
0x53e: {  	(pc) =	sbr.rel .LBB2_32-.Ltmp113, $2  }
0x53f: {  	_ =	sdelay $0x2  }
0x540: {  	s16 =	simm.s32 $0x10;
	s2 =	simm.s32 $0x2600;
	v31 =	vimm.s32 $0x0;
	p4 =	por $0x0, $0x0  }
.LBB2_35:
.Ltmp114:
0x541: {  	(pc) =	sbr.rel .LBB2_41-.Ltmp114, $2  }
0x542: {  	_ =	sdelay $0x2  }
0x543: {  	s2 =	simm.s32 $0x2800;
	v32 =	vimm.s32 $0x0;
	p2 =	por $0x0, $0x0  }
.LBB2_44:
.Ltmp115:
0x544: {  	(pc) =	sbr.rel .LBB2_51-.Ltmp115, $2  }
0x545: {  	_ =	sdelay $0x2  }
0x546: {  	s16 =	simm.s32 $0x10;
	s2 =	simm.s32 $0x2A00;
	v33 =	vimm.s32 $0x0;
	p4 =	por $0x0, $0x0  }
.LBB2_54:
.Ltmp116:
0x547: {  	(pc) =	sbr.rel .LBB2_60-.Ltmp116, $2  }
0x548: {  	_ =	sdelay $0x2  }
0x549: {  	s2 =	simm.s32 $0x2C00;
	v34 =	vimm.s32 $0x0;
	p2 =	por $0x0, $0x0  }
.LBB2_63:
.Ltmp117:
0x54a: {  	(pc) =	sbr.rel .LBB2_70-.Ltmp117, $2  }
0x54b: {  	_ =	sdelay $0x2  }
0x54c: {  	s16 =	simm.s32 $0x10;
	s2 =	simm.s32 $0x2E00;
	v35 =	vimm.s32 $0x0;
	p4 =	por $0x0, $0x0  }
.LBB2_73:
.Ltmp118:
0x54d: {  	(pc) =	sbr.rel .LBB2_79-.Ltmp118, $2  }
0x54e: {  	_ =	sdelay $0x2  }
0x54f: {  	s2 =	simm.s32 $0x3000;
	v36 =	vimm.s32 $0x0;
	p2 =	por $0x0, $0x0  }
.LBB2_82:
.Ltmp119:
0x550: {  	(pc) =	sbr.rel .LBB2_89-.Ltmp119, $2  }
0x551: {  	_ =	sdelay $0x2  }
0x552: {  	s16 =	simm.s32 $0x10;
	s2 =	simm.s32 $0x3200;
	v37 =	vimm.s32 $0x0;
	p4 =	por $0x0, $0x0  }
.LBB2_92:
.Ltmp120:
0x553: {  	(pc) =	sbr.rel .LBB2_98-.Ltmp120, $2  }
0x554: {  	_ =	sdelay $0x2  }
0x555: {  	v36 =	vimm.s32 $0x0;
	s2 =	simm.s32 $0x3400;
	p2 =	por $0x0, $0x0  }
.LBB2_8:
.Ltmp121:
0x556: {  	_ = 	snop;
	(pc) =	sbr.rel .LBB2_13-.Ltmp121, $2  }
0x557: {  	_ =	sdelay $0x2  }
0x558: {  	s2 =	simm.s32 $0x2200;
	v29 =	vimm.s32 $0x0;
	p4 =	por $0x0, $0x0;
	v30 =	vmov v28  }
.LBB2_18:
.Ltmp122:
0x559: {  	_ = 	snop;
	(pc) =	sbr.rel .LBB2_22-.Ltmp122, $2  }
0x55a: {  	_ =	sdelay $0x2  }
0x55b: {  	s14 =	simm.s32 $0x20;
	s2 =	simm.s32 $0x2400;
	v30 =	vimm.s32 $0x0;
	v31 =	vmov v28  }
.LBB2_27:
.Ltmp123:
0x55c: {  	_ = 	snop;
	(pc) =	sbr.rel .LBB2_32-.Ltmp123, $2  }
0x55d: {  	_ =	sdelay $0x2  }
0x55e: {  	s2 =	simm.s32 $0x2600;
	v31 =	vimm.s32 $0x0;
	p4 =	por $0x0, $0x0;
	v32 =	vmov v30  }
.LBB2_37:
.Ltmp124:
0x55f: {  	_ = 	snop;
	(pc) =	sbr.rel .LBB2_41-.Ltmp124, $2  }
0x560: {  	_ =	sdelay $0x2  }
0x561: {  	s14 =	simm.s32 $0x20;
	s2 =	simm.s32 $0x2800;
	v32 =	vimm.s32 $0x0;
	v33 =	vmov v30  }
.LBB2_46:
.Ltmp125:
0x562: {  	_ = 	snop;
	(pc) =	sbr.rel .LBB2_51-.Ltmp125, $2  }
0x563: {  	_ =	sdelay $0x2  }
0x564: {  	s2 =	simm.s32 $0x2A00;
	v33 =	vimm.s32 $0x0;
	p4 =	por $0x0, $0x0;
	v34 =	vmov v32  }
.LBB2_56:
.Ltmp126:
0x565: {  	_ = 	snop;
	(pc) =	sbr.rel .LBB2_60-.Ltmp126, $2  }
0x566: {  	_ =	sdelay $0x2  }
0x567: {  	s14 =	simm.s32 $0x20;
	s2 =	simm.s32 $0x2C00;
	v34 =	vimm.s32 $0x0;
	v35 =	vmov v32  }
.LBB2_65:
.Ltmp127:
0x568: {  	_ = 	snop;
	(pc) =	sbr.rel .LBB2_70-.Ltmp127, $2  }
0x569: {  	_ =	sdelay $0x2  }
0x56a: {  	s2 =	simm.s32 $0x2E00;
	v35 =	vimm.s32 $0x0;
	p4 =	por $0x0, $0x0;
	v36 =	vmov v34  }
.LBB2_75:
.Ltmp128:
0x56b: {  	_ = 	snop;
	(pc) =	sbr.rel .LBB2_79-.Ltmp128, $2  }
0x56c: {  	_ =	sdelay $0x2  }
0x56d: {  	s14 =	simm.s32 $0x20;
	s2 =	simm.s32 $0x3000;
	v36 =	vimm.s32 $0x0;
	v37 =	vmov v34  }
.LBB2_84:
.Ltmp129:
0x56e: {  	_ = 	snop;
	(pc) =	sbr.rel .LBB2_89-.Ltmp129, $2  }
0x56f: {  	_ =	sdelay $0x2  }
0x570: {  	s2 =	simm.s32 $0x3200;
	v37 =	vimm.s32 $0x0;
	p4 =	por $0x0, $0x0;
	v38 =	vmov v36  }
.LBB2_94:
.Ltmp130:
0x571: {  	(pc) =	sbr.rel .LBB2_98-.Ltmp130, $2  }
0x572: {  	_ =	sdelay $0x2  }
0x573: {  	v40 =	vmov v38;
	s14 =	simm.s32 $0x20;
	v36 =	vimm.s32 $0x0;
	s2 =	simm.s32 $0x3400  }
.LBB2_10:
.Ltmp131:
0x574: {  	(pc) =	sbr.rel .LBB2_13-.Ltmp131, $2  }
0x575: {  	_ =	sdelay $0x2  }
0x576: {  	s16 =	simm.s32 $0x30;
	s2 =	simm.s32 $0x2200  }
.LBB2_20:
.Ltmp132:
0x577: {  	(pc) =	sbr.rel .LBB2_22-.Ltmp132, $2  }
0x578: {  	_ =	sdelay $0x2  }
0x579: {  	s2 =	simm.s32 $0x2400  }
.LBB2_29:
.Ltmp133:
0x57a: {  	(pc) =	sbr.rel .LBB2_32-.Ltmp133, $2  }
0x57b: {  	_ =	sdelay $0x2  }
0x57c: {  	s16 =	simm.s32 $0x30;
	s2 =	simm.s32 $0x2600  }
.LBB2_39:
.Ltmp134:
0x57d: {  	(pc) =	sbr.rel .LBB2_41-.Ltmp134, $2  }
0x57e: {  	_ =	sdelay $0x2  }
0x57f: {  	s2 =	simm.s32 $0x2800  }
.LBB2_48:
.Ltmp135:
0x580: {  	(pc) =	sbr.rel .LBB2_51-.Ltmp135, $2  }
0x581: {  	_ =	sdelay $0x2  }
0x582: {  	s16 =	simm.s32 $0x30;
	s2 =	simm.s32 $0x2A00  }
.LBB2_58:
.Ltmp136:
0x583: {  	(pc) =	sbr.rel .LBB2_60-.Ltmp136, $2  }
0x584: {  	_ =	sdelay $0x2  }
0x585: {  	s2 =	simm.s32 $0x2C00  }
.LBB2_67:
.Ltmp137:
0x586: {  	(pc) =	sbr.rel .LBB2_70-.Ltmp137, $2  }
0x587: {  	_ =	sdelay $0x2  }
0x588: {  	s16 =	simm.s32 $0x30;
	s2 =	simm.s32 $0x2E00  }
.LBB2_77:
.Ltmp138:
0x589: {  	(pc) =	sbr.rel .LBB2_79-.Ltmp138, $2  }
0x58a: {  	_ =	sdelay $0x2  }
0x58b: {  	s2 =	simm.s32 $0x3000  }
.LBB2_86:
.Ltmp139:
0x58c: {  	(pc) =	sbr.rel .LBB2_89-.Ltmp139, $2  }
0x58d: {  	_ =	sdelay $0x2  }
0x58e: {  	s16 =	simm.s32 $0x30;
	s2 =	simm.s32 $0x3200  }
.LBB2_96:
.Ltmp140:
0x58f: {  	(pc) =	sbr.rel .LBB2_98-.Ltmp140, $2  }
0x590: {  	_ =	sdelay $0x2  }
0x591: {  	v36 =	vimm.s32 $0x0;
	s2 =	simm.s32 $0x3400  }
.LBB2_173:
0x592: {  	_ =	sfence.sel $0x180000  }
0x593: {  	[bflag:$0x0] =	sbarrier.arrive $0xFFFF  }
0x594: {  	_ =	strace $0x90000047  }
0x595: {  	s0 =	stileid.u32;
	[bflag:$0x2] =	sbarrier.arrive $0xFFFF  }
0x596: {  	p0 =	sne.s32 s0, $0x0;
	s0 =	rddreg [dreg:$0x5]  }
0x597: {  	s0 =	sadd.s32 @!p0 $0x100000, s0  }
0x598: {  	[sflag:s0] =	ssyncadd.tile.s32 @!p0 $0x1;
	_ =	shalt  }
.Lfunc_end2:
_tile_overlayer_lowered:
.L_overlay_start_2:
0x599: {  	(tag) =	ssettag $0x2  }
0x59a: {  	s0 =	rddreg [dreg:$0x0];
	s2 =	stileid.u32  }
0x59b: {  	s1 =	rddreg [dreg:$0x1];
	p0 =	sne.s32 s2, $0x0  }
0x59c: {  	s3 =	rddreg [dreg:$0x2];
	[bflag:$0x3] =	sbarrier.arrive $0xFFFF;
	s2 =	simm.s32 @!p0 $0x1C03  }
0x59d: {  	[timem:s3], [sflag:s2] =	dma.local @!p0 [hbm:s0], s1  }
0x59e: {  	s0 =	simm.s32 @!p0 $0x3  }
0x59f: {  	_ =	swait.ge @!p0 [sflag:s0], s1  }
0x5a0: {  	s1 =	ssub.s32 @!p0 $0x0, s1;
	[sflag:s0] =	ssyncset.done @!p0 $0x0  }
0x5a1: {  	[sflag:s0] =	ssyncadd.s32 @!p0 s1  }
0x5a2: {  	[bflag:$0x3] =	sbarrier.arrive $0xFFFF  }
0x5a3: {  	_ =	shalt  }

</sc_bundles>
